<compile_context>
chip_gen: v7x
topology: tpu7x:2x2x1
jax: 0.10.2.dev20260603
libtpu: 0.0.44.dev20260713+nightly
codegen_flags: <defaults>
</compile_context>

<pallas_src>
import jax
import jax.numpy as jnp
from jax import lax
from jax.experimental import pallas as pl
from jax.experimental.pallas import tpu as pltpu
from jax.experimental.pallas import tpu_sc as plsc

B = 16384
MAX_FEATURES = 32
VOCAB = 768
FT_OUT = 128
NC = 2
NS = 16
NW = NC * NS
ROWS_PER_W = B // NW


def _sc_body(vals_hbm, stm_hbm, nstm_hbm, tab_hbm, ftb_hbm, ow_hbm, ob_hbm,
             out_hbm,
             tab_v, ftb_v, ow_v, ob_v, vals_v, stm_v, nstm_v, dot_v, out_v):
    wid = lax.axis_index("s") * NC + lax.axis_index("c")
    base = wid * ROWS_PER_W

    pltpu.sync_copy(tab_hbm, tab_v)
    pltpu.sync_copy(ftb_hbm, ftb_v)
    pltpu.sync_copy(ow_hbm, ow_v)
    pltpu.sync_copy(ob_hbm, ob_v)
    off = base * MAX_FEATURES
    pltpu.sync_copy(vals_hbm.at[pl.ds(off, ROWS_PER_W * MAX_FEATURES)], vals_v)
    pltpu.sync_copy(stm_hbm.at[pl.ds(off, ROWS_PER_W * MAX_FEATURES)], stm_v)
    pltpu.sync_copy(nstm_hbm.at[pl.ds(off, ROWS_PER_W * MAX_FEATURES)], nstm_v)
    ob_s = ob_v[pl.ds(0, 16)][0]

    def group_body(g, _):
        def row_body(rr, _):
            r = g * 16 + rr
            s0 = stm_v[pl.ds(r * 32, 16)]
            s1 = stm_v[pl.ds(r * 32 + 16, 16)]
            n0 = nstm_v[pl.ds(r * 32, 16)]
            n1 = nstm_v[pl.ds(r * 32 + 16, 16)]
            v0 = vals_v[pl.ds(r * 32, 16)]
            v1 = vals_v[pl.ds(r * 32 + 16, 16)]

            acc = tuple(ftb_v[pl.ds(k * 16, 32)] for k in range(4)) * 2
            for f in range(MAX_FEATURES):
                i_s = s0[f] if f < 16 else s1[f - 16]
                i_n = n0[f] if f < 16 else n1[f - 16]
                b_s = (i_s >> 1) * 256 + (i_s & 1) * 64
                b_n = (i_n >> 1) * 256 + (i_n & 1) * 64
                wv = jnp.full((16,), v0[f] if f < 16 else v1[f - 16],
                              jnp.float32)
                w = plsc.pack(wv, wv, format=plsc.PackFormat.INTERLEAVED)
                acc = (
                    tuple(acc[k] + w * tab_v[pl.ds(b_s + k * 16, 32)]
                          for k in range(4))
                    + tuple(acc[4 + k] + w * tab_v[pl.ds(b_n + k * 16, 32)]
                            for k in range(4)))

            dot = jnp.zeros((16,), jnp.float32)
            for k in range(8):
                u = plsc.bitcast(acc[k], jnp.uint32)
                ha = plsc.bitcast(u << 16, jnp.float32)
                hb = plsc.bitcast(u & jnp.uint32(0xFFFF0000), jnp.float32)
                ha = jnp.clip(ha, 0.0, 1.0)
                hb = jnp.clip(hb, 0.0, 1.0)
                dot = dot + ha * ow_v[pl.ds(k * 32, 16)]
                dot = dot + hb * ow_v[pl.ds(k * 32 + 16, 16)]
            dot_v[pl.ds(rr * 16, 16)] = dot
            return 0

        lax.fori_loop(0, 16, row_body, 0)
        col = lax.iota(jnp.int32, 16) * 16
        x = jnp.full((16,), ob_s, jnp.float32)
        for k in range(16):
            x = x + plsc.load_gather(dot_v, [col + k])
        res = 1.0 / (1.0 + jnp.exp(-x))
        out_v[pl.ds(g * 16, 16)] = res
        return 0

    lax.fori_loop(0, ROWS_PER_W // 16, group_body, 0)
    pltpu.sync_copy(out_v, out_hbm.at[pl.ds(base, ROWS_PER_W)])


@jax.jit
def _run(values, stm, nstm, table, ftb, ow, ob):
    mesh = plsc.VectorSubcoreMesh(core_axis_name="c", subcore_axis_name="s")
    f = pl.kernel(
        _sc_body,
        out_type=jax.ShapeDtypeStruct((B,), jnp.float32),
        mesh=mesh,
        scratch_types=[
            pltpu.VMEM((VOCAB * FT_OUT,), jnp.bfloat16),
            pltpu.VMEM((2 * FT_OUT,), jnp.bfloat16),
            pltpu.VMEM((2 * FT_OUT,), jnp.float32),
            pltpu.VMEM((16,), jnp.float32),
            pltpu.VMEM((ROWS_PER_W * MAX_FEATURES,), jnp.float32),
            pltpu.VMEM((ROWS_PER_W * MAX_FEATURES,), jnp.int32),
            pltpu.VMEM((ROWS_PER_W * MAX_FEATURES,), jnp.int32),
            pltpu.VMEM((256,), jnp.float32),
            pltpu.VMEM((ROWS_PER_W,), jnp.float32),
        ],
        compiler_params=pltpu.CompilerParams(needs_layout_passes=False),
    )
    return f(values, stm, nstm, table, ftb, ow, ob)


def kernel(values, stm_indices, nstm_indices, buckets, ft_weight, ft_bias,
           out_weight, out_bias):
    del buckets
    ow = out_weight.reshape(2 * FT_OUT)
    ob = jnp.broadcast_to(out_bias.reshape(1), (16,))
    wt = ft_weight.astype(jnp.bfloat16).reshape(VOCAB // 2, 2, 4, 2, 16)
    tab = wt.transpose(0, 3, 1, 2, 4).reshape(-1)
    fb = ft_bias.astype(jnp.bfloat16).reshape(4, 2, 16)
    z64 = jnp.zeros((4, 16), jnp.bfloat16)
    ftb = jnp.concatenate(
        [fb[:, 0, :], z64, fb[:, 1, :], z64], axis=0).reshape(-1)
    out = _run(values.reshape(-1),
               stm_indices.astype(jnp.int32).reshape(-1),
               nstm_indices.astype(jnp.int32).reshape(-1),
               tab, ftb, ow, ob)
    return out.reshape(B, 1)

# --- scband reference (transcript-rebuilt; emitter-appended) ---
"""Pipeline reference for scband-nn-board768-cuda-29566554865847 (READ-ONLY COPY).

The authoritative reference and input builder live on the scoring server;
editing this copy changes nothing except your own understanding.
"""

import jax, jax.numpy as jnp
import numpy as np

B = 16384
MAX_FEATURES = 32
VOCAB = 768
FT_OUT = 128
BUCKET_COUNT = 1


def setup_inputs(seed: int = 0) -> dict:
    key = jax.random.key(seed)
    ks = jax.random.split(key, 6)
    values = jax.random.uniform(ks[0], (B, MAX_FEATURES), dtype=jnp.float32)
    stm_indices = jax.random.randint(ks[1], (B, MAX_FEATURES), 0, VOCAB, dtype=jnp.int32)
    nstm_indices = jax.random.randint(ks[2], (B, MAX_FEATURES), 0, VOCAB, dtype=jnp.int32)
    buckets = jnp.zeros((B,), dtype=jnp.int32)
    # learned parameters
    ft_weight = jax.random.normal(ks[3], (VOCAB, FT_OUT), dtype=jnp.float32) * 0.02
    ft_bias = jnp.zeros((FT_OUT,), dtype=jnp.float32)
    out_weight = jax.random.normal(ks[4], (2 * FT_OUT, BUCKET_COUNT), dtype=jnp.float32) * 0.02
    out_bias = jnp.zeros((BUCKET_COUNT,), dtype=jnp.float32)
    return {
        'values': values,
        'stm_indices': stm_indices,
        'nstm_indices': nstm_indices,
        'buckets': buckets,
        'ft_weight': ft_weight,
        'ft_bias': ft_bias,
        'out_weight': out_weight,
        'out_bias': out_bias,
    }


def reference(values, stm_indices, nstm_indices, buckets, ft_weight, ft_bias, out_weight, out_bias):
    # DoubleFeatureTransformerSlice: sparse weighted embedding-sum for both perspectives
    v = values.reshape(-1, MAX_FEATURES)
    si = stm_indices.reshape(-1, MAX_FEATURES).astype(jnp.int32)
    ni = nstm_indices.reshape(-1, MAX_FEATURES).astype(jnp.int32)
    stm_emb = jnp.take(ft_weight, si, axis=0)   # [B, F, ft_out] gather
    nstm_emb = jnp.take(ft_weight, ni, axis=0)  # [B, F, ft_out] gather
    stm_ft = jnp.einsum('bf,bfd->bd', v, stm_emb) + ft_bias
    nstm_ft = jnp.einsum('bf,bfd->bd', v, nstm_emb) + ft_bias
    hidden = jnp.clip(jnp.concatenate([stm_ft, nstm_ft], axis=1), 0.0, 1.0)
    n = hidden.shape[0]
    idx_cache = jnp.arange(0, n * BUCKET_COUNT, BUCKET_COUNT, dtype=jnp.int32)
    indices = buckets.reshape(-1) + idx_cache
    l1_out = (hidden @ out_weight + out_bias).reshape(-1, 1)
    sel = jnp.take(l1_out, indices, axis=0)
    return jax.nn.sigmoid(sel)

if __name__ == "__main__":
    import jax
    _d = setup_inputs()
    print(jax.jit(kernel)(*tuple(_d.values())))

</pallas_src>

<mosaic_0001>
#map = affine_map<(d0, d1) -> (0)>
module attributes {stable_mosaic.version = 14 : i64} {
  func.func @_sc_body(%arg0: i32, %arg1: i32, %arg2: memref<524288xf32, #tpu.memory_space<hbm>>, %arg3: memref<524288xi32, #tpu.memory_space<hbm>>, %arg4: memref<524288xi32, #tpu.memory_space<hbm>>, %arg5: memref<98304xbf16, #tpu.memory_space<hbm>>, %arg6: memref<256xbf16, #tpu.memory_space<hbm>>, %arg7: memref<256xf32, #tpu.memory_space<hbm>>, %arg8: memref<16xf32, #tpu.memory_space<hbm>>, %arg9: memref<16384xf32, #tpu.memory_space<hbm>>, %arg10: memref<98304xbf16, #tpu.memory_space<vmem>>, %arg11: memref<256xbf16, #tpu.memory_space<vmem>>, %arg12: memref<256xf32, #tpu.memory_space<vmem>>, %arg13: memref<16xf32, #tpu.memory_space<vmem>>, %arg14: memref<16384xf32, #tpu.memory_space<vmem>>, %arg15: memref<16384xi32, #tpu.memory_space<vmem>>, %arg16: memref<16384xi32, #tpu.memory_space<vmem>>, %arg17: memref<256xf32, #tpu.memory_space<vmem>>, %arg18: memref<512xf32, #tpu.memory_space<vmem>>) attributes {dimension_semantics = [#tpu.dimension_semantics<core_parallel>, #tpu.dimension_semantics<subcore_parallel>], iteration_bounds = array<i64: 2, 16>, scalar_prefetch = 0 : i64, scratch_operands = 9 : i64, tpu.core_type = #tpu.core_type<sc_vector_subcore>, window_params = [{transform_indices = #map}, {transform_indices = #map}, {transform_indices = #map}, {transform_indices = #map}, {transform_indices = #map}, {transform_indices = #map}, {transform_indices = #map}, {transform_indices = #map}]} {
    %mul3A = arith.constant 2 : i32
    %mul3A_0 = arith.muli %arg1, %mul3A : i32
    %add3A = arith.addi %mul3A_0, %arg0 : i32
    %mul3A_1 = arith.constant 512 : i32
    %mul3A_2 = arith.muli %add3A, %mul3A_1 : i32
    "tpu.region"() ({
      %run_scoped3A = tpu.sem_alloc : memref<!tpu.dma_semaphore, #tpu.memory_space<semaphore_mem>>
      tpu.enqueue_dma source(%arg5 : memref<98304xbf16, #tpu.memory_space<hbm>>) target(%arg10 : memref<98304xbf16, #tpu.memory_space<vmem>>) target_semaphore(%run_scoped3A : memref<!tpu.dma_semaphore, #tpu.memory_space<semaphore_mem>>)
      tpu.wait_dma2 semaphore(%run_scoped3A : memref<!tpu.dma_semaphore, #tpu.memory_space<semaphore_mem>>) src(%arg5 : memref<98304xbf16, #tpu.memory_space<hbm>>) dst(%arg10 : memref<98304xbf16, #tpu.memory_space<vmem>>)
      tpu.yield
    }) : () -> ()
    "tpu.region"() ({
      %run_scoped3A = tpu.sem_alloc : memref<!tpu.dma_semaphore, #tpu.memory_space<semaphore_mem>>
      tpu.enqueue_dma source(%arg6 : memref<256xbf16, #tpu.memory_space<hbm>>) target(%arg11 : memref<256xbf16, #tpu.memory_space<vmem>>) target_semaphore(%run_scoped3A : memref<!tpu.dma_semaphore, #tpu.memory_space<semaphore_mem>>)
      tpu.wait_dma2 semaphore(%run_scoped3A : memref<!tpu.dma_semaphore, #tpu.memory_space<semaphore_mem>>) src(%arg6 : memref<256xbf16, #tpu.memory_space<hbm>>) dst(%arg11 : memref<256xbf16, #tpu.memory_space<vmem>>)
      tpu.yield
    }) : () -> ()
    "tpu.region"() ({
      %run_scoped3A = tpu.sem_alloc : memref<!tpu.dma_semaphore, #tpu.memory_space<semaphore_mem>>
      tpu.enqueue_dma source(%arg7 : memref<256xf32, #tpu.memory_space<hbm>>) target(%arg12 : memref<256xf32, #tpu.memory_space<vmem>>) target_semaphore(%run_scoped3A : memref<!tpu.dma_semaphore, #tpu.memory_space<semaphore_mem>>)
      tpu.wait_dma2 semaphore(%run_scoped3A : memref<!tpu.dma_semaphore, #tpu.memory_space<semaphore_mem>>) src(%arg7 : memref<256xf32, #tpu.memory_space<hbm>>) dst(%arg12 : memref<256xf32, #tpu.memory_space<vmem>>)
      tpu.yield
    }) : () -> ()
    "tpu.region"() ({
      %run_scoped3A = tpu.sem_alloc : memref<!tpu.dma_semaphore, #tpu.memory_space<semaphore_mem>>
      tpu.enqueue_dma source(%arg8 : memref<16xf32, #tpu.memory_space<hbm>>) target(%arg13 : memref<16xf32, #tpu.memory_space<vmem>>) target_semaphore(%run_scoped3A : memref<!tpu.dma_semaphore, #tpu.memory_space<semaphore_mem>>)
      tpu.wait_dma2 semaphore(%run_scoped3A : memref<!tpu.dma_semaphore, #tpu.memory_space<semaphore_mem>>) src(%arg8 : memref<16xf32, #tpu.memory_space<hbm>>) dst(%arg13 : memref<16xf32, #tpu.memory_space<vmem>>)
      tpu.yield
    }) : () -> ()
    %mul3A_3 = arith.constant 32 : i32
    %mul3A_4 = arith.muli %mul3A_2, %mul3A_3 : i32
    "tpu.region"() ({
      %run_scoped3A = tpu.sem_alloc : memref<!tpu.dma_semaphore, #tpu.memory_space<semaphore_mem>>
      %dma_start3A = tpu.memref_slice %arg2[%mul3A_4] : memref<524288xf32, #tpu.memory_space<hbm>> -> memref<16384xf32, #tpu.memory_space<hbm>>
      %dma_start3A_12 = tpu.memref_slice %arg2[%mul3A_4] : memref<524288xf32, #tpu.memory_space<hbm>> -> memref<16384xf32, #tpu.memory_space<hbm>>
      tpu.enqueue_dma source(%dma_start3A_12 : memref<16384xf32, #tpu.memory_space<hbm>>) target(%arg14 : memref<16384xf32, #tpu.memory_space<vmem>>) target_semaphore(%run_scoped3A : memref<!tpu.dma_semaphore, #tpu.memory_space<semaphore_mem>>)
      %dma_wait3A = tpu.memref_slice %arg2[%mul3A_4] : memref<524288xf32, #tpu.memory_space<hbm>> -> memref<16384xf32, #tpu.memory_space<hbm>>
      %dma_wait3A_13 = tpu.memref_slice %arg2[%mul3A_4] : memref<524288xf32, #tpu.memory_space<hbm>> -> memref<16384xf32, #tpu.memory_space<hbm>>
      tpu.wait_dma2 semaphore(%run_scoped3A : memref<!tpu.dma_semaphore, #tpu.memory_space<semaphore_mem>>) src(%dma_wait3A_13 : memref<16384xf32, #tpu.memory_space<hbm>>) dst(%arg14 : memref<16384xf32, #tpu.memory_space<vmem>>)
      tpu.yield
    }) : () -> ()
    "tpu.region"() ({
      %run_scoped3A = tpu.sem_alloc : memref<!tpu.dma_semaphore, #tpu.memory_space<semaphore_mem>>
      %dma_start3A = tpu.memref_slice %arg3[%mul3A_4] : memref<524288xi32, #tpu.memory_space<hbm>> -> memref<16384xi32, #tpu.memory_space<hbm>>
      %dma_start3A_12 = tpu.memref_slice %arg3[%mul3A_4] : memref<524288xi32, #tpu.memory_space<hbm>> -> memref<16384xi32, #tpu.memory_space<hbm>>
      tpu.enqueue_dma source(%dma_start3A_12 : memref<16384xi32, #tpu.memory_space<hbm>>) target(%arg15 : memref<16384xi32, #tpu.memory_space<vmem>>) target_semaphore(%run_scoped3A : memref<!tpu.dma_semaphore, #tpu.memory_space<semaphore_mem>>)
      %dma_wait3A = tpu.memref_slice %arg3[%mul3A_4] : memref<524288xi32, #tpu.memory_space<hbm>> -> memref<16384xi32, #tpu.memory_space<hbm>>
      %dma_wait3A_13 = tpu.memref_slice %arg3[%mul3A_4] : memref<524288xi32, #tpu.memory_space<hbm>> -> memref<16384xi32, #tpu.memory_space<hbm>>
      tpu.wait_dma2 semaphore(%run_scoped3A : memref<!tpu.dma_semaphore, #tpu.memory_space<semaphore_mem>>) src(%dma_wait3A_13 : memref<16384xi32, #tpu.memory_space<hbm>>) dst(%arg15 : memref<16384xi32, #tpu.memory_space<vmem>>)
      tpu.yield
    }) : () -> ()
    "tpu.region"() ({
      %run_scoped3A = tpu.sem_alloc : memref<!tpu.dma_semaphore, #tpu.memory_space<semaphore_mem>>
      %dma_start3A = tpu.memref_slice %arg4[%mul3A_4] : memref<524288xi32, #tpu.memory_space<hbm>> -> memref<16384xi32, #tpu.memory_space<hbm>>
      %dma_start3A_12 = tpu.memref_slice %arg4[%mul3A_4] : memref<524288xi32, #tpu.memory_space<hbm>> -> memref<16384xi32, #tpu.memory_space<hbm>>
      tpu.enqueue_dma source(%dma_start3A_12 : memref<16384xi32, #tpu.memory_space<hbm>>) target(%arg16 : memref<16384xi32, #tpu.memory_space<vmem>>) target_semaphore(%run_scoped3A : memref<!tpu.dma_semaphore, #tpu.memory_space<semaphore_mem>>)
      %dma_wait3A = tpu.memref_slice %arg4[%mul3A_4] : memref<524288xi32, #tpu.memory_space<hbm>> -> memref<16384xi32, #tpu.memory_space<hbm>>
      %dma_wait3A_13 = tpu.memref_slice %arg4[%mul3A_4] : memref<524288xi32, #tpu.memory_space<hbm>> -> memref<16384xi32, #tpu.memory_space<hbm>>
      tpu.wait_dma2 semaphore(%run_scoped3A : memref<!tpu.dma_semaphore, #tpu.memory_space<semaphore_mem>>) src(%dma_wait3A_13 : memref<16384xi32, #tpu.memory_space<hbm>>) dst(%arg16 : memref<16384xi32, #tpu.memory_space<vmem>>)
      tpu.yield
    }) : () -> ()
    %get3A = arith.constant 0 : index
    %get3A_5 = tpu.vector_load %arg13[%get3A] {strides = array<i32>} : memref<16xf32, #tpu.memory_space<vmem>>, vector<16xf32>,
    %slice3A = vector.extract_strided_slice %get3A_5 {offsets = [0], sizes = [1], strides = [1]} : vector<16xf32> to vector<1xf32>
    %squeeze3A = vector.extract %slice3A[0] : f32 from vector<1xf32>
    %scan3A = arith.constant 0 : i32
    %scan3A_6 = arith.constant 0 : i32
    %scan3A_7 = arith.constant 32 : i32
    %scan3A_8 = arith.addi %scan3A_6, %scan3A_7 : i32
    %scan3A_9 = arith.constant 1 : i32
    %scan3A_10 = scf.for %scan3A_12 = %scan3A_6 to %scan3A_8 step %scan3A_9 iter_args(%scan3A_13 = %scan3A) -> (i32)  : i32 {
      %scan3A_14 = arith.constant 0 : i32
      %scan3A_15 = arith.constant 0 : i32
      %scan3A_16 = arith.constant 16 : i32
      %scan3A_17 = arith.addi %scan3A_15, %scan3A_16 : i32
      %scan3A_18 = arith.constant 1 : i32
      %scan3A_19 = scf.for %scan3A_114 = %scan3A_15 to %scan3A_17 step %scan3A_18 iter_args(%scan3A_115 = %scan3A_14) -> (i32)  : i32 {
        %mul3A_116 = arith.constant 16 : i32
        %mul3A_117 = arith.muli %scan3A_12, %mul3A_116 : i32
        %add3A_118 = arith.addi %mul3A_117, %scan3A_114 : i32
        %mul3A_119 = arith.constant 32 : i32
        %mul3A_120 = arith.muli %add3A_118, %mul3A_119 : i32
        %get3A_121 = arith.index_cast %mul3A_120 : i32 to index
        %get3A_122 = tpu.vector_load %arg15[%get3A_121] {strides = array<i32>} : memref<16384xi32, #tpu.memory_space<vmem>>, vector<16xi32>,
        %mul3A_123 = arith.constant 32 : i32
        %mul3A_124 = arith.muli %add3A_118, %mul3A_123 : i32
        %add3A_125 = arith.constant 16 : i32
        %add3A_126 = arith.addi %mul3A_124, %add3A_125 : i32
        %get3A_127 = arith.index_cast %add3A_126 : i32 to index
        %get3A_128 = tpu.vector_load %arg15[%get3A_127] {strides = array<i32>} : memref<16384xi32, #tpu.memory_space<vmem>>, vector<16xi32>,
        %mul3A_129 = arith.constant 32 : i32
        %mul3A_130 = arith.muli %add3A_118, %mul3A_129 : i32
        %get3A_131 = arith.index_cast %mul3A_130 : i32 to index
        %get3A_132 = tpu.vector_load %arg16[%get3A_131] {strides = array<i32>} : memref<16384xi32, #tpu.memory_space<vmem>>, vector<16xi32>,
        %mul3A_133 = arith.constant 32 : i32
        %mul3A_134 = arith.muli %add3A_118, %mul3A_133 : i32
        %add3A_135 = arith.constant 16 : i32
        %add3A_136 = arith.addi %mul3A_134, %add3A_135 : i32
        %get3A_137 = arith.index_cast %add3A_136 : i32 to index
        %get3A_138 = tpu.vector_load %arg16[%get3A_137] {strides = array<i32>} : memref<16384xi32, #tpu.memory_space<vmem>>, vector<16xi32>,
        %mul3A_139 = arith.constant 32 : i32
        %mul3A_140 = arith.muli %add3A_118, %mul3A_139 : i32
        %get3A_141 = arith.index_cast %mul3A_140 : i32 to index
        %get3A_142 = tpu.vector_load %arg14[%get3A_141] {strides = array<i32>} : memref<16384xf32, #tpu.memory_space<vmem>>, vector<16xf32>,
        %mul3A_143 = arith.constant 32 : i32
        %mul3A_144 = arith.muli %add3A_118, %mul3A_143 : i32
        %add3A_145 = arith.constant 16 : i32
        %add3A_146 = arith.addi %mul3A_144, %add3A_145 : i32
        %get3A_147 = arith.index_cast %add3A_146 : i32 to index
        %get3A_148 = tpu.vector_load %arg14[%get3A_147] {strides = array<i32>} : memref<16384xf32, #tpu.memory_space<vmem>>, vector<16xf32>,
        %get3A_149 = arith.constant 0 : index
        %get3A_150 = tpu.vector_load %arg11[%get3A_149] {strides = array<i32>} : memref<256xbf16, #tpu.memory_space<vmem>>, vector<32xbf16>,
        %get3A_151 = arith.constant 16 : index
        %get3A_152 = tpu.vector_load %arg11[%get3A_151] {strides = array<i32>} : memref<256xbf16, #tpu.memory_space<vmem>>, vector<32xbf16>,
        %get3A_153 = arith.constant 32 : index
        %get3A_154 = tpu.vector_load %arg11[%get3A_153] {strides = array<i32>} : memref<256xbf16, #tpu.memory_space<vmem>>, vector<32xbf16>,
        %get3A_155 = arith.constant 48 : index
        %get3A_156 = tpu.vector_load %arg11[%get3A_155] {strides = array<i32>} : memref<256xbf16, #tpu.memory_space<vmem>>, vector<32xbf16>,
        %slice3A_157 = vector.extract_strided_slice %get3A_122 {offsets = [0], sizes = [1], strides = [1]} : vector<16xi32> to vector<1xi32>
        %squeeze3A_158 = vector.extract %slice3A_157[0] : i32 from vector<1xi32>
        %slice3A_159 = vector.extract_strided_slice %get3A_132 {offsets = [0], sizes = [1], strides = [1]} : vector<16xi32> to vector<1xi32>
        %squeeze3A_160 = vector.extract %slice3A_159[0] : i32 from vector<1xi32>
        %shift_right_arithmetic3A = arith.constant 1 : i32
        %shift_right_arithmetic3A_161 = arith.shrsi %squeeze3A_158, %shift_right_arithmetic3A : i32
        %mul3A_162 = arith.constant 256 : i32
        %mul3A_163 = arith.muli %shift_right_arithmetic3A_161, %mul3A_162 : i32
        %and3A = arith.constant 1 : i32
        %and3A_164 = arith.andi %squeeze3A_158, %and3A : i32
        %mul3A_165 = arith.constant 64 : i32
        %mul3A_166 = arith.muli %and3A_164, %mul3A_165 : i32
        %add3A_167 = arith.addi %mul3A_163, %mul3A_166 : i32
        %shift_right_arithmetic3A_168 = arith.constant 1 : i32
        %shift_right_arithmetic3A_169 = arith.shrsi %squeeze3A_160, %shift_right_arithmetic3A_168 : i32
        %mul3A_170 = arith.constant 256 : i32
        %mul3A_171 = arith.muli %shift_right_arithmetic3A_169, %mul3A_170 : i32
        %and3A_172 = arith.constant 1 : i32
        %and3A_173 = arith.andi %squeeze3A_160, %and3A_172 : i32
        %mul3A_174 = arith.constant 64 : i32
        %mul3A_175 = arith.muli %and3A_173, %mul3A_174 : i32
        %add3A_176 = arith.addi %mul3A_171, %mul3A_175 : i32
        %slice3A_177 = vector.extract_strided_slice %get3A_142 {offsets = [0], sizes = [1], strides = [1]} : vector<16xf32> to vector<1xf32>
        %squeeze3A_178 = vector.extract %slice3A_177[0] : f32 from vector<1xf32>
        %broadcast_in_dim3A_179 = vector.broadcast %squeeze3A_178 : f32 to vector<16xf32>
        %pack3A = tpu.pack_subelements %broadcast_in_dim3A_179, %broadcast_in_dim3A_179 {pack_format = #tpu.pack_format<interleaved>, positions = array<i32: 0, 1>} : vector<16xf32>, vector<16xf32> -> vector<32xbf16>
        %add3A_180 = arith.constant 0 : i32
        %add3A_181 = arith.addi %add3A_167, %add3A_180 : i32
        %get3A_182 = arith.index_cast %add3A_181 : i32 to index
        %get3A_183 = tpu.vector_load %arg10[%get3A_182] {strides = array<i32>} : memref<98304xbf16, #tpu.memory_space<vmem>>, vector<32xbf16>,
        %mul3A_184 = arith.mulf %pack3A, %get3A_183 : vector<32xbf16>
        %add3A_185 = arith.addf %get3A_150, %mul3A_184 : vector<32xbf16>
        %add3A_186 = arith.constant 16 : i32
        %add3A_187 = arith.addi %add3A_167, %add3A_186 : i32
        %get3A_188 = arith.index_cast %add3A_187 : i32 to index
        %get3A_189 = tpu.vector_load %arg10[%get3A_188] {strides = array<i32>} : memref<98304xbf16, #tpu.memory_space<vmem>>, vector<32xbf16>,
        %mul3A_190 = arith.mulf %pack3A, %get3A_189 : vector<32xbf16>
        %add3A_191 = arith.addf %get3A_152, %mul3A_190 : vector<32xbf16>
        %add3A_192 = arith.constant 32 : i32
        %add3A_193 = arith.addi %add3A_167, %add3A_192 : i32
        %get3A_194 = arith.index_cast %add3A_193 : i32 to index
        %get3A_195 = tpu.vector_load %arg10[%get3A_194] {strides = array<i32>} : memref<98304xbf16, #tpu.memory_space<vmem>>, vector<32xbf16>,
        %mul3A_196 = arith.mulf %pack3A, %get3A_195 : vector<32xbf16>
        %add3A_197 = arith.addf %get3A_154, %mul3A_196 : vector<32xbf16>
        %add3A_198 = arith.constant 48 : i32
        %add3A_199 = arith.addi %add3A_167, %add3A_198 : i32
        %get3A_200 = arith.index_cast %add3A_199 : i32 to index
        %get3A_201 = tpu.vector_load %arg10[%get3A_200] {strides = array<i32>} : memref<98304xbf16, #tpu.memory_space<vmem>>, vector<32xbf16>,
        %mul3A_202 = arith.mulf %pack3A, %get3A_201 : vector<32xbf16>
        %add3A_203 = arith.addf %get3A_156, %mul3A_202 : vector<32xbf16>
        %add3A_204 = arith.constant 0 : i32
        %add3A_205 = arith.addi %add3A_176, %add3A_204 : i32
        %get3A_206 = arith.index_cast %add3A_205 : i32 to index
        %get3A_207 = tpu.vector_load %arg10[%get3A_206] {strides = array<i32>} : memref<98304xbf16, #tpu.memory_space<vmem>>, vector<32xbf16>,
        %mul3A_208 = arith.mulf %pack3A, %get3A_207 : vector<32xbf16>
        %add3A_209 = arith.addf %get3A_150, %mul3A_208 : vector<32xbf16>
        %add3A_210 = arith.constant 16 : i32
        %add3A_211 = arith.addi %add3A_176, %add3A_210 : i32
        %get3A_212 = arith.index_cast %add3A_211 : i32 to index
        %get3A_213 = tpu.vector_load %arg10[%get3A_212] {strides = array<i32>} : memref<98304xbf16, #tpu.memory_space<vmem>>, vector<32xbf16>,
        %mul3A_214 = arith.mulf %pack3A, %get3A_213 : vector<32xbf16>
        %add3A_215 = arith.addf %get3A_152, %mul3A_214 : vector<32xbf16>
        %add3A_216 = arith.constant 32 : i32
        %add3A_217 = arith.addi %add3A_176, %add3A_216 : i32
        %get3A_218 = arith.index_cast %add3A_217 : i32 to index
        %get3A_219 = tpu.vector_load %arg10[%get3A_218] {strides = array<i32>} : memref<98304xbf16, #tpu.memory_space<vmem>>, vector<32xbf16>,
        %mul3A_220 = arith.mulf %pack3A, %get3A_219 : vector<32xbf16>
        %add3A_221 = arith.addf %get3A_154, %mul3A_220 : vector<32xbf16>
        %add3A_222 = arith.constant 48 : i32
        %add3A_223 = arith.addi %add3A_176, %add3A_222 : i32
        %get3A_224 = arith.index_cast %add3A_223 : i32 to index
        %get3A_225 = tpu.vector_load %arg10[%get3A_224] {strides = array<i32>} : memref<98304xbf16, #tpu.memory_space<vmem>>, vector<32xbf16>,
        %mul3A_226 = arith.mulf %pack3A, %get3A_225 : vector<32xbf16>
        %add3A_227 = arith.addf %get3A_156, %mul3A_226 : vector<32xbf16>
        %slice3A_228 = vector.extract_strided_slice %get3A_122 {offsets = [1], sizes = [1], strides = [1]} : vector<16xi32> to vector<1xi32>
        %squeeze3A_229 = vector.extract %slice3A_228[0] : i32 from vector<1xi32>
        %slice3A_230 = vector.extract_strided_slice %get3A_132 {offsets = [1], sizes = [1], strides = [1]} : vector<16xi32> to vector<1xi32>
        %squeeze3A_231 = vector.extract %slice3A_230[0] : i32 from vector<1xi32>
        %shift_right_arithmetic3A_232 = arith.constant 1 : i32
        %shift_right_arithmetic3A_233 = arith.shrsi %squeeze3A_229, %shift_right_arithmetic3A_232 : i32
        %mul3A_234 = arith.constant 256 : i32
        %mul3A_235 = arith.muli %shift_right_arithmetic3A_233, %mul3A_234 : i32
        %and3A_236 = arith.constant 1 : i32
        %and3A_237 = arith.andi %squeeze3A_229, %and3A_236 : i32
        %mul3A_238 = arith.constant 64 : i32
        %mul3A_239 = arith.muli %and3A_237, %mul3A_238 : i32
        %add3A_240 = arith.addi %mul3A_235, %mul3A_239 : i32
        %shift_right_arithmetic3A_241 = arith.constant 1 : i32
        %shift_right_arithmetic3A_242 = arith.shrsi %squeeze3A_231, %shift_right_arithmetic3A_241 : i32
        %mul3A_243 = arith.constant 256 : i32
        %mul3A_244 = arith.muli %shift_right_arithmetic3A_242, %mul3A_243 : i32
        %and3A_245 = arith.constant 1 : i32
        %and3A_246 = arith.andi %squeeze3A_231, %and3A_245 : i32
        %mul3A_247 = arith.constant 64 : i32
        %mul3A_248 = arith.muli %and3A_246, %mul3A_247 : i32
        %add3A_249 = arith.addi %mul3A_244, %mul3A_248 : i32
        %slice3A_250 = vector.extract_strided_slice %get3A_142 {offsets = [1], sizes = [1], strides = [1]} : vector<16xf32> to vector<1xf32>
        %squeeze3A_251 = vector.extract %slice3A_250[0] : f32 from vector<1xf32>
        %broadcast_in_dim3A_252 = vector.broadcast %squeeze3A_251 : f32 to vector<16xf32>
        %pack3A_253 = tpu.pack_subelements %broadcast_in_dim3A_252, %broadcast_in_dim3A_252 {pack_format = #tpu.pack_format<interleaved>, positions = array<i32: 0, 1>} : vector<16xf32>, vector<16xf32> -> vector<32xbf16>
        %add3A_254 = arith.constant 0 : i32
        %add3A_255 = arith.addi %add3A_240, %add3A_254 : i32
        %get3A_256 = arith.index_cast %add3A_255 : i32 to index
        %get3A_257 = tpu.vector_load %arg10[%get3A_256] {strides = array<i32>} : memref<98304xbf16, #tpu.memory_space<vmem>>, vector<32xbf16>,
        %mul3A_258 = arith.mulf %pack3A_253, %get3A_257 : vector<32xbf16>
        %add3A_259 = arith.addf %add3A_185, %mul3A_258 : vector<32xbf16>
        %add3A_260 = arith.constant 16 : i32
        %add3A_261 = arith.addi %add3A_240, %add3A_260 : i32
        %get3A_262 = arith.index_cast %add3A_261 : i32 to index
        %get3A_263 = tpu.vector_load %arg10[%get3A_262] {strides = array<i32>} : memref<98304xbf16, #tpu.memory_space<vmem>>, vector<32xbf16>,
        %mul3A_264 = arith.mulf %pack3A_253, %get3A_263 : vector<32xbf16>
        %add3A_265 = arith.addf %add3A_191, %mul3A_264 : vector<32xbf16>
        %add3A_266 = arith.constant 32 : i32
        %add3A_267 = arith.addi %add3A_240, %add3A_266 : i32
        %get3A_268 = arith.index_cast %add3A_267 : i32 to index
        %get3A_269 = tpu.vector_load %arg10[%get3A_268] {strides = array<i32>} : memref<98304xbf16, #tpu.memory_space<vmem>>, vector<32xbf16>,
        %mul3A_270 = arith.mulf %pack3A_253, %get3A_269 : vector<32xbf16>
        %add3A_271 = arith.addf %add3A_197, %mul3A_270 : vector<32xbf16>
        %add3A_272 = arith.constant 48 : i32
        %add3A_273 = arith.addi %add3A_240, %add3A_272 : i32
        %get3A_274 = arith.index_cast %add3A_273 : i32 to index
        %get3A_275 = tpu.vector_load %arg10[%get3A_274] {strides = array<i32>} : memref<98304xbf16, #tpu.memory_space<vmem>>, vector<32xbf16>,
        %mul3A_276 = arith.mulf %pack3A_253, %get3A_275 : vector<32xbf16>
        %add3A_277 = arith.addf %add3A_203, %mul3A_276 : vector<32xbf16>
        %add3A_278 = arith.constant 0 : i32
        %add3A_279 = arith.addi %add3A_249, %add3A_278 : i32
        %get3A_280 = arith.index_cast %add3A_279 : i32 to index
        %get3A_281 = tpu.vector_load %arg10[%get3A_280] {strides = array<i32>} : memref<98304xbf16, #tpu.memory_space<vmem>>, vector<32xbf16>,
        %mul3A_282 = arith.mulf %pack3A_253, %get3A_281 : vector<32xbf16>
        %add3A_283 = arith.addf %add3A_209, %mul3A_282 : vector<32xbf16>
        %add3A_284 = arith.constant 16 : i32
        %add3A_285 = arith.addi %add3A_249, %add3A_284 : i32
        %get3A_286 = arith.index_cast %add3A_285 : i32 to index
        %get3A_287 = tpu.vector_load %arg10[%get3A_286] {strides = array<i32>} : memref<98304xbf16, #tpu.memory_space<vmem>>, vector<32xbf16>,
        %mul3A_288 = arith.mulf %pack3A_253, %get3A_287 : vector<32xbf16>
        %add3A_289 = arith.addf %add3A_215, %mul3A_288 : vector<32xbf16>
        %add3A_290 = arith.constant 32 : i32
        %add3A_291 = arith.addi %add3A_249, %add3A_290 : i32
        %get3A_292 = arith.index_cast %add3A_291 : i32 to index
        %get3A_293 = tpu.vector_load %arg10[%get3A_292] {strides = array<i32>} : memref<98304xbf16, #tpu.memory_space<vmem>>, vector<32xbf16>,
        %mul3A_294 = arith.mulf %pack3A_253, %get3A_293 : vector<32xbf16>
        %add3A_295 = arith.addf %add3A_221, %mul3A_294 : vector<32xbf16>
        %add3A_296 = arith.constant 48 : i32
        %add3A_297 = arith.addi %add3A_249, %add3A_296 : i32
        %get3A_298 = arith.index_cast %add3A_297 : i32 to index
        %get3A_299 = tpu.vector_load %arg10[%get3A_298] {strides = array<i32>} : memref<98304xbf16, #tpu.memory_space<vmem>>, vector<32xbf16>,
        %mul3A_300 = arith.mulf %pack3A_253, %get3A_299 : vector<32xbf16>
        %add3A_301 = arith.addf %add3A_227, %mul3A_300 : vector<32xbf16>
        %slice3A_302 = vector.extract_strided_slice %get3A_122 {offsets = [2], sizes = [1], strides = [1]} : vector<16xi32> to vector<1xi32>
        %squeeze3A_303 = vector.extract %slice3A_302[0] : i32 from vector<1xi32>
        %slice3A_304 = vector.extract_strided_slice %get3A_132 {offsets = [2], sizes = [1], strides = [1]} : vector<16xi32> to vector<1xi32>
        %squeeze3A_305 = vector.extract %slice3A_304[0] : i32 from vector<1xi32>
        %shift_right_arithmetic3A_306 = arith.constant 1 : i32
        %shift_right_arithmetic3A_307 = arith.shrsi %squeeze3A_303, %shift_right_arithmetic3A_306 : i32
        %mul3A_308 = arith.constant 256 : i32
        %mul3A_309 = arith.muli %shift_right_arithmetic3A_307, %mul3A_308 : i32
        %and3A_310 = arith.constant 1 : i32
        %and3A_311 = arith.andi %squeeze3A_303, %and3A_310 : i32
        %mul3A_312 = arith.constant 64 : i32
        %mul3A_313 = arith.muli %and3A_311, %mul3A_312 : i32
        %add3A_314 = arith.addi %mul3A_309, %mul3A_313 : i32
        %shift_right_arithmetic3A_315 = arith.constant 1 : i32
        %shift_right_arithmetic3A_316 = arith.shrsi %squeeze3A_305, %shift_right_arithmetic3A_315 : i32
        %mul3A_317 = arith.constant 256 : i32
        %mul3A_318 = arith.muli %shift_right_arithmetic3A_316, %mul3A_317 : i32
        %and3A_319 = arith.constant 1 : i32
        %and3A_320 = arith.andi %squeeze3A_305, %and3A_319 : i32
        %mul3A_321 = arith.constant 64 : i32
        %mul3A_322 = arith.muli %and3A_320, %mul3A_321 : i32
        %add3A_323 = arith.addi %mul3A_318, %mul3A_322 : i32
        %slice3A_324 = vector.extract_strided_slice %get3A_142 {offsets = [2], sizes = [1], strides = [1]} : vector<16xf32> to vector<1xf32>
        %squeeze3A_325 = vector.extract %slice3A_324[0] : f32 from vector<1xf32>
        %broadcast_in_dim3A_326 = vector.broadcast %squeeze3A_325 : f32 to vector<16xf32>
        %pack3A_327 = tpu.pack_subelements %broadcast_in_dim3A_326, %broadcast_in_dim3A_326 {pack_format = #tpu.pack_format<interleaved>, positions = array<i32: 0, 1>} : vector<16xf32>, vector<16xf32> -> vector<32xbf16>
        %add3A_328 = arith.constant 0 : i32
        %add3A_329 = arith.addi %add3A_314, %add3A_328 : i32
        %get3A_330 = arith.index_cast %add3A_329 : i32 to index
        %get3A_331 = tpu.vector_load %arg10[%get3A_330] {strides = array<i32>} : memref<98304xbf16, #tpu.memory_space<vmem>>, vector<32xbf16>,
        %mul3A_332 = arith.mulf %pack3A_327, %get3A_331 : vector<32xbf16>
        %add3A_333 = arith.addf %add3A_259, %mul3A_332 : vector<32xbf16>
        %add3A_334 = arith.constant 16 : i32
        %add3A_335 = arith.addi %add3A_314, %add3A_334 : i32
        %get3A_336 = arith.index_cast %add3A_335 : i32 to index
        %get3A_337 = tpu.vector_load %arg10[%get3A_336] {strides = array<i32>} : memref<98304xbf16, #tpu.memory_space<vmem>>, vector<32xbf16>,
        %mul3A_338 = arith.mulf %pack3A_327, %get3A_337 : vector<32xbf16>
        %add3A_339 = arith.addf %add3A_265, %mul3A_338 : vector<32xbf16>
        %add3A_340 = arith.constant 32 : i32
        %add3A_341 = arith.addi %add3A_314, %add3A_340 : i32
        %get3A_342 = arith.index_cast %add3A_341 : i32 to index
        %get3A_343 = tpu.vector_load %arg10[%get3A_342] {strides = array<i32>} : memref<98304xbf16, #tpu.memory_space<vmem>>, vector<32xbf16>,
        %mul3A_344 = arith.mulf %pack3A_327, %get3A_343 : vector<32xbf16>
        %add3A_345 = arith.addf %add3A_271, %mul3A_344 : vector<32xbf16>
        %add3A_346 = arith.constant 48 : i32
        %add3A_347 = arith.addi %add3A_314, %add3A_346 : i32
        %get3A_348 = arith.index_cast %add3A_347 : i32 to index
        %get3A_349 = tpu.vector_load %arg10[%get3A_348] {strides = array<i32>} : memref<98304xbf16, #tpu.memory_space<vmem>>, vector<32xbf16>,
        %mul3A_350 = arith.mulf %pack3A_327, %get3A_349 : vector<32xbf16>
        %add3A_351 = arith.addf %add3A_277, %mul3A_350 : vector<32xbf16>
        %add3A_352 = arith.constant 0 : i32
        %add3A_353 = arith.addi %add3A_323, %add3A_352 : i32
        %get3A_354 = arith.index_cast %add3A_353 : i32 to index
        %get3A_355 = tpu.vector_load %arg10[%get3A_354] {strides = array<i32>} : memref<98304xbf16, #tpu.memory_space<vmem>>, vector<32xbf16>,
        %mul3A_356 = arith.mulf %pack3A_327, %get3A_355 : vector<32xbf16>
        %add3A_357 = arith.addf %add3A_283, %mul3A_356 : vector<32xbf16>
        %add3A_358 = arith.constant 16 : i32
        %add3A_359 = arith.addi %add3A_323, %add3A_358 : i32
        %get3A_360 = arith.index_cast %add3A_359 : i32 to index
        %get3A_361 = tpu.vector_load %arg10[%get3A_360] {strides = array<i32>} : memref<98304xbf16, #tpu.memory_space<vmem>>, vector<32xbf16>,
        %mul3A_362 = arith.mulf %pack3A_327, %get3A_361 : vector<32xbf16>
        %add3A_363 = arith.addf %add3A_289, %mul3A_362 : vector<32xbf16>
        %add3A_364 = arith.constant 32 : i32
        %add3A_365 = arith.addi %add3A_323, %add3A_364 : i32
        %get3A_366 = arith.index_cast %add3A_365 : i32 to index
        %get3A_367 = tpu.vector_load %arg10[%get3A_366] {strides = array<i32>} : memref<98304xbf16, #tpu.memory_space<vmem>>, vector<32xbf16>,
        %mul3A_368 = arith.mulf %pack3A_327, %get3A_367 : vector<32xbf16>
        %add3A_369 = arith.addf %add3A_295, %mul3A_368 : vector<32xbf16>
        %add3A_370 = arith.constant 48 : i32
        %add3A_371 = arith.addi %add3A_323, %add3A_370 : i32
        %get3A_372 = arith.index_cast %add3A_371 : i32 to index
        %get3A_373 = tpu.vector_load %arg10[%get3A_372] {strides = array<i32>} : memref<98304xbf16, #tpu.memory_space<vmem>>, vector<32xbf16>,
        %mul3A_374 = arith.mulf %pack3A_327, %get3A_373 : vector<32xbf16>
        %add3A_375 = arith.addf %add3A_301, %mul3A_374 : vector<32xbf16>
        %slice3A_376 = vector.extract_strided_slice %get3A_122 {offsets = [3], sizes = [1], strides = [1]} : vector<16xi32> to vector<1xi32>
        %squeeze3A_377 = vector.extract %slice3A_376[0] : i32 from vector<1xi32>
        %slice3A_378 = vector.extract_strided_slice %get3A_132 {offsets = [3], sizes = [1], strides = [1]} : vector<16xi32> to vector<1xi32>
        %squeeze3A_379 = vector.extract %slice3A_378[0] : i32 from vector<1xi32>
        %shift_right_arithmetic3A_380 = arith.constant 1 : i32
        %shift_right_arithmetic3A_381 = arith.shrsi %squeeze3A_377, %shift_right_arithmetic3A_380 : i32
        %mul3A_382 = arith.constant 256 : i32
        %mul3A_383 = arith.muli %shift_right_arithmetic3A_381, %mul3A_382 : i32
        %and3A_384 = arith.constant 1 : i32
        %and3A_385 = arith.andi %squeeze3A_377, %and3A_384 : i32
        %mul3A_386 = arith.constant 64 : i32
        %mul3A_387 = arith.muli %and3A_385, %mul3A_386 : i32
        %add3A_388 = arith.addi %mul3A_383, %mul3A_387 : i32
        %shift_right_arithmetic3A_389 = arith.constant 1 : i32
        %shift_right_arithmetic3A_390 = arith.shrsi %squeeze3A_379, %shift_right_arithmetic3A_389 : i32
        %mul3A_391 = arith.constant 256 : i32
        %mul3A_392 = arith.muli %shift_right_arithmetic3A_390, %mul3A_391 : i32
        %and3A_393 = arith.constant 1 : i32
        %and3A_394 = arith.andi %squeeze3A_379, %and3A_393 : i32
        %mul3A_395 = arith.constant 64 : i32
        %mul3A_396 = arith.muli %and3A_394, %mul3A_395 : i32
        %add3A_397 = arith.addi %mul3A_392, %mul3A_396 : i32
        %slice3A_398 = vector.extract_strided_slice %get3A_142 {offsets = [3], sizes = [1], strides = [1]} : vector<16xf32> to vector<1xf32>
        %squeeze3A_399 = vector.extract %slice3A_398[0] : f32 from vector<1xf32>
        %broadcast_in_dim3A_400 = vector.broadcast %squeeze3A_399 : f32 to vector<16xf32>
        %pack3A_401 = tpu.pack_subelements %broadcast_in_dim3A_400, %broadcast_in_dim3A_400 {pack_format = #tpu.pack_format<interleaved>, positions = array<i32: 0, 1>} : vector<16xf32>, vector<16xf32> -> vector<32xbf16>
        %add3A_402 = arith.constant 0 : i32
        %add3A_403 = arith.addi %add3A_388, %add3A_402 : i32
        %get3A_404 = arith.index_cast %add3A_403 : i32 to index
        %get3A_405 = tpu.vector_load %arg10[%get3A_404] {strides = array<i32>} : memref<98304xbf16, #tpu.memory_space<vmem>>, vector<32xbf16>,
        %mul3A_406 = arith.mulf %pack3A_401, %get3A_405 : vector<32xbf16>
        %add3A_407 = arith.addf %add3A_333, %mul3A_406 : vector<32xbf16>
        %add3A_408 = arith.constant 16 : i32
        %add3A_409 = arith.addi %add3A_388, %add3A_408 : i32
        %get3A_410 = arith.index_cast %add3A_409 : i32 to index
        %get3A_411 = tpu.vector_load %arg10[%get3A_410] {strides = array<i32>} : memref<98304xbf16, #tpu.memory_space<vmem>>, vector<32xbf16>,
        %mul3A_412 = arith.mulf %pack3A_401, %get3A_411 : vector<32xbf16>
        %add3A_413 = arith.addf %add3A_339, %mul3A_412 : vector<32xbf16>
        %add3A_414 = arith.constant 32 : i32
        %add3A_415 = arith.addi %add3A_388, %add3A_414 : i32
        %get3A_416 = arith.index_cast %add3A_415 : i32 to index
        %get3A_417 = tpu.vector_load %arg10[%get3A_416] {strides = array<i32>} : memref<98304xbf16, #tpu.memory_space<vmem>>, vector<32xbf16>,
        %mul3A_418 = arith.mulf %pack3A_401, %get3A_417 : vector<32xbf16>
        %add3A_419 = arith.addf %add3A_345, %mul3A_418 : vector<32xbf16>
        %add3A_420 = arith.constant 48 : i32
        %add3A_421 = arith.addi %add3A_388, %add3A_420 : i32
        %get3A_422 = arith.index_cast %add3A_421 : i32 to index
        %get3A_423 = tpu.vector_load %arg10[%get3A_422] {strides = array<i32>} : memref<98304xbf16, #tpu.memory_space<vmem>>, vector<32xbf16>,
        %mul3A_424 = arith.mulf %pack3A_401, %get3A_423 : vector<32xbf16>
        %add3A_425 = arith.addf %add3A_351, %mul3A_424 : vector<32xbf16>
        %add3A_426 = arith.constant 0 : i32
        %add3A_427 = arith.addi %add3A_397, %add3A_426 : i32
        %get3A_428 = arith.index_cast %add3A_427 : i32 to index
        %get3A_429 = tpu.vector_load %arg10[%get3A_428] {strides = array<i32>} : memref<98304xbf16, #tpu.memory_space<vmem>>, vector<32xbf16>,
        %mul3A_430 = arith.mulf %pack3A_401, %get3A_429 : vector<32xbf16>
        %add3A_431 = arith.addf %add3A_357, %mul3A_430 : vector<32xbf16>
        %add3A_432 = arith.constant 16 : i32
        %add3A_433 = arith.addi %add3A_397, %add3A_432 : i32
        %get3A_434 = arith.index_cast %add3A_433 : i32 to index
        %get3A_435 = tpu.vector_load %arg10[%get3A_434] {strides = array<i32>} : memref<98304xbf16, #tpu.memory_space<vmem>>, vector<32xbf16>,
        %mul3A_436 = arith.mulf %pack3A_401, %get3A_435 : vector<32xbf16>
        %add3A_437 = arith.addf %add3A_363, %mul3A_436 : vector<32xbf16>
        %add3A_438 = arith.constant 32 : i32
        %add3A_439 = arith.addi %add3A_397, %add3A_438 : i32
        %get3A_440 = arith.index_cast %add3A_439 : i32 to index
        %get3A_441 = tpu.vector_load %arg10[%get3A_440] {strides = array<i32>} : memref<98304xbf16, #tpu.memory_space<vmem>>, vector<32xbf16>,
        %mul3A_442 = arith.mulf %pack3A_401, %get3A_441 : vector<32xbf16>
        %add3A_443 = arith.addf %add3A_369, %mul3A_442 : vector<32xbf16>
        %add3A_444 = arith.constant 48 : i32
        %add3A_445 = arith.addi %add3A_397, %add3A_444 : i32
        %get3A_446 = arith.index_cast %add3A_445 : i32 to index
        %get3A_447 = tpu.vector_load %arg10[%get3A_446] {strides = array<i32>} : memref<98304xbf16, #tpu.memory_space<vmem>>, vector<32xbf16>,
        %mul3A_448 = arith.mulf %pack3A_401, %get3A_447 : vector<32xbf16>
        %add3A_449 = arith.addf %add3A_375, %mul3A_448 : vector<32xbf16>
        %slice3A_450 = vector.extract_strided_slice %get3A_122 {offsets = [4], sizes = [1], strides = [1]} : vector<16xi32> to vector<1xi32>
        %squeeze3A_451 = vector.extract %slice3A_450[0] : i32 from vector<1xi32>
        %slice3A_452 = vector.extract_strided_slice %get3A_132 {offsets = [4], sizes = [1], strides = [1]} : vector<16xi32> to vector<1xi32>
        %squeeze3A_453 = vector.extract %slice3A_452[0] : i32 from vector<1xi32>
        %shift_right_arithmetic3A_454 = arith.constant 1 : i32
        %shift_right_arithmetic3A_455 = arith.shrsi %squeeze3A_451, %shift_right_arithmetic3A_454 : i32
        %mul3A_456 = arith.constant 256 : i32
        %mul3A_457 = arith.muli %shift_right_arithmetic3A_455, %mul3A_456 : i32
        %and3A_458 = arith.constant 1 : i32
        %and3A_459 = arith.andi %squeeze3A_451, %and3A_458 : i32
        %mul3A_460 = arith.constant 64 : i32
        %mul3A_461 = arith.muli %and3A_459, %mul3A_460 : i32
        %add3A_462 = arith.addi %mul3A_457, %mul3A_461 : i32
        %shift_right_arithmetic3A_463 = arith.constant 1 : i32
        %shift_right_arithmetic3A_464 = arith.shrsi %squeeze3A_453, %shift_right_arithmetic3A_463 : i32
        %mul3A_465 = arith.constant 256 : i32
        %mul3A_466 = arith.muli %shift_right_arithmetic3A_464, %mul3A_465 : i32
        %and3A_467 = arith.constant 1 : i32
        %and3A_468 = arith.andi %squeeze3A_453, %and3A_467 : i32
        %mul3A_469 = arith.constant 64 : i32
        %mul3A_470 = arith.muli %and3A_468, %mul3A_469 : i32
        %add3A_471 = arith.addi %mul3A_466, %mul3A_470 : i32
        %slice3A_472 = vector.extract_strided_slice %get3A_142 {offsets = [4], sizes = [1], strides = [1]} : vector<16xf32> to vector<1xf32>
        %squeeze3A_473 = vector.extract %slice3A_472[0] : f32 from vector<1xf32>
        %broadcast_in_dim3A_474 = vector.broadcast %squeeze3A_473 : f32 to vector<16xf32>
        %pack3A_475 = tpu.pack_subelements %broadcast_in_dim3A_474, %broadcast_in_dim3A_474 {pack_format = #tpu.pack_format<interleaved>, positions = array<i32: 0, 1>} : vector<16xf32>, vector<16xf32> -> vector<32xbf16>
        %add3A_476 = arith.constant 0 : i32
        %add3A_477 = arith.addi %add3A_462, %add3A_476 : i32
        %get3A_478 = arith.index_cast %add3A_477 : i32 to index
        %get3A_479 = tpu.vector_load %arg10[%get3A_478] {strides = array<i32>} : memref<98304xbf16, #tpu.memory_space<vmem>>, vector<32xbf16>,
        %mul3A_480 = arith.mulf %pack3A_475, %get3A_479 : vector<32xbf16>
        %add3A_481 = arith.addf %add3A_407, %mul3A_480 : vector<32xbf16>
        %add3A_482 = arith.constant 16 : i32
        %add3A_483 = arith.addi %add3A_462, %add3A_482 : i32
        %get3A_484 = arith.index_cast %add3A_483 : i32 to index
        %get3A_485 = tpu.vector_load %arg10[%get3A_484] {strides = array<i32>} : memref<98304xbf16, #tpu.memory_space<vmem>>, vector<32xbf16>,
        %mul3A_486 = arith.mulf %pack3A_475, %get3A_485 : vector<32xbf16>
        %add3A_487 = arith.addf %add3A_413, %mul3A_486 : vector<32xbf16>
        %add3A_488 = arith.constant 32 : i32
        %add3A_489 = arith.addi %add3A_462, %add3A_488 : i32
        %get3A_490 = arith.index_cast %add3A_489 : i32 to index
        %get3A_491 = tpu.vector_load %arg10[%get3A_490] {strides = array<i32>} : memref<98304xbf16, #tpu.memory_space<vmem>>, vector<32xbf16>,
        %mul3A_492 = arith.mulf %pack3A_475, %get3A_491 : vector<32xbf16>
        %add3A_493 = arith.addf %add3A_419, %mul3A_492 : vector<32xbf16>
        %add3A_494 = arith.constant 48 : i32
        %add3A_495 = arith.addi %add3A_462, %add3A_494 : i32
        %get3A_496 = arith.index_cast %add3A_495 : i32 to index
        %get3A_497 = tpu.vector_load %arg10[%get3A_496] {strides = array<i32>} : memref<98304xbf16, #tpu.memory_space<vmem>>, vector<32xbf16>,
        %mul3A_498 = arith.mulf %pack3A_475, %get3A_497 : vector<32xbf16>
        %add3A_499 = arith.addf %add3A_425, %mul3A_498 : vector<32xbf16>
        %add3A_500 = arith.constant 0 : i32
        %add3A_501 = arith.addi %add3A_471, %add3A_500 : i32
        %get3A_502 = arith.index_cast %add3A_501 : i32 to index
        %get3A_503 = tpu.vector_load %arg10[%get3A_502] {strides = array<i32>} : memref<98304xbf16, #tpu.memory_space<vmem>>, vector<32xbf16>,
        %mul3A_504 = arith.mulf %pack3A_475, %get3A_503 : vector<32xbf16>
        %add3A_505 = arith.addf %add3A_431, %mul3A_504 : vector<32xbf16>
        %add3A_506 = arith.constant 16 : i32
        %add3A_507 = arith.addi %add3A_471, %add3A_506 : i32
        %get3A_508 = arith.index_cast %add3A_507 : i32 to index
        %get3A_509 = tpu.vector_load %arg10[%get3A_508] {strides = array<i32>} : memref<98304xbf16, #tpu.memory_space<vmem>>, vector<32xbf16>,
        %mul3A_510 = arith.mulf %pack3A_475, %get3A_509 : vector<32xbf16>
        %add3A_511 = arith.addf %add3A_437, %mul3A_510 : vector<32xbf16>
        %add3A_512 = arith.constant 32 : i32
        %add3A_513 = arith.addi %add3A_471, %add3A_512 : i32
        %get3A_514 = arith.index_cast %add3A_513 : i32 to index
        %get3A_515 = tpu.vector_load %arg10[%get3A_514] {strides = array<i32>} : memref<98304xbf16, #tpu.memory_space<vmem>>, vector<32xbf16>,
        %mul3A_516 = arith.mulf %pack3A_475, %get3A_515 : vector<32xbf16>
        %add3A_517 = arith.addf %add3A_443, %mul3A_516 : vector<32xbf16>
        %add3A_518 = arith.constant 48 : i32
        %add3A_519 = arith.addi %add3A_471, %add3A_518 : i32
        %get3A_520 = arith.index_cast %add3A_519 : i32 to index
        %get3A_521 = tpu.vector_load %arg10[%get3A_520] {strides = array<i32>} : memref<98304xbf16, #tpu.memory_space<vmem>>, vector<32xbf16>,
        %mul3A_522 = arith.mulf %pack3A_475, %get3A_521 : vector<32xbf16>
        %add3A_523 = arith.addf %add3A_449, %mul3A_522 : vector<32xbf16>
        %slice3A_524 = vector.extract_strided_slice %get3A_122 {offsets = [5], sizes = [1], strides = [1]} : vector<16xi32> to vector<1xi32>
        %squeeze3A_525 = vector.extract %slice3A_524[0] : i32 from vector<1xi32>
        %slice3A_526 = vector.extract_strided_slice %get3A_132 {offsets = [5], sizes = [1], strides = [1]} : vector<16xi32> to vector<1xi32>
        %squeeze3A_527 = vector.extract %slice3A_526[0] : i32 from vector<1xi32>
        %shift_right_arithmetic3A_528 = arith.constant 1 : i32
        %shift_right_arithmetic3A_529 = arith.shrsi %squeeze3A_525, %shift_right_arithmetic3A_528 : i32
        %mul3A_530 = arith.constant 256 : i32
        %mul3A_531 = arith.muli %shift_right_arithmetic3A_529, %mul3A_530 : i32
        %and3A_532 = arith.constant 1 : i32
        %and3A_533 = arith.andi %squeeze3A_525, %and3A_532 : i32
        %mul3A_534 = arith.constant 64 : i32
        %mul3A_535 = arith.muli %and3A_533, %mul3A_534 : i32
        %add3A_536 = arith.addi %mul3A_531, %mul3A_535 : i32
        %shift_right_arithmetic3A_537 = arith.constant 1 : i32
        %shift_right_arithmetic3A_538 = arith.shrsi %squeeze3A_527, %shift_right_arithmetic3A_537 : i32
        %mul3A_539 = arith.constant 256 : i32
        %mul3A_540 = arith.muli %shift_right_arithmetic3A_538, %mul3A_539 : i32
        %and3A_541 = arith.constant 1 : i32
        %and3A_542 = arith.andi %squeeze3A_527, %and3A_541 : i32
        %mul3A_543 = arith.constant 64 : i32
        %mul3A_544 = arith.muli %and3A_542, %mul3A_543 : i32
        %add3A_545 = arith.addi %mul3A_540, %mul3A_544 : i32
        %slice3A_546 = vector.extract_strided_slice %get3A_142 {offsets = [5], sizes = [1], strides = [1]} : vector<16xf32> to vector<1xf32>
        %squeeze3A_547 = vector.extract %slice3A_546[0] : f32 from vector<1xf32>
        %broadcast_in_dim3A_548 = vector.broadcast %squeeze3A_547 : f32 to vector<16xf32>
        %pack3A_549 = tpu.pack_subelements %broadcast_in_dim3A_548, %broadcast_in_dim3A_548 {pack_format = #tpu.pack_format<interleaved>, positions = array<i32: 0, 1>} : vector<16xf32>, vector<16xf32> -> vector<32xbf16>
        %add3A_550 = arith.constant 0 : i32
        %add3A_551 = arith.addi %add3A_536, %add3A_550 : i32
        %get3A_552 = arith.index_cast %add3A_551 : i32 to index
        %get3A_553 = tpu.vector_load %arg10[%get3A_552] {strides = array<i32>} : memref<98304xbf16, #tpu.memory_space<vmem>>, vector<32xbf16>,
        %mul3A_554 = arith.mulf %pack3A_549, %get3A_553 : vector<32xbf16>
        %add3A_555 = arith.addf %add3A_481, %mul3A_554 : vector<32xbf16>
        %add3A_556 = arith.constant 16 : i32
        %add3A_557 = arith.addi %add3A_536, %add3A_556 : i32
        %get3A_558 = arith.index_cast %add3A_557 : i32 to index
        %get3A_559 = tpu.vector_load %arg10[%get3A_558] {strides = array<i32>} : memref<98304xbf16, #tpu.memory_space<vmem>>, vector<32xbf16>,
        %mul3A_560 = arith.mulf %pack3A_549, %get3A_559 : vector<32xbf16>
        %add3A_561 = arith.addf %add3A_487, %mul3A_560 : vector<32xbf16>
        %add3A_562 = arith.constant 32 : i32
        %add3A_563 = arith.addi %add3A_536, %add3A_562 : i32
        %get3A_564 = arith.index_cast %add3A_563 : i32 to index
        %get3A_565 = tpu.vector_load %arg10[%get3A_564] {strides = array<i32>} : memref<98304xbf16, #tpu.memory_space<vmem>>, vector<32xbf16>,
        %mul3A_566 = arith.mulf %pack3A_549, %get3A_565 : vector<32xbf16>
        %add3A_567 = arith.addf %add3A_493, %mul3A_566 : vector<32xbf16>
        %add3A_568 = arith.constant 48 : i32
        %add3A_569 = arith.addi %add3A_536, %add3A_568 : i32
        %get3A_570 = arith.index_cast %add3A_569 : i32 to index
        %get3A_571 = tpu.vector_load %arg10[%get3A_570] {strides = array<i32>} : memref<98304xbf16, #tpu.memory_space<vmem>>, vector<32xbf16>,
        %mul3A_572 = arith.mulf %pack3A_549, %get3A_571 : vector<32xbf16>
        %add3A_573 = arith.addf %add3A_499, %mul3A_572 : vector<32xbf16>
        %add3A_574 = arith.constant 0 : i32
        %add3A_575 = arith.addi %add3A_545, %add3A_574 : i32
        %get3A_576 = arith.index_cast %add3A_575 : i32 to index
        %get3A_577 = tpu.vector_load %arg10[%get3A_576] {strides = array<i32>} : memref<98304xbf16, #tpu.memory_space<vmem>>, vector<32xbf16>,
        %mul3A_578 = arith.mulf %pack3A_549, %get3A_577 : vector<32xbf16>
        %add3A_579 = arith.addf %add3A_505, %mul3A_578 : vector<32xbf16>
        %add3A_580 = arith.constant 16 : i32
        %add3A_581 = arith.addi %add3A_545, %add3A_580 : i32
        %get3A_582 = arith.index_cast %add3A_581 : i32 to index
        %get3A_583 = tpu.vector_load %arg10[%get3A_582] {strides = array<i32>} : memref<98304xbf16, #tpu.memory_space<vmem>>, vector<32xbf16>,
        %mul3A_584 = arith.mulf %pack3A_549, %get3A_583 : vector<32xbf16>
        %add3A_585 = arith.addf %add3A_511, %mul3A_584 : vector<32xbf16>
        %add3A_586 = arith.constant 32 : i32
        %add3A_587 = arith.addi %add3A_545, %add3A_586 : i32
        %get3A_588 = arith.index_cast %add3A_587 : i32 to index
        %get3A_589 = tpu.vector_load %arg10[%get3A_588] {strides = array<i32>} : memref<98304xbf16, #tpu.memory_space<vmem>>, vector<32xbf16>,
        %mul3A_590 = arith.mulf %pack3A_549, %get3A_589 : vector<32xbf16>
        %add3A_591 = arith.addf %add3A_517, %mul3A_590 : vector<32xbf16>
        %add3A_592 = arith.constant 48 : i32
        %add3A_593 = arith.addi %add3A_545, %add3A_592 : i32
        %get3A_594 = arith.index_cast %add3A_593 : i32 to index
        %get3A_595 = tpu.vector_load %arg10[%get3A_594] {strides = array<i32>} : memref<98304xbf16, #tpu.memory_space<vmem>>, vector<32xbf16>,
        %mul3A_596 = arith.mulf %pack3A_549, %get3A_595 : vector<32xbf16>
        %add3A_597 = arith.addf %add3A_523, %mul3A_596 : vector<32xbf16>
        %slice3A_598 = vector.extract_strided_slice %get3A_122 {offsets = [6], sizes = [1], strides = [1]} : vector<16xi32> to vector<1xi32>
        %squeeze3A_599 = vector.extract %slice3A_598[0] : i32 from vector<1xi32>
        %slice3A_600 = vector.extract_strided_slice %get3A_132 {offsets = [6], sizes = [1], strides = [1]} : vector<16xi32> to vector<1xi32>
        %squeeze3A_601 = vector.extract %slice3A_600[0] : i32 from vector<1xi32>
        %shift_right_arithmetic3A_602 = arith.constant 1 : i32
        %shift_right_arithmetic3A_603 = arith.shrsi %squeeze3A_599, %shift_right_arithmetic3A_602 : i32
        %mul3A_604 = arith.constant 256 : i32
        %mul3A_605 = arith.muli %shift_right_arithmetic3A_603, %mul3A_604 : i32
        %and3A_606 = arith.constant 1 : i32
        %and3A_607 = arith.andi %squeeze3A_599, %and3A_606 : i32
        %mul3A_608 = arith.constant 64 : i32
        %mul3A_609 = arith.muli %and3A_607, %mul3A_608 : i32
        %add3A_610 = arith.addi %mul3A_605, %mul3A_609 : i32
        %shift_right_arithmetic3A_611 = arith.constant 1 : i32
        %shift_right_arithmetic3A_612 = arith.shrsi %squeeze3A_601, %shift_right_arithmetic3A_611 : i32
        %mul3A_613 = arith.constant 256 : i32
        %mul3A_614 = arith.muli %shift_right_arithmetic3A_612, %mul3A_613 : i32
        %and3A_615 = arith.constant 1 : i32
        %and3A_616 = arith.andi %squeeze3A_601, %and3A_615 : i32
        %mul3A_617 = arith.constant 64 : i32
        %mul3A_618 = arith.muli %and3A_616, %mul3A_617 : i32
        %add3A_619 = arith.addi %mul3A_614, %mul3A_618 : i32
        %slice3A_620 = vector.extract_strided_slice %get3A_142 {offsets = [6], sizes = [1], strides = [1]} : vector<16xf32> to vector<1xf32>
        %squeeze3A_621 = vector.extract %slice3A_620[0] : f32 from vector<1xf32>
        %broadcast_in_dim3A_622 = vector.broadcast %squeeze3A_621 : f32 to vector<16xf32>
        %pack3A_623 = tpu.pack_subelements %broadcast_in_dim3A_622, %broadcast_in_dim3A_622 {pack_format = #tpu.pack_format<interleaved>, positions = array<i32: 0, 1>} : vector<16xf32>, vector<16xf32> -> vector<32xbf16>
        %add3A_624 = arith.constant 0 : i32
        %add3A_625 = arith.addi %add3A_610, %add3A_624 : i32
        %get3A_626 = arith.index_cast %add3A_625 : i32 to index
        %get3A_627 = tpu.vector_load %arg10[%get3A_626] {strides = array<i32>} : memref<98304xbf16, #tpu.memory_space<vmem>>, vector<32xbf16>,
        %mul3A_628 = arith.mulf %pack3A_623, %get3A_627 : vector<32xbf16>
        %add3A_629 = arith.addf %add3A_555, %mul3A_628 : vector<32xbf16>
        %add3A_630 = arith.constant 16 : i32
        %add3A_631 = arith.addi %add3A_610, %add3A_630 : i32
        %get3A_632 = arith.index_cast %add3A_631 : i32 to index
        %get3A_633 = tpu.vector_load %arg10[%get3A_632] {strides = array<i32>} : memref<98304xbf16, #tpu.memory_space<vmem>>, vector<32xbf16>,
        %mul3A_634 = arith.mulf %pack3A_623, %get3A_633 : vector<32xbf16>
        %add3A_635 = arith.addf %add3A_561, %mul3A_634 : vector<32xbf16>
        %add3A_636 = arith.constant 32 : i32
        %add3A_637 = arith.addi %add3A_610, %add3A_636 : i32
        %get3A_638 = arith.index_cast %add3A_637 : i32 to index
        %get3A_639 = tpu.vector_load %arg10[%get3A_638] {strides = array<i32>} : memref<98304xbf16, #tpu.memory_space<vmem>>, vector<32xbf16>,
        %mul3A_640 = arith.mulf %pack3A_623, %get3A_639 : vector<32xbf16>
        %add3A_641 = arith.addf %add3A_567, %mul3A_640 : vector<32xbf16>
        %add3A_642 = arith.constant 48 : i32
        %add3A_643 = arith.addi %add3A_610, %add3A_642 : i32
        %get3A_644 = arith.index_cast %add3A_643 : i32 to index
        %get3A_645 = tpu.vector_load %arg10[%get3A_644] {strides = array<i32>} : memref<98304xbf16, #tpu.memory_space<vmem>>, vector<32xbf16>,
        %mul3A_646 = arith.mulf %pack3A_623, %get3A_645 : vector<32xbf16>
        %add3A_647 = arith.addf %add3A_573, %mul3A_646 : vector<32xbf16>
        %add3A_648 = arith.constant 0 : i32
        %add3A_649 = arith.addi %add3A_619, %add3A_648 : i32
        %get3A_650 = arith.index_cast %add3A_649 : i32 to index
        %get3A_651 = tpu.vector_load %arg10[%get3A_650] {strides = array<i32>} : memref<98304xbf16, #tpu.memory_space<vmem>>, vector<32xbf16>,
        %mul3A_652 = arith.mulf %pack3A_623, %get3A_651 : vector<32xbf16>
        %add3A_653 = arith.addf %add3A_579, %mul3A_652 : vector<32xbf16>
        %add3A_654 = arith.constant 16 : i32
        %add3A_655 = arith.addi %add3A_619, %add3A_654 : i32
        %get3A_656 = arith.index_cast %add3A_655 : i32 to index
        %get3A_657 = tpu.vector_load %arg10[%get3A_656] {strides = array<i32>} : memref<98304xbf16, #tpu.memory_space<vmem>>, vector<32xbf16>,
        %mul3A_658 = arith.mulf %pack3A_623, %get3A_657 : vector<32xbf16>
        %add3A_659 = arith.addf %add3A_585, %mul3A_658 : vector<32xbf16>
        %add3A_660 = arith.constant 32 : i32
        %add3A_661 = arith.addi %add3A_619, %add3A_660 : i32
        %get3A_662 = arith.index_cast %add3A_661 : i32 to index
        %get3A_663 = tpu.vector_load %arg10[%get3A_662] {strides = array<i32>} : memref<98304xbf16, #tpu.memory_space<vmem>>, vector<32xbf16>,
        %mul3A_664 = arith.mulf %pack3A_623, %get3A_663 : vector<32xbf16>
        %add3A_665 = arith.addf %add3A_591, %mul3A_664 : vector<32xbf16>
        %add3A_666 = arith.constant 48 : i32
        %add3A_667 = arith.addi %add3A_619, %add3A_666 : i32
        %get3A_668 = arith.index_cast %add3A_667 : i32 to index
        %get3A_669 = tpu.vector_load %arg10[%get3A_668] {strides = array<i32>} : memref<98304xbf16, #tpu.memory_space<vmem>>, vector<32xbf16>,
        %mul3A_670 = arith.mulf %pack3A_623, %get3A_669 : vector<32xbf16>
        %add3A_671 = arith.addf %add3A_597, %mul3A_670 : vector<32xbf16>
        %slice3A_672 = vector.extract_strided_slice %get3A_122 {offsets = [7], sizes = [1], strides = [1]} : vector<16xi32> to vector<1xi32>
        %squeeze3A_673 = vector.extract %slice3A_672[0] : i32 from vector<1xi32>
        %slice3A_674 = vector.extract_strided_slice %get3A_132 {offsets = [7], sizes = [1], strides = [1]} : vector<16xi32> to vector<1xi32>
        %squeeze3A_675 = vector.extract %slice3A_674[0] : i32 from vector<1xi32>
        %shift_right_arithmetic3A_676 = arith.constant 1 : i32
        %shift_right_arithmetic3A_677 = arith.shrsi %squeeze3A_673, %shift_right_arithmetic3A_676 : i32
        %mul3A_678 = arith.constant 256 : i32
        %mul3A_679 = arith.muli %shift_right_arithmetic3A_677, %mul3A_678 : i32
        %and3A_680 = arith.constant 1 : i32
        %and3A_681 = arith.andi %squeeze3A_673, %and3A_680 : i32
        %mul3A_682 = arith.constant 64 : i32
        %mul3A_683 = arith.muli %and3A_681, %mul3A_682 : i32
        %add3A_684 = arith.addi %mul3A_679, %mul3A_683 : i32
        %shift_right_arithmetic3A_685 = arith.constant 1 : i32
        %shift_right_arithmetic3A_686 = arith.shrsi %squeeze3A_675, %shift_right_arithmetic3A_685 : i32
        %mul3A_687 = arith.constant 256 : i32
        %mul3A_688 = arith.muli %shift_right_arithmetic3A_686, %mul3A_687 : i32
        %and3A_689 = arith.constant 1 : i32
        %and3A_690 = arith.andi %squeeze3A_675, %and3A_689 : i32
        %mul3A_691 = arith.constant 64 : i32
        %mul3A_692 = arith.muli %and3A_690, %mul3A_691 : i32
        %add3A_693 = arith.addi %mul3A_688, %mul3A_692 : i32
        %slice3A_694 = vector.extract_strided_slice %get3A_142 {offsets = [7], sizes = [1], strides = [1]} : vector<16xf32> to vector<1xf32>
        %squeeze3A_695 = vector.extract %slice3A_694[0] : f32 from vector<1xf32>
        %broadcast_in_dim3A_696 = vector.broadcast %squeeze3A_695 : f32 to vector<16xf32>
        %pack3A_697 = tpu.pack_subelements %broadcast_in_dim3A_696, %broadcast_in_dim3A_696 {pack_format = #tpu.pack_format<interleaved>, positions = array<i32: 0, 1>} : vector<16xf32>, vector<16xf32> -> vector<32xbf16>
        %add3A_698 = arith.constant 0 : i32
        %add3A_699 = arith.addi %add3A_684, %add3A_698 : i32
        %get3A_700 = arith.index_cast %add3A_699 : i32 to index
        %get3A_701 = tpu.vector_load %arg10[%get3A_700] {strides = array<i32>} : memref<98304xbf16, #tpu.memory_space<vmem>>, vector<32xbf16>,
        %mul3A_702 = arith.mulf %pack3A_697, %get3A_701 : vector<32xbf16>
        %add3A_703 = arith.addf %add3A_629, %mul3A_702 : vector<32xbf16>
        %add3A_704 = arith.constant 16 : i32
        %add3A_705 = arith.addi %add3A_684, %add3A_704 : i32
        %get3A_706 = arith.index_cast %add3A_705 : i32 to index
        %get3A_707 = tpu.vector_load %arg10[%get3A_706] {strides = array<i32>} : memref<98304xbf16, #tpu.memory_space<vmem>>, vector<32xbf16>,
        %mul3A_708 = arith.mulf %pack3A_697, %get3A_707 : vector<32xbf16>
        %add3A_709 = arith.addf %add3A_635, %mul3A_708 : vector<32xbf16>
        %add3A_710 = arith.constant 32 : i32
        %add3A_711 = arith.addi %add3A_684, %add3A_710 : i32
        %get3A_712 = arith.index_cast %add3A_711 : i32 to index
        %get3A_713 = tpu.vector_load %arg10[%get3A_712] {strides = array<i32>} : memref<98304xbf16, #tpu.memory_space<vmem>>, vector<32xbf16>,
        %mul3A_714 = arith.mulf %pack3A_697, %get3A_713 : vector<32xbf16>
        %add3A_715 = arith.addf %add3A_641, %mul3A_714 : vector<32xbf16>
        %add3A_716 = arith.constant 48 : i32
        %add3A_717 = arith.addi %add3A_684, %add3A_716 : i32
        %get3A_718 = arith.index_cast %add3A_717 : i32 to index
        %get3A_719 = tpu.vector_load %arg10[%get3A_718] {strides = array<i32>} : memref<98304xbf16, #tpu.memory_space<vmem>>, vector<32xbf16>,
        %mul3A_720 = arith.mulf %pack3A_697, %get3A_719 : vector<32xbf16>
        %add3A_721 = arith.addf %add3A_647, %mul3A_720 : vector<32xbf16>
        %add3A_722 = arith.constant 0 : i32
        %add3A_723 = arith.addi %add3A_693, %add3A_722 : i32
        %get3A_724 = arith.index_cast %add3A_723 : i32 to index
        %get3A_725 = tpu.vector_load %arg10[%get3A_724] {strides = array<i32>} : memref<98304xbf16, #tpu.memory_space<vmem>>, vector<32xbf16>,
        %mul3A_726 = arith.mulf %pack3A_697, %get3A_725 : vector<32xbf16>
        %add3A_727 = arith.addf %add3A_653, %mul3A_726 : vector<32xbf16>
        %add3A_728 = arith.constant 16 : i32
        %add3A_729 = arith.addi %add3A_693, %add3A_728 : i32
        %get3A_730 = arith.index_cast %add3A_729 : i32 to index
        %get3A_731 = tpu.vector_load %arg10[%get3A_730] {strides = array<i32>} : memref<98304xbf16, #tpu.memory_space<vmem>>, vector<32xbf16>,
        %mul3A_732 = arith.mulf %pack3A_697, %get3A_731 : vector<32xbf16>
        %add3A_733 = arith.addf %add3A_659, %mul3A_732 : vector<32xbf16>
        %add3A_734 = arith.constant 32 : i32
        %add3A_735 = arith.addi %add3A_693, %add3A_734 : i32
        %get3A_736 = arith.index_cast %add3A_735 : i32 to index
        %get3A_737 = tpu.vector_load %arg10[%get3A_736] {strides = array<i32>} : memref<98304xbf16, #tpu.memory_space<vmem>>, vector<32xbf16>,
        %mul3A_738 = arith.mulf %pack3A_697, %get3A_737 : vector<32xbf16>
        %add3A_739 = arith.addf %add3A_665, %mul3A_738 : vector<32xbf16>
        %add3A_740 = arith.constant 48 : i32
        %add3A_741 = arith.addi %add3A_693, %add3A_740 : i32
        %get3A_742 = arith.index_cast %add3A_741 : i32 to index
        %get3A_743 = tpu.vector_load %arg10[%get3A_742] {strides = array<i32>} : memref<98304xbf16, #tpu.memory_space<vmem>>, vector<32xbf16>,
        %mul3A_744 = arith.mulf %pack3A_697, %get3A_743 : vector<32xbf16>
        %add3A_745 = arith.addf %add3A_671, %mul3A_744 : vector<32xbf16>
        %slice3A_746 = vector.extract_strided_slice %get3A_122 {offsets = [8], sizes = [1], strides = [1]} : vector<16xi32> to vector<1xi32>
        %squeeze3A_747 = vector.extract %slice3A_746[0] : i32 from vector<1xi32>
        %slice3A_748 = vector.extract_strided_slice %get3A_132 {offsets = [8], sizes = [1], strides = [1]} : vector<16xi32> to vector<1xi32>
        %squeeze3A_749 = vector.extract %slice3A_748[0] : i32 from vector<1xi32>
        %shift_right_arithmetic3A_750 = arith.constant 1 : i32
        %shift_right_arithmetic3A_751 = arith.shrsi %squeeze3A_747, %shift_right_arithmetic3A_750 : i32
        %mul3A_752 = arith.constant 256 : i32
        %mul3A_753 = arith.muli %shift_right_arithmetic3A_751, %mul3A_752 : i32
        %and3A_754 = arith.constant 1 : i32
        %and3A_755 = arith.andi %squeeze3A_747, %and3A_754 : i32
        %mul3A_756 = arith.constant 64 : i32
        %mul3A_757 = arith.muli %and3A_755, %mul3A_756 : i32
        %add3A_758 = arith.addi %mul3A_753, %mul3A_757 : i32
        %shift_right_arithmetic3A_759 = arith.constant 1 : i32
        %shift_right_arithmetic3A_760 = arith.shrsi %squeeze3A_749, %shift_right_arithmetic3A_759 : i32
        %mul3A_761 = arith.constant 256 : i32
        %mul3A_762 = arith.muli %shift_right_arithmetic3A_760, %mul3A_761 : i32
        %and3A_763 = arith.constant 1 : i32
        %and3A_764 = arith.andi %squeeze3A_749, %and3A_763 : i32
        %mul3A_765 = arith.constant 64 : i32
        %mul3A_766 = arith.muli %and3A_764, %mul3A_765 : i32
        %add3A_767 = arith.addi %mul3A_762, %mul3A_766 : i32
        %slice3A_768 = vector.extract_strided_slice %get3A_142 {offsets = [8], sizes = [1], strides = [1]} : vector<16xf32> to vector<1xf32>
        %squeeze3A_769 = vector.extract %slice3A_768[0] : f32 from vector<1xf32>
        %broadcast_in_dim3A_770 = vector.broadcast %squeeze3A_769 : f32 to vector<16xf32>
        %pack3A_771 = tpu.pack_subelements %broadcast_in_dim3A_770, %broadcast_in_dim3A_770 {pack_format = #tpu.pack_format<interleaved>, positions = array<i32: 0, 1>} : vector<16xf32>, vector<16xf32> -> vector<32xbf16>
        %add3A_772 = arith.constant 0 : i32
        %add3A_773 = arith.addi %add3A_758, %add3A_772 : i32
        %get3A_774 = arith.index_cast %add3A_773 : i32 to index
        %get3A_775 = tpu.vector_load %arg10[%get3A_774] {strides = array<i32>} : memref<98304xbf16, #tpu.memory_space<vmem>>, vector<32xbf16>,
        %mul3A_776 = arith.mulf %pack3A_771, %get3A_775 : vector<32xbf16>
        %add3A_777 = arith.addf %add3A_703, %mul3A_776 : vector<32xbf16>
        %add3A_778 = arith.constant 16 : i32
        %add3A_779 = arith.addi %add3A_758, %add3A_778 : i32
        %get3A_780 = arith.index_cast %add3A_779 : i32 to index
        %get3A_781 = tpu.vector_load %arg10[%get3A_780] {strides = array<i32>} : memref<98304xbf16, #tpu.memory_space<vmem>>, vector<32xbf16>,
        %mul3A_782 = arith.mulf %pack3A_771, %get3A_781 : vector<32xbf16>
        %add3A_783 = arith.addf %add3A_709, %mul3A_782 : vector<32xbf16>
        %add3A_784 = arith.constant 32 : i32
        %add3A_785 = arith.addi %add3A_758, %add3A_784 : i32
        %get3A_786 = arith.index_cast %add3A_785 : i32 to index
        %get3A_787 = tpu.vector_load %arg10[%get3A_786] {strides = array<i32>} : memref<98304xbf16, #tpu.memory_space<vmem>>, vector<32xbf16>,
        %mul3A_788 = arith.mulf %pack3A_771, %get3A_787 : vector<32xbf16>
        %add3A_789 = arith.addf %add3A_715, %mul3A_788 : vector<32xbf16>
        %add3A_790 = arith.constant 48 : i32
        %add3A_791 = arith.addi %add3A_758, %add3A_790 : i32
        %get3A_792 = arith.index_cast %add3A_791 : i32 to index
        %get3A_793 = tpu.vector_load %arg10[%get3A_792] {strides = array<i32>} : memref<98304xbf16, #tpu.memory_space<vmem>>, vector<32xbf16>,
        %mul3A_794 = arith.mulf %pack3A_771, %get3A_793 : vector<32xbf16>
        %add3A_795 = arith.addf %add3A_721, %mul3A_794 : vector<32xbf16>
        %add3A_796 = arith.constant 0 : i32
        %add3A_797 = arith.addi %add3A_767, %add3A_796 : i32
        %get3A_798 = arith.index_cast %add3A_797 : i32 to index
        %get3A_799 = tpu.vector_load %arg10[%get3A_798] {strides = array<i32>} : memref<98304xbf16, #tpu.memory_space<vmem>>, vector<32xbf16>,
        %mul3A_800 = arith.mulf %pack3A_771, %get3A_799 : vector<32xbf16>
        %add3A_801 = arith.addf %add3A_727, %mul3A_800 : vector<32xbf16>
        %add3A_802 = arith.constant 16 : i32
        %add3A_803 = arith.addi %add3A_767, %add3A_802 : i32
        %get3A_804 = arith.index_cast %add3A_803 : i32 to index
        %get3A_805 = tpu.vector_load %arg10[%get3A_804] {strides = array<i32>} : memref<98304xbf16, #tpu.memory_space<vmem>>, vector<32xbf16>,
        %mul3A_806 = arith.mulf %pack3A_771, %get3A_805 : vector<32xbf16>
        %add3A_807 = arith.addf %add3A_733, %mul3A_806 : vector<32xbf16>
        %add3A_808 = arith.constant 32 : i32
        %add3A_809 = arith.addi %add3A_767, %add3A_808 : i32
        %get3A_810 = arith.index_cast %add3A_809 : i32 to index
        %get3A_811 = tpu.vector_load %arg10[%get3A_810] {strides = array<i32>} : memref<98304xbf16, #tpu.memory_space<vmem>>, vector<32xbf16>,
        %mul3A_812 = arith.mulf %pack3A_771, %get3A_811 : vector<32xbf16>
        %add3A_813 = arith.addf %add3A_739, %mul3A_812 : vector<32xbf16>
        %add3A_814 = arith.constant 48 : i32
        %add3A_815 = arith.addi %add3A_767, %add3A_814 : i32
        %get3A_816 = arith.index_cast %add3A_815 : i32 to index
        %get3A_817 = tpu.vector_load %arg10[%get3A_816] {strides = array<i32>} : memref<98304xbf16, #tpu.memory_space<vmem>>, vector<32xbf16>,
        %mul3A_818 = arith.mulf %pack3A_771, %get3A_817 : vector<32xbf16>
        %add3A_819 = arith.addf %add3A_745, %mul3A_818 : vector<32xbf16>
        %slice3A_820 = vector.extract_strided_slice %get3A_122 {offsets = [9], sizes = [1], strides = [1]} : vector<16xi32> to vector<1xi32>
        %squeeze3A_821 = vector.extract %slice3A_820[0] : i32 from vector<1xi32>
        %slice3A_822 = vector.extract_strided_slice %get3A_132 {offsets = [9], sizes = [1], strides = [1]} : vector<16xi32> to vector<1xi32>
        %squeeze3A_823 = vector.extract %slice3A_822[0] : i32 from vector<1xi32>
        %shift_right_arithmetic3A_824 = arith.constant 1 : i32
        %shift_right_arithmetic3A_825 = arith.shrsi %squeeze3A_821, %shift_right_arithmetic3A_824 : i32
        %mul3A_826 = arith.constant 256 : i32
        %mul3A_827 = arith.muli %shift_right_arithmetic3A_825, %mul3A_826 : i32
        %and3A_828 = arith.constant 1 : i32
        %and3A_829 = arith.andi %squeeze3A_821, %and3A_828 : i32
        %mul3A_830 = arith.constant 64 : i32
        %mul3A_831 = arith.muli %and3A_829, %mul3A_830 : i32
        %add3A_832 = arith.addi %mul3A_827, %mul3A_831 : i32
        %shift_right_arithmetic3A_833 = arith.constant 1 : i32
        %shift_right_arithmetic3A_834 = arith.shrsi %squeeze3A_823, %shift_right_arithmetic3A_833 : i32
        %mul3A_835 = arith.constant 256 : i32
        %mul3A_836 = arith.muli %shift_right_arithmetic3A_834, %mul3A_835 : i32
        %and3A_837 = arith.constant 1 : i32
        %and3A_838 = arith.andi %squeeze3A_823, %and3A_837 : i32
        %mul3A_839 = arith.constant 64 : i32
        %mul3A_840 = arith.muli %and3A_838, %mul3A_839 : i32
        %add3A_841 = arith.addi %mul3A_836, %mul3A_840 : i32
        %slice3A_842 = vector.extract_strided_slice %get3A_142 {offsets = [9], sizes = [1], strides = [1]} : vector<16xf32> to vector<1xf32>
        %squeeze3A_843 = vector.extract %slice3A_842[0] : f32 from vector<1xf32>
        %broadcast_in_dim3A_844 = vector.broadcast %squeeze3A_843 : f32 to vector<16xf32>
        %pack3A_845 = tpu.pack_subelements %broadcast_in_dim3A_844, %broadcast_in_dim3A_844 {pack_format = #tpu.pack_format<interleaved>, positions = array<i32: 0, 1>} : vector<16xf32>, vector<16xf32> -> vector<32xbf16>
        %add3A_846 = arith.constant 0 : i32
        %add3A_847 = arith.addi %add3A_832, %add3A_846 : i32
        %get3A_848 = arith.index_cast %add3A_847 : i32 to index
        %get3A_849 = tpu.vector_load %arg10[%get3A_848] {strides = array<i32>} : memref<98304xbf16, #tpu.memory_space<vmem>>, vector<32xbf16>,
        %mul3A_850 = arith.mulf %pack3A_845, %get3A_849 : vector<32xbf16>
        %add3A_851 = arith.addf %add3A_777, %mul3A_850 : vector<32xbf16>
        %add3A_852 = arith.constant 16 : i32
        %add3A_853 = arith.addi %add3A_832, %add3A_852 : i32
        %get3A_854 = arith.index_cast %add3A_853 : i32 to index
        %get3A_855 = tpu.vector_load %arg10[%get3A_854] {strides = array<i32>} : memref<98304xbf16, #tpu.memory_space<vmem>>, vector<32xbf16>,
        %mul3A_856 = arith.mulf %pack3A_845, %get3A_855 : vector<32xbf16>
        %add3A_857 = arith.addf %add3A_783, %mul3A_856 : vector<32xbf16>
        %add3A_858 = arith.constant 32 : i32
        %add3A_859 = arith.addi %add3A_832, %add3A_858 : i32
        %get3A_860 = arith.index_cast %add3A_859 : i32 to index
        %get3A_861 = tpu.vector_load %arg10[%get3A_860] {strides = array<i32>} : memref<98304xbf16, #tpu.memory_space<vmem>>, vector<32xbf16>,
        %mul3A_862 = arith.mulf %pack3A_845, %get3A_861 : vector<32xbf16>
        %add3A_863 = arith.addf %add3A_789, %mul3A_862 : vector<32xbf16>
        %add3A_864 = arith.constant 48 : i32
        %add3A_865 = arith.addi %add3A_832, %add3A_864 : i32
        %get3A_866 = arith.index_cast %add3A_865 : i32 to index
        %get3A_867 = tpu.vector_load %arg10[%get3A_866] {strides = array<i32>} : memref<98304xbf16, #tpu.memory_space<vmem>>, vector<32xbf16>,
        %mul3A_868 = arith.mulf %pack3A_845, %get3A_867 : vector<32xbf16>
        %add3A_869 = arith.addf %add3A_795, %mul3A_868 : vector<32xbf16>
        %add3A_870 = arith.constant 0 : i32
        %add3A_871 = arith.addi %add3A_841, %add3A_870 : i32
        %get3A_872 = arith.index_cast %add3A_871 : i32 to index
        %get3A_873 = tpu.vector_load %arg10[%get3A_872] {strides = array<i32>} : memref<98304xbf16, #tpu.memory_space<vmem>>, vector<32xbf16>,
        %mul3A_874 = arith.mulf %pack3A_845, %get3A_873 : vector<32xbf16>
        %add3A_875 = arith.addf %add3A_801, %mul3A_874 : vector<32xbf16>
        %add3A_876 = arith.constant 16 : i32
        %add3A_877 = arith.addi %add3A_841, %add3A_876 : i32
        %get3A_878 = arith.index_cast %add3A_877 : i32 to index
        %get3A_879 = tpu.vector_load %arg10[%get3A_878] {strides = array<i32>} : memref<98304xbf16, #tpu.memory_space<vmem>>, vector<32xbf16>,
        %mul3A_880 = arith.mulf %pack3A_845, %get3A_879 : vector<32xbf16>
        %add3A_881 = arith.addf %add3A_807, %mul3A_880 : vector<32xbf16>
        %add3A_882 = arith.constant 32 : i32
        %add3A_883 = arith.addi %add3A_841, %add3A_882 : i32
        %get3A_884 = arith.index_cast %add3A_883 : i32 to index
        %get3A_885 = tpu.vector_load %arg10[%get3A_884] {strides = array<i32>} : memref<98304xbf16, #tpu.memory_space<vmem>>, vector<32xbf16>,
        %mul3A_886 = arith.mulf %pack3A_845, %get3A_885 : vector<32xbf16>
        %add3A_887 = arith.addf %add3A_813, %mul3A_886 : vector<32xbf16>
        %add3A_888 = arith.constant 48 : i32
        %add3A_889 = arith.addi %add3A_841, %add3A_888 : i32
        %get3A_890 = arith.index_cast %add3A_889 : i32 to index
        %get3A_891 = tpu.vector_load %arg10[%get3A_890] {strides = array<i32>} : memref<98304xbf16, #tpu.memory_space<vmem>>, vector<32xbf16>,
        %mul3A_892 = arith.mulf %pack3A_845, %get3A_891 : vector<32xbf16>
        %add3A_893 = arith.addf %add3A_819, %mul3A_892 : vector<32xbf16>
        %slice3A_894 = vector.extract_strided_slice %get3A_122 {offsets = [10], sizes = [1], strides = [1]} : vector<16xi32> to vector<1xi32>
        %squeeze3A_895 = vector.extract %slice3A_894[0] : i32 from vector<1xi32>
        %slice3A_896 = vector.extract_strided_slice %get3A_132 {offsets = [10], sizes = [1], strides = [1]} : vector<16xi32> to vector<1xi32>
        %squeeze3A_897 = vector.extract %slice3A_896[0] : i32 from vector<1xi32>
        %shift_right_arithmetic3A_898 = arith.constant 1 : i32
        %shift_right_arithmetic3A_899 = arith.shrsi %squeeze3A_895, %shift_right_arithmetic3A_898 : i32
        %mul3A_900 = arith.constant 256 : i32
        %mul3A_901 = arith.muli %shift_right_arithmetic3A_899, %mul3A_900 : i32
        %and3A_902 = arith.constant 1 : i32
        %and3A_903 = arith.andi %squeeze3A_895, %and3A_902 : i32
        %mul3A_904 = arith.constant 64 : i32
        %mul3A_905 = arith.muli %and3A_903, %mul3A_904 : i32
        %add3A_906 = arith.addi %mul3A_901, %mul3A_905 : i32
        %shift_right_arithmetic3A_907 = arith.constant 1 : i32
        %shift_right_arithmetic3A_908 = arith.shrsi %squeeze3A_897, %shift_right_arithmetic3A_907 : i32
        %mul3A_909 = arith.constant 256 : i32
        %mul3A_910 = arith.muli %shift_right_arithmetic3A_908, %mul3A_909 : i32
        %and3A_911 = arith.constant 1 : i32
        %and3A_912 = arith.andi %squeeze3A_897, %and3A_911 : i32
        %mul3A_913 = arith.constant 64 : i32
        %mul3A_914 = arith.muli %and3A_912, %mul3A_913 : i32
        %add3A_915 = arith.addi %mul3A_910, %mul3A_914 : i32
        %slice3A_916 = vector.extract_strided_slice %get3A_142 {offsets = [10], sizes = [1], strides = [1]} : vector<16xf32> to vector<1xf32>
        %squeeze3A_917 = vector.extract %slice3A_916[0] : f32 from vector<1xf32>
        %broadcast_in_dim3A_918 = vector.broadcast %squeeze3A_917 : f32 to vector<16xf32>
        %pack3A_919 = tpu.pack_subelements %broadcast_in_dim3A_918, %broadcast_in_dim3A_918 {pack_format = #tpu.pack_format<interleaved>, positions = array<i32: 0, 1>} : vector<16xf32>, vector<16xf32> -> vector<32xbf16>
        %add3A_920 = arith.constant 0 : i32
        %add3A_921 = arith.addi %add3A_906, %add3A_920 : i32
        %get3A_922 = arith.index_cast %add3A_921 : i32 to index
        %get3A_923 = tpu.vector_load %arg10[%get3A_922] {strides = array<i32>} : memref<98304xbf16, #tpu.memory_space<vmem>>, vector<32xbf16>,
        %mul3A_924 = arith.mulf %pack3A_919, %get3A_923 : vector<32xbf16>
        %add3A_925 = arith.addf %add3A_851, %mul3A_924 : vector<32xbf16>
        %add3A_926 = arith.constant 16 : i32
        %add3A_927 = arith.addi %add3A_906, %add3A_926 : i32
        %get3A_928 = arith.index_cast %add3A_927 : i32 to index
        %get3A_929 = tpu.vector_load %arg10[%get3A_928] {strides = array<i32>} : memref<98304xbf16, #tpu.memory_space<vmem>>, vector<32xbf16>,
        %mul3A_930 = arith.mulf %pack3A_919, %get3A_929 : vector<32xbf16>
        %add3A_931 = arith.addf %add3A_857, %mul3A_930 : vector<32xbf16>
        %add3A_932 = arith.constant 32 : i32
        %add3A_933 = arith.addi %add3A_906, %add3A_932 : i32
        %get3A_934 = arith.index_cast %add3A_933 : i32 to index
        %get3A_935 = tpu.vector_load %arg10[%get3A_934] {strides = array<i32>} : memref<98304xbf16, #tpu.memory_space<vmem>>, vector<32xbf16>,
        %mul3A_936 = arith.mulf %pack3A_919, %get3A_935 : vector<32xbf16>
        %add3A_937 = arith.addf %add3A_863, %mul3A_936 : vector<32xbf16>
        %add3A_938 = arith.constant 48 : i32
        %add3A_939 = arith.addi %add3A_906, %add3A_938 : i32
        %get3A_940 = arith.index_cast %add3A_939 : i32 to index
        %get3A_941 = tpu.vector_load %arg10[%get3A_940] {strides = array<i32>} : memref<98304xbf16, #tpu.memory_space<vmem>>, vector<32xbf16>,
        %mul3A_942 = arith.mulf %pack3A_919, %get3A_941 : vector<32xbf16>
        %add3A_943 = arith.addf %add3A_869, %mul3A_942 : vector<32xbf16>
        %add3A_944 = arith.constant 0 : i32
        %add3A_945 = arith.addi %add3A_915, %add3A_944 : i32
        %get3A_946 = arith.index_cast %add3A_945 : i32 to index
        %get3A_947 = tpu.vector_load %arg10[%get3A_946] {strides = array<i32>} : memref<98304xbf16, #tpu.memory_space<vmem>>, vector<32xbf16>,
        %mul3A_948 = arith.mulf %pack3A_919, %get3A_947 : vector<32xbf16>
        %add3A_949 = arith.addf %add3A_875, %mul3A_948 : vector<32xbf16>
        %add3A_950 = arith.constant 16 : i32
        %add3A_951 = arith.addi %add3A_915, %add3A_950 : i32
        %get3A_952 = arith.index_cast %add3A_951 : i32 to index
        %get3A_953 = tpu.vector_load %arg10[%get3A_952] {strides = array<i32>} : memref<98304xbf16, #tpu.memory_space<vmem>>, vector<32xbf16>,
        %mul3A_954 = arith.mulf %pack3A_919, %get3A_953 : vector<32xbf16>
        %add3A_955 = arith.addf %add3A_881, %mul3A_954 : vector<32xbf16>
        %add3A_956 = arith.constant 32 : i32
        %add3A_957 = arith.addi %add3A_915, %add3A_956 : i32
        %get3A_958 = arith.index_cast %add3A_957 : i32 to index
        %get3A_959 = tpu.vector_load %arg10[%get3A_958] {strides = array<i32>} : memref<98304xbf16, #tpu.memory_space<vmem>>, vector<32xbf16>,
        %mul3A_960 = arith.mulf %pack3A_919, %get3A_959 : vector<32xbf16>
        %add3A_961 = arith.addf %add3A_887, %mul3A_960 : vector<32xbf16>
        %add3A_962 = arith.constant 48 : i32
        %add3A_963 = arith.addi %add3A_915, %add3A_962 : i32
        %get3A_964 = arith.index_cast %add3A_963 : i32 to index
        %get3A_965 = tpu.vector_load %arg10[%get3A_964] {strides = array<i32>} : memref<98304xbf16, #tpu.memory_space<vmem>>, vector<32xbf16>,
        %mul3A_966 = arith.mulf %pack3A_919, %get3A_965 : vector<32xbf16>
        %add3A_967 = arith.addf %add3A_893, %mul3A_966 : vector<32xbf16>
        %slice3A_968 = vector.extract_strided_slice %get3A_122 {offsets = [11], sizes = [1], strides = [1]} : vector<16xi32> to vector<1xi32>
        %squeeze3A_969 = vector.extract %slice3A_968[0] : i32 from vector<1xi32>
        %slice3A_970 = vector.extract_strided_slice %get3A_132 {offsets = [11], sizes = [1], strides = [1]} : vector<16xi32> to vector<1xi32>
        %squeeze3A_971 = vector.extract %slice3A_970[0] : i32 from vector<1xi32>
        %shift_right_arithmetic3A_972 = arith.constant 1 : i32
        %shift_right_arithmetic3A_973 = arith.shrsi %squeeze3A_969, %shift_right_arithmetic3A_972 : i32
        %mul3A_974 = arith.constant 256 : i32
        %mul3A_975 = arith.muli %shift_right_arithmetic3A_973, %mul3A_974 : i32
        %and3A_976 = arith.constant 1 : i32
        %and3A_977 = arith.andi %squeeze3A_969, %and3A_976 : i32
        %mul3A_978 = arith.constant 64 : i32
        %mul3A_979 = arith.muli %and3A_977, %mul3A_978 : i32
        %add3A_980 = arith.addi %mul3A_975, %mul3A_979 : i32
        %shift_right_arithmetic3A_981 = arith.constant 1 : i32
        %shift_right_arithmetic3A_982 = arith.shrsi %squeeze3A_971, %shift_right_arithmetic3A_981 : i32
        %mul3A_983 = arith.constant 256 : i32
        %mul3A_984 = arith.muli %shift_right_arithmetic3A_982, %mul3A_983 : i32
        %and3A_985 = arith.constant 1 : i32
        %and3A_986 = arith.andi %squeeze3A_971, %and3A_985 : i32
        %mul3A_987 = arith.constant 64 : i32
        %mul3A_988 = arith.muli %and3A_986, %mul3A_987 : i32
        %add3A_989 = arith.addi %mul3A_984, %mul3A_988 : i32
        %slice3A_990 = vector.extract_strided_slice %get3A_142 {offsets = [11], sizes = [1], strides = [1]} : vector<16xf32> to vector<1xf32>
        %squeeze3A_991 = vector.extract %slice3A_990[0] : f32 from vector<1xf32>
        %broadcast_in_dim3A_992 = vector.broadcast %squeeze3A_991 : f32 to vector<16xf32>
        %pack3A_993 = tpu.pack_subelements %broadcast_in_dim3A_992, %broadcast_in_dim3A_992 {pack_format = #tpu.pack_format<interleaved>, positions = array<i32: 0, 1>} : vector<16xf32>, vector<16xf32> -> vector<32xbf16>
        %add3A_994 = arith.constant 0 : i32
        %add3A_995 = arith.addi %add3A_980, %add3A_994 : i32
        %get3A_996 = arith.index_cast %add3A_995 : i32 to index
        %get3A_997 = tpu.vector_load %arg10[%get3A_996] {strides = array<i32>} : memref<98304xbf16, #tpu.memory_space<vmem>>, vector<32xbf16>,
        %mul3A_998 = arith.mulf %pack3A_993, %get3A_997 : vector<32xbf16>
        %add3A_999 = arith.addf %add3A_925, %mul3A_998 : vector<32xbf16>
        %add3A_1000 = arith.constant 16 : i32
        %add3A_1001 = arith.addi %add3A_980, %add3A_1000 : i32
        %get3A_1002 = arith.index_cast %add3A_1001 : i32 to index
        %get3A_1003 = tpu.vector_load %arg10[%get3A_1002] {strides = array<i32>} : memref<98304xbf16, #tpu.memory_space<vmem>>, vector<32xbf16>,
        %mul3A_1004 = arith.mulf %pack3A_993, %get3A_1003 : vector<32xbf16>
        %add3A_1005 = arith.addf %add3A_931, %mul3A_1004 : vector<32xbf16>
        %add3A_1006 = arith.constant 32 : i32
        %add3A_1007 = arith.addi %add3A_980, %add3A_1006 : i32
        %get3A_1008 = arith.index_cast %add3A_1007 : i32 to index
        %get3A_1009 = tpu.vector_load %arg10[%get3A_1008] {strides = array<i32>} : memref<98304xbf16, #tpu.memory_space<vmem>>, vector<32xbf16>,
        %mul3A_1010 = arith.mulf %pack3A_993, %get3A_1009 : vector<32xbf16>
        %add3A_1011 = arith.addf %add3A_937, %mul3A_1010 : vector<32xbf16>
        %add3A_1012 = arith.constant 48 : i32
        %add3A_1013 = arith.addi %add3A_980, %add3A_1012 : i32
        %get3A_1014 = arith.index_cast %add3A_1013 : i32 to index
        %get3A_1015 = tpu.vector_load %arg10[%get3A_1014] {strides = array<i32>} : memref<98304xbf16, #tpu.memory_space<vmem>>, vector<32xbf16>,
        %mul3A_1016 = arith.mulf %pack3A_993, %get3A_1015 : vector<32xbf16>
        %add3A_1017 = arith.addf %add3A_943, %mul3A_1016 : vector<32xbf16>
        %add3A_1018 = arith.constant 0 : i32
        %add3A_1019 = arith.addi %add3A_989, %add3A_1018 : i32
        %get3A_1020 = arith.index_cast %add3A_1019 : i32 to index
        %get3A_1021 = tpu.vector_load %arg10[%get3A_1020] {strides = array<i32>} : memref<98304xbf16, #tpu.memory_space<vmem>>, vector<32xbf16>,
        %mul3A_1022 = arith.mulf %pack3A_993, %get3A_1021 : vector<32xbf16>
        %add3A_1023 = arith.addf %add3A_949, %mul3A_1022 : vector<32xbf16>
        %add3A_1024 = arith.constant 16 : i32
        %add3A_1025 = arith.addi %add3A_989, %add3A_1024 : i32
        %get3A_1026 = arith.index_cast %add3A_1025 : i32 to index
        %get3A_1027 = tpu.vector_load %arg10[%get3A_1026] {strides = array<i32>} : memref<98304xbf16, #tpu.memory_space<vmem>>, vector<32xbf16>,
        %mul3A_1028 = arith.mulf %pack3A_993, %get3A_1027 : vector<32xbf16>
        %add3A_1029 = arith.addf %add3A_955, %mul3A_1028 : vector<32xbf16>
        %add3A_1030 = arith.constant 32 : i32
        %add3A_1031 = arith.addi %add3A_989, %add3A_1030 : i32
        %get3A_1032 = arith.index_cast %add3A_1031 : i32 to index
        %get3A_1033 = tpu.vector_load %arg10[%get3A_1032] {strides = array<i32>} : memref<98304xbf16, #tpu.memory_space<vmem>>, vector<32xbf16>,
        %mul3A_1034 = arith.mulf %pack3A_993, %get3A_1033 : vector<32xbf16>
        %add3A_1035 = arith.addf %add3A_961, %mul3A_1034 : vector<32xbf16>
        %add3A_1036 = arith.constant 48 : i32
        %add3A_1037 = arith.addi %add3A_989, %add3A_1036 : i32
        %get3A_1038 = arith.index_cast %add3A_1037 : i32 to index
        %get3A_1039 = tpu.vector_load %arg10[%get3A_1038] {strides = array<i32>} : memref<98304xbf16, #tpu.memory_space<vmem>>, vector<32xbf16>,
        %mul3A_1040 = arith.mulf %pack3A_993, %get3A_1039 : vector<32xbf16>
        %add3A_1041 = arith.addf %add3A_967, %mul3A_1040 : vector<32xbf16>
        %slice3A_1042 = vector.extract_strided_slice %get3A_122 {offsets = [12], sizes = [1], strides = [1]} : vector<16xi32> to vector<1xi32>
        %squeeze3A_1043 = vector.extract %slice3A_1042[0] : i32 from vector<1xi32>
        %slice3A_1044 = vector.extract_strided_slice %get3A_132 {offsets = [12], sizes = [1], strides = [1]} : vector<16xi32> to vector<1xi32>
        %squeeze3A_1045 = vector.extract %slice3A_1044[0] : i32 from vector<1xi32>
        %shift_right_arithmetic3A_1046 = arith.constant 1 : i32
        %shift_right_arithmetic3A_1047 = arith.shrsi %squeeze3A_1043, %shift_right_arithmetic3A_1046 : i32
        %mul3A_1048 = arith.constant 256 : i32
        %mul3A_1049 = arith.muli %shift_right_arithmetic3A_1047, %mul3A_1048 : i32
        %and3A_1050 = arith.constant 1 : i32
        %and3A_1051 = arith.andi %squeeze3A_1043, %and3A_1050 : i32
        %mul3A_1052 = arith.constant 64 : i32
        %mul3A_1053 = arith.muli %and3A_1051, %mul3A_1052 : i32
        %add3A_1054 = arith.addi %mul3A_1049, %mul3A_1053 : i32
        %shift_right_arithmetic3A_1055 = arith.constant 1 : i32
        %shift_right_arithmetic3A_1056 = arith.shrsi %squeeze3A_1045, %shift_right_arithmetic3A_1055 : i32
        %mul3A_1057 = arith.constant 256 : i32
        %mul3A_1058 = arith.muli %shift_right_arithmetic3A_1056, %mul3A_1057 : i32
        %and3A_1059 = arith.constant 1 : i32
        %and3A_1060 = arith.andi %squeeze3A_1045, %and3A_1059 : i32
        %mul3A_1061 = arith.constant 64 : i32
        %mul3A_1062 = arith.muli %and3A_1060, %mul3A_1061 : i32
        %add3A_1063 = arith.addi %mul3A_1058, %mul3A_1062 : i32
        %slice3A_1064 = vector.extract_strided_slice %get3A_142 {offsets = [12], sizes = [1], strides = [1]} : vector<16xf32> to vector<1xf32>
        %squeeze3A_1065 = vector.extract %slice3A_1064[0] : f32 from vector<1xf32>
        %broadcast_in_dim3A_1066 = vector.broadcast %squeeze3A_1065 : f32 to vector<16xf32>
        %pack3A_1067 = tpu.pack_subelements %broadcast_in_dim3A_1066, %broadcast_in_dim3A_1066 {pack_format = #tpu.pack_format<interleaved>, positions = array<i32: 0, 1>} : vector<16xf32>, vector<16xf32> -> vector<32xbf16>
        %add3A_1068 = arith.constant 0 : i32
        %add3A_1069 = arith.addi %add3A_1054, %add3A_1068 : i32
        %get3A_1070 = arith.index_cast %add3A_1069 : i32 to index
        %get3A_1071 = tpu.vector_load %arg10[%get3A_1070] {strides = array<i32>} : memref<98304xbf16, #tpu.memory_space<vmem>>, vector<32xbf16>,
        %mul3A_1072 = arith.mulf %pack3A_1067, %get3A_1071 : vector<32xbf16>
        %add3A_1073 = arith.addf %add3A_999, %mul3A_1072 : vector<32xbf16>
        %add3A_1074 = arith.constant 16 : i32
        %add3A_1075 = arith.addi %add3A_1054, %add3A_1074 : i32
        %get3A_1076 = arith.index_cast %add3A_1075 : i32 to index
        %get3A_1077 = tpu.vector_load %arg10[%get3A_1076] {strides = array<i32>} : memref<98304xbf16, #tpu.memory_space<vmem>>, vector<32xbf16>,
        %mul3A_1078 = arith.mulf %pack3A_1067, %get3A_1077 : vector<32xbf16>
        %add3A_1079 = arith.addf %add3A_1005, %mul3A_1078 : vector<32xbf16>
        %add3A_1080 = arith.constant 32 : i32
        %add3A_1081 = arith.addi %add3A_1054, %add3A_1080 : i32
        %get3A_1082 = arith.index_cast %add3A_1081 : i32 to index
        %get3A_1083 = tpu.vector_load %arg10[%get3A_1082] {strides = array<i32>} : memref<98304xbf16, #tpu.memory_space<vmem>>, vector<32xbf16>,
        %mul3A_1084 = arith.mulf %pack3A_1067, %get3A_1083 : vector<32xbf16>
        %add3A_1085 = arith.addf %add3A_1011, %mul3A_1084 : vector<32xbf16>
        %add3A_1086 = arith.constant 48 : i32
        %add3A_1087 = arith.addi %add3A_1054, %add3A_1086 : i32
        %get3A_1088 = arith.index_cast %add3A_1087 : i32 to index
        %get3A_1089 = tpu.vector_load %arg10[%get3A_1088] {strides = array<i32>} : memref<98304xbf16, #tpu.memory_space<vmem>>, vector<32xbf16>,
        %mul3A_1090 = arith.mulf %pack3A_1067, %get3A_1089 : vector<32xbf16>
        %add3A_1091 = arith.addf %add3A_1017, %mul3A_1090 : vector<32xbf16>
        %add3A_1092 = arith.constant 0 : i32
        %add3A_1093 = arith.addi %add3A_1063, %add3A_1092 : i32
        %get3A_1094 = arith.index_cast %add3A_1093 : i32 to index
        %get3A_1095 = tpu.vector_load %arg10[%get3A_1094] {strides = array<i32>} : memref<98304xbf16, #tpu.memory_space<vmem>>, vector<32xbf16>,
        %mul3A_1096 = arith.mulf %pack3A_1067, %get3A_1095 : vector<32xbf16>
        %add3A_1097 = arith.addf %add3A_1023, %mul3A_1096 : vector<32xbf16>
        %add3A_1098 = arith.constant 16 : i32
        %add3A_1099 = arith.addi %add3A_1063, %add3A_1098 : i32
        %get3A_1100 = arith.index_cast %add3A_1099 : i32 to index
        %get3A_1101 = tpu.vector_load %arg10[%get3A_1100] {strides = array<i32>} : memref<98304xbf16, #tpu.memory_space<vmem>>, vector<32xbf16>,
        %mul3A_1102 = arith.mulf %pack3A_1067, %get3A_1101 : vector<32xbf16>
        %add3A_1103 = arith.addf %add3A_1029, %mul3A_1102 : vector<32xbf16>
        %add3A_1104 = arith.constant 32 : i32
        %add3A_1105 = arith.addi %add3A_1063, %add3A_1104 : i32
        %get3A_1106 = arith.index_cast %add3A_1105 : i32 to index
        %get3A_1107 = tpu.vector_load %arg10[%get3A_1106] {strides = array<i32>} : memref<98304xbf16, #tpu.memory_space<vmem>>, vector<32xbf16>,
        %mul3A_1108 = arith.mulf %pack3A_1067, %get3A_1107 : vector<32xbf16>
        %add3A_1109 = arith.addf %add3A_1035, %mul3A_1108 : vector<32xbf16>
        %add3A_1110 = arith.constant 48 : i32
        %add3A_1111 = arith.addi %add3A_1063, %add3A_1110 : i32
        %get3A_1112 = arith.index_cast %add3A_1111 : i32 to index
        %get3A_1113 = tpu.vector_load %arg10[%get3A_1112] {strides = array<i32>} : memref<98304xbf16, #tpu.memory_space<vmem>>, vector<32xbf16>,
        %mul3A_1114 = arith.mulf %pack3A_1067, %get3A_1113 : vector<32xbf16>
        %add3A_1115 = arith.addf %add3A_1041, %mul3A_1114 : vector<32xbf16>
        %slice3A_1116 = vector.extract_strided_slice %get3A_122 {offsets = [13], sizes = [1], strides = [1]} : vector<16xi32> to vector<1xi32>
        %squeeze3A_1117 = vector.extract %slice3A_1116[0] : i32 from vector<1xi32>
        %slice3A_1118 = vector.extract_strided_slice %get3A_132 {offsets = [13], sizes = [1], strides = [1]} : vector<16xi32> to vector<1xi32>
        %squeeze3A_1119 = vector.extract %slice3A_1118[0] : i32 from vector<1xi32>
        %shift_right_arithmetic3A_1120 = arith.constant 1 : i32
        %shift_right_arithmetic3A_1121 = arith.shrsi %squeeze3A_1117, %shift_right_arithmetic3A_1120 : i32
        %mul3A_1122 = arith.constant 256 : i32
        %mul3A_1123 = arith.muli %shift_right_arithmetic3A_1121, %mul3A_1122 : i32
        %and3A_1124 = arith.constant 1 : i32
        %and3A_1125 = arith.andi %squeeze3A_1117, %and3A_1124 : i32
        %mul3A_1126 = arith.constant 64 : i32
        %mul3A_1127 = arith.muli %and3A_1125, %mul3A_1126 : i32
        %add3A_1128 = arith.addi %mul3A_1123, %mul3A_1127 : i32
        %shift_right_arithmetic3A_1129 = arith.constant 1 : i32
        %shift_right_arithmetic3A_1130 = arith.shrsi %squeeze3A_1119, %shift_right_arithmetic3A_1129 : i32
        %mul3A_1131 = arith.constant 256 : i32
        %mul3A_1132 = arith.muli %shift_right_arithmetic3A_1130, %mul3A_1131 : i32
        %and3A_1133 = arith.constant 1 : i32
        %and3A_1134 = arith.andi %squeeze3A_1119, %and3A_1133 : i32
        %mul3A_1135 = arith.constant 64 : i32
        %mul3A_1136 = arith.muli %and3A_1134, %mul3A_1135 : i32
        %add3A_1137 = arith.addi %mul3A_1132, %mul3A_1136 : i32
        %slice3A_1138 = vector.extract_strided_slice %get3A_142 {offsets = [13], sizes = [1], strides = [1]} : vector<16xf32> to vector<1xf32>
        %squeeze3A_1139 = vector.extract %slice3A_1138[0] : f32 from vector<1xf32>
        %broadcast_in_dim3A_1140 = vector.broadcast %squeeze3A_1139 : f32 to vector<16xf32>
        %pack3A_1141 = tpu.pack_subelements %broadcast_in_dim3A_1140, %broadcast_in_dim3A_1140 {pack_format = #tpu.pack_format<interleaved>, positions = array<i32: 0, 1>} : vector<16xf32>, vector<16xf32> -> vector<32xbf16>
        %add3A_1142 = arith.constant 0 : i32
        %add3A_1143 = arith.addi %add3A_1128, %add3A_1142 : i32
        %get3A_1144 = arith.index_cast %add3A_1143 : i32 to index
        %get3A_1145 = tpu.vector_load %arg10[%get3A_1144] {strides = array<i32>} : memref<98304xbf16, #tpu.memory_space<vmem>>, vector<32xbf16>,
        %mul3A_1146 = arith.mulf %pack3A_1141, %get3A_1145 : vector<32xbf16>
        %add3A_1147 = arith.addf %add3A_1073, %mul3A_1146 : vector<32xbf16>
        %add3A_1148 = arith.constant 16 : i32
        %add3A_1149 = arith.addi %add3A_1128, %add3A_1148 : i32
        %get3A_1150 = arith.index_cast %add3A_1149 : i32 to index
        %get3A_1151 = tpu.vector_load %arg10[%get3A_1150] {strides = array<i32>} : memref<98304xbf16, #tpu.memory_space<vmem>>, vector<32xbf16>,
        %mul3A_1152 = arith.mulf %pack3A_1141, %get3A_1151 : vector<32xbf16>
        %add3A_1153 = arith.addf %add3A_1079, %mul3A_1152 : vector<32xbf16>
        %add3A_1154 = arith.constant 32 : i32
        %add3A_1155 = arith.addi %add3A_1128, %add3A_1154 : i32
        %get3A_1156 = arith.index_cast %add3A_1155 : i32 to index
        %get3A_1157 = tpu.vector_load %arg10[%get3A_1156] {strides = array<i32>} : memref<98304xbf16, #tpu.memory_space<vmem>>, vector<32xbf16>,
        %mul3A_1158 = arith.mulf %pack3A_1141, %get3A_1157 : vector<32xbf16>
        %add3A_1159 = arith.addf %add3A_1085, %mul3A_1158 : vector<32xbf16>
        %add3A_1160 = arith.constant 48 : i32
        %add3A_1161 = arith.addi %add3A_1128, %add3A_1160 : i32
        %get3A_1162 = arith.index_cast %add3A_1161 : i32 to index
        %get3A_1163 = tpu.vector_load %arg10[%get3A_1162] {strides = array<i32>} : memref<98304xbf16, #tpu.memory_space<vmem>>, vector<32xbf16>,
        %mul3A_1164 = arith.mulf %pack3A_1141, %get3A_1163 : vector<32xbf16>
        %add3A_1165 = arith.addf %add3A_1091, %mul3A_1164 : vector<32xbf16>
        %add3A_1166 = arith.constant 0 : i32
        %add3A_1167 = arith.addi %add3A_1137, %add3A_1166 : i32
        %get3A_1168 = arith.index_cast %add3A_1167 : i32 to index
        %get3A_1169 = tpu.vector_load %arg10[%get3A_1168] {strides = array<i32>} : memref<98304xbf16, #tpu.memory_space<vmem>>, vector<32xbf16>,
        %mul3A_1170 = arith.mulf %pack3A_1141, %get3A_1169 : vector<32xbf16>
        %add3A_1171 = arith.addf %add3A_1097, %mul3A_1170 : vector<32xbf16>
        %add3A_1172 = arith.constant 16 : i32
        %add3A_1173 = arith.addi %add3A_1137, %add3A_1172 : i32
        %get3A_1174 = arith.index_cast %add3A_1173 : i32 to index
        %get3A_1175 = tpu.vector_load %arg10[%get3A_1174] {strides = array<i32>} : memref<98304xbf16, #tpu.memory_space<vmem>>, vector<32xbf16>,
        %mul3A_1176 = arith.mulf %pack3A_1141, %get3A_1175 : vector<32xbf16>
        %add3A_1177 = arith.addf %add3A_1103, %mul3A_1176 : vector<32xbf16>
        %add3A_1178 = arith.constant 32 : i32
        %add3A_1179 = arith.addi %add3A_1137, %add3A_1178 : i32
        %get3A_1180 = arith.index_cast %add3A_1179 : i32 to index
        %get3A_1181 = tpu.vector_load %arg10[%get3A_1180] {strides = array<i32>} : memref<98304xbf16, #tpu.memory_space<vmem>>, vector<32xbf16>,
        %mul3A_1182 = arith.mulf %pack3A_1141, %get3A_1181 : vector<32xbf16>
        %add3A_1183 = arith.addf %add3A_1109, %mul3A_1182 : vector<32xbf16>
        %add3A_1184 = arith.constant 48 : i32
        %add3A_1185 = arith.addi %add3A_1137, %add3A_1184 : i32
        %get3A_1186 = arith.index_cast %add3A_1185 : i32 to index
        %get3A_1187 = tpu.vector_load %arg10[%get3A_1186] {strides = array<i32>} : memref<98304xbf16, #tpu.memory_space<vmem>>, vector<32xbf16>,
        %mul3A_1188 = arith.mulf %pack3A_1141, %get3A_1187 : vector<32xbf16>
        %add3A_1189 = arith.addf %add3A_1115, %mul3A_1188 : vector<32xbf16>
        %slice3A_1190 = vector.extract_strided_slice %get3A_122 {offsets = [14], sizes = [1], strides = [1]} : vector<16xi32> to vector<1xi32>
        %squeeze3A_1191 = vector.extract %slice3A_1190[0] : i32 from vector<1xi32>
        %slice3A_1192 = vector.extract_strided_slice %get3A_132 {offsets = [14], sizes = [1], strides = [1]} : vector<16xi32> to vector<1xi32>
        %squeeze3A_1193 = vector.extract %slice3A_1192[0] : i32 from vector<1xi32>
        %shift_right_arithmetic3A_1194 = arith.constant 1 : i32
        %shift_right_arithmetic3A_1195 = arith.shrsi %squeeze3A_1191, %shift_right_arithmetic3A_1194 : i32
        %mul3A_1196 = arith.constant 256 : i32
        %mul3A_1197 = arith.muli %shift_right_arithmetic3A_1195, %mul3A_1196 : i32
        %and3A_1198 = arith.constant 1 : i32
        %and3A_1199 = arith.andi %squeeze3A_1191, %and3A_1198 : i32
        %mul3A_1200 = arith.constant 64 : i32
        %mul3A_1201 = arith.muli %and3A_1199, %mul3A_1200 : i32
        %add3A_1202 = arith.addi %mul3A_1197, %mul3A_1201 : i32
        %shift_right_arithmetic3A_1203 = arith.constant 1 : i32
        %shift_right_arithmetic3A_1204 = arith.shrsi %squeeze3A_1193, %shift_right_arithmetic3A_1203 : i32
        %mul3A_1205 = arith.constant 256 : i32
        %mul3A_1206 = arith.muli %shift_right_arithmetic3A_1204, %mul3A_1205 : i32
        %and3A_1207 = arith.constant 1 : i32
        %and3A_1208 = arith.andi %squeeze3A_1193, %and3A_1207 : i32
        %mul3A_1209 = arith.constant 64 : i32
        %mul3A_1210 = arith.muli %and3A_1208, %mul3A_1209 : i32
        %add3A_1211 = arith.addi %mul3A_1206, %mul3A_1210 : i32
        %slice3A_1212 = vector.extract_strided_slice %get3A_142 {offsets = [14], sizes = [1], strides = [1]} : vector<16xf32> to vector<1xf32>
        %squeeze3A_1213 = vector.extract %slice3A_1212[0] : f32 from vector<1xf32>
        %broadcast_in_dim3A_1214 = vector.broadcast %squeeze3A_1213 : f32 to vector<16xf32>
        %pack3A_1215 = tpu.pack_subelements %broadcast_in_dim3A_1214, %broadcast_in_dim3A_1214 {pack_format = #tpu.pack_format<interleaved>, positions = array<i32: 0, 1>} : vector<16xf32>, vector<16xf32> -> vector<32xbf16>
        %add3A_1216 = arith.constant 0 : i32
        %add3A_1217 = arith.addi %add3A_1202, %add3A_1216 : i32
        %get3A_1218 = arith.index_cast %add3A_1217 : i32 to index
        %get3A_1219 = tpu.vector_load %arg10[%get3A_1218] {strides = array<i32>} : memref<98304xbf16, #tpu.memory_space<vmem>>, vector<32xbf16>,
        %mul3A_1220 = arith.mulf %pack3A_1215, %get3A_1219 : vector<32xbf16>
        %add3A_1221 = arith.addf %add3A_1147, %mul3A_1220 : vector<32xbf16>
        %add3A_1222 = arith.constant 16 : i32
        %add3A_1223 = arith.addi %add3A_1202, %add3A_1222 : i32
        %get3A_1224 = arith.index_cast %add3A_1223 : i32 to index
        %get3A_1225 = tpu.vector_load %arg10[%get3A_1224] {strides = array<i32>} : memref<98304xbf16, #tpu.memory_space<vmem>>, vector<32xbf16>,
        %mul3A_1226 = arith.mulf %pack3A_1215, %get3A_1225 : vector<32xbf16>
        %add3A_1227 = arith.addf %add3A_1153, %mul3A_1226 : vector<32xbf16>
        %add3A_1228 = arith.constant 32 : i32
        %add3A_1229 = arith.addi %add3A_1202, %add3A_1228 : i32
        %get3A_1230 = arith.index_cast %add3A_1229 : i32 to index
        %get3A_1231 = tpu.vector_load %arg10[%get3A_1230] {strides = array<i32>} : memref<98304xbf16, #tpu.memory_space<vmem>>, vector<32xbf16>,
        %mul3A_1232 = arith.mulf %pack3A_1215, %get3A_1231 : vector<32xbf16>
        %add3A_1233 = arith.addf %add3A_1159, %mul3A_1232 : vector<32xbf16>
        %add3A_1234 = arith.constant 48 : i32
        %add3A_1235 = arith.addi %add3A_1202, %add3A_1234 : i32
        %get3A_1236 = arith.index_cast %add3A_1235 : i32 to index
        %get3A_1237 = tpu.vector_load %arg10[%get3A_1236] {strides = array<i32>} : memref<98304xbf16, #tpu.memory_space<vmem>>, vector<32xbf16>,
        %mul3A_1238 = arith.mulf %pack3A_1215, %get3A_1237 : vector<32xbf16>
        %add3A_1239 = arith.addf %add3A_1165, %mul3A_1238 : vector<32xbf16>
        %add3A_1240 = arith.constant 0 : i32
        %add3A_1241 = arith.addi %add3A_1211, %add3A_1240 : i32
        %get3A_1242 = arith.index_cast %add3A_1241 : i32 to index
        %get3A_1243 = tpu.vector_load %arg10[%get3A_1242] {strides = array<i32>} : memref<98304xbf16, #tpu.memory_space<vmem>>, vector<32xbf16>,
        %mul3A_1244 = arith.mulf %pack3A_1215, %get3A_1243 : vector<32xbf16>
        %add3A_1245 = arith.addf %add3A_1171, %mul3A_1244 : vector<32xbf16>
        %add3A_1246 = arith.constant 16 : i32
        %add3A_1247 = arith.addi %add3A_1211, %add3A_1246 : i32
        %get3A_1248 = arith.index_cast %add3A_1247 : i32 to index
        %get3A_1249 = tpu.vector_load %arg10[%get3A_1248] {strides = array<i32>} : memref<98304xbf16, #tpu.memory_space<vmem>>, vector<32xbf16>,
        %mul3A_1250 = arith.mulf %pack3A_1215, %get3A_1249 : vector<32xbf16>
        %add3A_1251 = arith.addf %add3A_1177, %mul3A_1250 : vector<32xbf16>
        %add3A_1252 = arith.constant 32 : i32
        %add3A_1253 = arith.addi %add3A_1211, %add3A_1252 : i32
        %get3A_1254 = arith.index_cast %add3A_1253 : i32 to index
        %get3A_1255 = tpu.vector_load %arg10[%get3A_1254] {strides = array<i32>} : memref<98304xbf16, #tpu.memory_space<vmem>>, vector<32xbf16>,
        %mul3A_1256 = arith.mulf %pack3A_1215, %get3A_1255 : vector<32xbf16>
        %add3A_1257 = arith.addf %add3A_1183, %mul3A_1256 : vector<32xbf16>
        %add3A_1258 = arith.constant 48 : i32
        %add3A_1259 = arith.addi %add3A_1211, %add3A_1258 : i32
        %get3A_1260 = arith.index_cast %add3A_1259 : i32 to index
        %get3A_1261 = tpu.vector_load %arg10[%get3A_1260] {strides = array<i32>} : memref<98304xbf16, #tpu.memory_space<vmem>>, vector<32xbf16>,
        %mul3A_1262 = arith.mulf %pack3A_1215, %get3A_1261 : vector<32xbf16>
        %add3A_1263 = arith.addf %add3A_1189, %mul3A_1262 : vector<32xbf16>
        %slice3A_1264 = vector.extract_strided_slice %get3A_122 {offsets = [15], sizes = [1], strides = [1]} : vector<16xi32> to vector<1xi32>
        %squeeze3A_1265 = vector.extract %slice3A_1264[0] : i32 from vector<1xi32>
        %slice3A_1266 = vector.extract_strided_slice %get3A_132 {offsets = [15], sizes = [1], strides = [1]} : vector<16xi32> to vector<1xi32>
        %squeeze3A_1267 = vector.extract %slice3A_1266[0] : i32 from vector<1xi32>
        %shift_right_arithmetic3A_1268 = arith.constant 1 : i32
        %shift_right_arithmetic3A_1269 = arith.shrsi %squeeze3A_1265, %shift_right_arithmetic3A_1268 : i32
        %mul3A_1270 = arith.constant 256 : i32
        %mul3A_1271 = arith.muli %shift_right_arithmetic3A_1269, %mul3A_1270 : i32
        %and3A_1272 = arith.constant 1 : i32
        %and3A_1273 = arith.andi %squeeze3A_1265, %and3A_1272 : i32
        %mul3A_1274 = arith.constant 64 : i32
        %mul3A_1275 = arith.muli %and3A_1273, %mul3A_1274 : i32
        %add3A_1276 = arith.addi %mul3A_1271, %mul3A_1275 : i32
        %shift_right_arithmetic3A_1277 = arith.constant 1 : i32
        %shift_right_arithmetic3A_1278 = arith.shrsi %squeeze3A_1267, %shift_right_arithmetic3A_1277 : i32
        %mul3A_1279 = arith.constant 256 : i32
        %mul3A_1280 = arith.muli %shift_right_arithmetic3A_1278, %mul3A_1279 : i32
        %and3A_1281 = arith.constant 1 : i32
        %and3A_1282 = arith.andi %squeeze3A_1267, %and3A_1281 : i32
        %mul3A_1283 = arith.constant 64 : i32
        %mul3A_1284 = arith.muli %and3A_1282, %mul3A_1283 : i32
        %add3A_1285 = arith.addi %mul3A_1280, %mul3A_1284 : i32
        %slice3A_1286 = vector.extract_strided_slice %get3A_142 {offsets = [15], sizes = [1], strides = [1]} : vector<16xf32> to vector<1xf32>
        %squeeze3A_1287 = vector.extract %slice3A_1286[0] : f32 from vector<1xf32>
        %broadcast_in_dim3A_1288 = vector.broadcast %squeeze3A_1287 : f32 to vector<16xf32>
        %pack3A_1289 = tpu.pack_subelements %broadcast_in_dim3A_1288, %broadcast_in_dim3A_1288 {pack_format = #tpu.pack_format<interleaved>, positions = array<i32: 0, 1>} : vector<16xf32>, vector<16xf32> -> vector<32xbf16>
        %add3A_1290 = arith.constant 0 : i32
        %add3A_1291 = arith.addi %add3A_1276, %add3A_1290 : i32
        %get3A_1292 = arith.index_cast %add3A_1291 : i32 to index
        %get3A_1293 = tpu.vector_load %arg10[%get3A_1292] {strides = array<i32>} : memref<98304xbf16, #tpu.memory_space<vmem>>, vector<32xbf16>,
        %mul3A_1294 = arith.mulf %pack3A_1289, %get3A_1293 : vector<32xbf16>
        %add3A_1295 = arith.addf %add3A_1221, %mul3A_1294 : vector<32xbf16>
        %add3A_1296 = arith.constant 16 : i32
        %add3A_1297 = arith.addi %add3A_1276, %add3A_1296 : i32
        %get3A_1298 = arith.index_cast %add3A_1297 : i32 to index
        %get3A_1299 = tpu.vector_load %arg10[%get3A_1298] {strides = array<i32>} : memref<98304xbf16, #tpu.memory_space<vmem>>, vector<32xbf16>,
        %mul3A_1300 = arith.mulf %pack3A_1289, %get3A_1299 : vector<32xbf16>
        %add3A_1301 = arith.addf %add3A_1227, %mul3A_1300 : vector<32xbf16>
        %add3A_1302 = arith.constant 32 : i32
        %add3A_1303 = arith.addi %add3A_1276, %add3A_1302 : i32
        %get3A_1304 = arith.index_cast %add3A_1303 : i32 to index
        %get3A_1305 = tpu.vector_load %arg10[%get3A_1304] {strides = array<i32>} : memref<98304xbf16, #tpu.memory_space<vmem>>, vector<32xbf16>,
        %mul3A_1306 = arith.mulf %pack3A_1289, %get3A_1305 : vector<32xbf16>
        %add3A_1307 = arith.addf %add3A_1233, %mul3A_1306 : vector<32xbf16>
        %add3A_1308 = arith.constant 48 : i32
        %add3A_1309 = arith.addi %add3A_1276, %add3A_1308 : i32
        %get3A_1310 = arith.index_cast %add3A_1309 : i32 to index
        %get3A_1311 = tpu.vector_load %arg10[%get3A_1310] {strides = array<i32>} : memref<98304xbf16, #tpu.memory_space<vmem>>, vector<32xbf16>,
        %mul3A_1312 = arith.mulf %pack3A_1289, %get3A_1311 : vector<32xbf16>
        %add3A_1313 = arith.addf %add3A_1239, %mul3A_1312 : vector<32xbf16>
        %add3A_1314 = arith.constant 0 : i32
        %add3A_1315 = arith.addi %add3A_1285, %add3A_1314 : i32
        %get3A_1316 = arith.index_cast %add3A_1315 : i32 to index
        %get3A_1317 = tpu.vector_load %arg10[%get3A_1316] {strides = array<i32>} : memref<98304xbf16, #tpu.memory_space<vmem>>, vector<32xbf16>,
        %mul3A_1318 = arith.mulf %pack3A_1289, %get3A_1317 : vector<32xbf16>
        %add3A_1319 = arith.addf %add3A_1245, %mul3A_1318 : vector<32xbf16>
        %add3A_1320 = arith.constant 16 : i32
        %add3A_1321 = arith.addi %add3A_1285, %add3A_1320 : i32
        %get3A_1322 = arith.index_cast %add3A_1321 : i32 to index
        %get3A_1323 = tpu.vector_load %arg10[%get3A_1322] {strides = array<i32>} : memref<98304xbf16, #tpu.memory_space<vmem>>, vector<32xbf16>,
        %mul3A_1324 = arith.mulf %pack3A_1289, %get3A_1323 : vector<32xbf16>
        %add3A_1325 = arith.addf %add3A_1251, %mul3A_1324 : vector<32xbf16>
        %add3A_1326 = arith.constant 32 : i32
        %add3A_1327 = arith.addi %add3A_1285, %add3A_1326 : i32
        %get3A_1328 = arith.index_cast %add3A_1327 : i32 to index
        %get3A_1329 = tpu.vector_load %arg10[%get3A_1328] {strides = array<i32>} : memref<98304xbf16, #tpu.memory_space<vmem>>, vector<32xbf16>,
        %mul3A_1330 = arith.mulf %pack3A_1289, %get3A_1329 : vector<32xbf16>
        %add3A_1331 = arith.addf %add3A_1257, %mul3A_1330 : vector<32xbf16>
        %add3A_1332 = arith.constant 48 : i32
        %add3A_1333 = arith.addi %add3A_1285, %add3A_1332 : i32
        %get3A_1334 = arith.index_cast %add3A_1333 : i32 to index
        %get3A_1335 = tpu.vector_load %arg10[%get3A_1334] {strides = array<i32>} : memref<98304xbf16, #tpu.memory_space<vmem>>, vector<32xbf16>,
        %mul3A_1336 = arith.mulf %pack3A_1289, %get3A_1335 : vector<32xbf16>
        %add3A_1337 = arith.addf %add3A_1263, %mul3A_1336 : vector<32xbf16>
        %slice3A_1338 = vector.extract_strided_slice %get3A_128 {offsets = [0], sizes = [1], strides = [1]} : vector<16xi32> to vector<1xi32>
        %squeeze3A_1339 = vector.extract %slice3A_1338[0] : i32 from vector<1xi32>
        %slice3A_1340 = vector.extract_strided_slice %get3A_138 {offsets = [0], sizes = [1], strides = [1]} : vector<16xi32> to vector<1xi32>
        %squeeze3A_1341 = vector.extract %slice3A_1340[0] : i32 from vector<1xi32>
        %shift_right_arithmetic3A_1342 = arith.constant 1 : i32
        %shift_right_arithmetic3A_1343 = arith.shrsi %squeeze3A_1339, %shift_right_arithmetic3A_1342 : i32
        %mul3A_1344 = arith.constant 256 : i32
        %mul3A_1345 = arith.muli %shift_right_arithmetic3A_1343, %mul3A_1344 : i32
        %and3A_1346 = arith.constant 1 : i32
        %and3A_1347 = arith.andi %squeeze3A_1339, %and3A_1346 : i32
        %mul3A_1348 = arith.constant 64 : i32
        %mul3A_1349 = arith.muli %and3A_1347, %mul3A_1348 : i32
        %add3A_1350 = arith.addi %mul3A_1345, %mul3A_1349 : i32
        %shift_right_arithmetic3A_1351 = arith.constant 1 : i32
        %shift_right_arithmetic3A_1352 = arith.shrsi %squeeze3A_1341, %shift_right_arithmetic3A_1351 : i32
        %mul3A_1353 = arith.constant 256 : i32
        %mul3A_1354 = arith.muli %shift_right_arithmetic3A_1352, %mul3A_1353 : i32
        %and3A_1355 = arith.constant 1 : i32
        %and3A_1356 = arith.andi %squeeze3A_1341, %and3A_1355 : i32
        %mul3A_1357 = arith.constant 64 : i32
        %mul3A_1358 = arith.muli %and3A_1356, %mul3A_1357 : i32
        %add3A_1359 = arith.addi %mul3A_1354, %mul3A_1358 : i32
        %slice3A_1360 = vector.extract_strided_slice %get3A_148 {offsets = [0], sizes = [1], strides = [1]} : vector<16xf32> to vector<1xf32>
        %squeeze3A_1361 = vector.extract %slice3A_1360[0] : f32 from vector<1xf32>
        %broadcast_in_dim3A_1362 = vector.broadcast %squeeze3A_1361 : f32 to vector<16xf32>
        %pack3A_1363 = tpu.pack_subelements %broadcast_in_dim3A_1362, %broadcast_in_dim3A_1362 {pack_format = #tpu.pack_format<interleaved>, positions = array<i32: 0, 1>} : vector<16xf32>, vector<16xf32> -> vector<32xbf16>
        %add3A_1364 = arith.constant 0 : i32
        %add3A_1365 = arith.addi %add3A_1350, %add3A_1364 : i32
        %get3A_1366 = arith.index_cast %add3A_1365 : i32 to index
        %get3A_1367 = tpu.vector_load %arg10[%get3A_1366] {strides = array<i32>} : memref<98304xbf16, #tpu.memory_space<vmem>>, vector<32xbf16>,
        %mul3A_1368 = arith.mulf %pack3A_1363, %get3A_1367 : vector<32xbf16>
        %add3A_1369 = arith.addf %add3A_1295, %mul3A_1368 : vector<32xbf16>
        %add3A_1370 = arith.constant 16 : i32
        %add3A_1371 = arith.addi %add3A_1350, %add3A_1370 : i32
        %get3A_1372 = arith.index_cast %add3A_1371 : i32 to index
        %get3A_1373 = tpu.vector_load %arg10[%get3A_1372] {strides = array<i32>} : memref<98304xbf16, #tpu.memory_space<vmem>>, vector<32xbf16>,
        %mul3A_1374 = arith.mulf %pack3A_1363, %get3A_1373 : vector<32xbf16>
        %add3A_1375 = arith.addf %add3A_1301, %mul3A_1374 : vector<32xbf16>
        %add3A_1376 = arith.constant 32 : i32
        %add3A_1377 = arith.addi %add3A_1350, %add3A_1376 : i32
        %get3A_1378 = arith.index_cast %add3A_1377 : i32 to index
        %get3A_1379 = tpu.vector_load %arg10[%get3A_1378] {strides = array<i32>} : memref<98304xbf16, #tpu.memory_space<vmem>>, vector<32xbf16>,
        %mul3A_1380 = arith.mulf %pack3A_1363, %get3A_1379 : vector<32xbf16>
        %add3A_1381 = arith.addf %add3A_1307, %mul3A_1380 : vector<32xbf16>
        %add3A_1382 = arith.constant 48 : i32
        %add3A_1383 = arith.addi %add3A_1350, %add3A_1382 : i32
        %get3A_1384 = arith.index_cast %add3A_1383 : i32 to index
        %get3A_1385 = tpu.vector_load %arg10[%get3A_1384] {strides = array<i32>} : memref<98304xbf16, #tpu.memory_space<vmem>>, vector<32xbf16>,
        %mul3A_1386 = arith.mulf %pack3A_1363, %get3A_1385 : vector<32xbf16>
        %add3A_1387 = arith.addf %add3A_1313, %mul3A_1386 : vector<32xbf16>
        %add3A_1388 = arith.constant 0 : i32
        %add3A_1389 = arith.addi %add3A_1359, %add3A_1388 : i32
        %get3A_1390 = arith.index_cast %add3A_1389 : i32 to index
        %get3A_1391 = tpu.vector_load %arg10[%get3A_1390] {strides = array<i32>} : memref<98304xbf16, #tpu.memory_space<vmem>>, vector<32xbf16>,
        %mul3A_1392 = arith.mulf %pack3A_1363, %get3A_1391 : vector<32xbf16>
        %add3A_1393 = arith.addf %add3A_1319, %mul3A_1392 : vector<32xbf16>
        %add3A_1394 = arith.constant 16 : i32
        %add3A_1395 = arith.addi %add3A_1359, %add3A_1394 : i32
        %get3A_1396 = arith.index_cast %add3A_1395 : i32 to index
        %get3A_1397 = tpu.vector_load %arg10[%get3A_1396] {strides = array<i32>} : memref<98304xbf16, #tpu.memory_space<vmem>>, vector<32xbf16>,
        %mul3A_1398 = arith.mulf %pack3A_1363, %get3A_1397 : vector<32xbf16>
        %add3A_1399 = arith.addf %add3A_1325, %mul3A_1398 : vector<32xbf16>
        %add3A_1400 = arith.constant 32 : i32
        %add3A_1401 = arith.addi %add3A_1359, %add3A_1400 : i32
        %get3A_1402 = arith.index_cast %add3A_1401 : i32 to index
        %get3A_1403 = tpu.vector_load %arg10[%get3A_1402] {strides = array<i32>} : memref<98304xbf16, #tpu.memory_space<vmem>>, vector<32xbf16>,
        %mul3A_1404 = arith.mulf %pack3A_1363, %get3A_1403 : vector<32xbf16>
        %add3A_1405 = arith.addf %add3A_1331, %mul3A_1404 : vector<32xbf16>
        %add3A_1406 = arith.constant 48 : i32
        %add3A_1407 = arith.addi %add3A_1359, %add3A_1406 : i32
        %get3A_1408 = arith.index_cast %add3A_1407 : i32 to index
        %get3A_1409 = tpu.vector_load %arg10[%get3A_1408] {strides = array<i32>} : memref<98304xbf16, #tpu.memory_space<vmem>>, vector<32xbf16>,
        %mul3A_1410 = arith.mulf %pack3A_1363, %get3A_1409 : vector<32xbf16>
        %add3A_1411 = arith.addf %add3A_1337, %mul3A_1410 : vector<32xbf16>
        %slice3A_1412 = vector.extract_strided_slice %get3A_128 {offsets = [1], sizes = [1], strides = [1]} : vector<16xi32> to vector<1xi32>
        %squeeze3A_1413 = vector.extract %slice3A_1412[0] : i32 from vector<1xi32>
        %slice3A_1414 = vector.extract_strided_slice %get3A_138 {offsets = [1], sizes = [1], strides = [1]} : vector<16xi32> to vector<1xi32>
        %squeeze3A_1415 = vector.extract %slice3A_1414[0] : i32 from vector<1xi32>
        %shift_right_arithmetic3A_1416 = arith.constant 1 : i32
        %shift_right_arithmetic3A_1417 = arith.shrsi %squeeze3A_1413, %shift_right_arithmetic3A_1416 : i32
        %mul3A_1418 = arith.constant 256 : i32
        %mul3A_1419 = arith.muli %shift_right_arithmetic3A_1417, %mul3A_1418 : i32
        %and3A_1420 = arith.constant 1 : i32
        %and3A_1421 = arith.andi %squeeze3A_1413, %and3A_1420 : i32
        %mul3A_1422 = arith.constant 64 : i32
        %mul3A_1423 = arith.muli %and3A_1421, %mul3A_1422 : i32
        %add3A_1424 = arith.addi %mul3A_1419, %mul3A_1423 : i32
        %shift_right_arithmetic3A_1425 = arith.constant 1 : i32
        %shift_right_arithmetic3A_1426 = arith.shrsi %squeeze3A_1415, %shift_right_arithmetic3A_1425 : i32
        %mul3A_1427 = arith.constant 256 : i32
        %mul3A_1428 = arith.muli %shift_right_arithmetic3A_1426, %mul3A_1427 : i32
        %and3A_1429 = arith.constant 1 : i32
        %and3A_1430 = arith.andi %squeeze3A_1415, %and3A_1429 : i32
        %mul3A_1431 = arith.constant 64 : i32
        %mul3A_1432 = arith.muli %and3A_1430, %mul3A_1431 : i32
        %add3A_1433 = arith.addi %mul3A_1428, %mul3A_1432 : i32
        %slice3A_1434 = vector.extract_strided_slice %get3A_148 {offsets = [1], sizes = [1], strides = [1]} : vector<16xf32> to vector<1xf32>
        %squeeze3A_1435 = vector.extract %slice3A_1434[0] : f32 from vector<1xf32>
        %broadcast_in_dim3A_1436 = vector.broadcast %squeeze3A_1435 : f32 to vector<16xf32>
        %pack3A_1437 = tpu.pack_subelements %broadcast_in_dim3A_1436, %broadcast_in_dim3A_1436 {pack_format = #tpu.pack_format<interleaved>, positions = array<i32: 0, 1>} : vector<16xf32>, vector<16xf32> -> vector<32xbf16>
        %add3A_1438 = arith.constant 0 : i32
        %add3A_1439 = arith.addi %add3A_1424, %add3A_1438 : i32
        %get3A_1440 = arith.index_cast %add3A_1439 : i32 to index
        %get3A_1441 = tpu.vector_load %arg10[%get3A_1440] {strides = array<i32>} : memref<98304xbf16, #tpu.memory_space<vmem>>, vector<32xbf16>,
        %mul3A_1442 = arith.mulf %pack3A_1437, %get3A_1441 : vector<32xbf16>
        %add3A_1443 = arith.addf %add3A_1369, %mul3A_1442 : vector<32xbf16>
        %add3A_1444 = arith.constant 16 : i32
        %add3A_1445 = arith.addi %add3A_1424, %add3A_1444 : i32
        %get3A_1446 = arith.index_cast %add3A_1445 : i32 to index
        %get3A_1447 = tpu.vector_load %arg10[%get3A_1446] {strides = array<i32>} : memref<98304xbf16, #tpu.memory_space<vmem>>, vector<32xbf16>,
        %mul3A_1448 = arith.mulf %pack3A_1437, %get3A_1447 : vector<32xbf16>
        %add3A_1449 = arith.addf %add3A_1375, %mul3A_1448 : vector<32xbf16>
        %add3A_1450 = arith.constant 32 : i32
        %add3A_1451 = arith.addi %add3A_1424, %add3A_1450 : i32
        %get3A_1452 = arith.index_cast %add3A_1451 : i32 to index
        %get3A_1453 = tpu.vector_load %arg10[%get3A_1452] {strides = array<i32>} : memref<98304xbf16, #tpu.memory_space<vmem>>, vector<32xbf16>,
        %mul3A_1454 = arith.mulf %pack3A_1437, %get3A_1453 : vector<32xbf16>
        %add3A_1455 = arith.addf %add3A_1381, %mul3A_1454 : vector<32xbf16>
        %add3A_1456 = arith.constant 48 : i32
        %add3A_1457 = arith.addi %add3A_1424, %add3A_1456 : i32
        %get3A_1458 = arith.index_cast %add3A_1457 : i32 to index
        %get3A_1459 = tpu.vector_load %arg10[%get3A_1458] {strides = array<i32>} : memref<98304xbf16, #tpu.memory_space<vmem>>, vector<32xbf16>,
        %mul3A_1460 = arith.mulf %pack3A_1437, %get3A_1459 : vector<32xbf16>
        %add3A_1461 = arith.addf %add3A_1387, %mul3A_1460 : vector<32xbf16>
        %add3A_1462 = arith.constant 0 : i32
        %add3A_1463 = arith.addi %add3A_1433, %add3A_1462 : i32
        %get3A_1464 = arith.index_cast %add3A_1463 : i32 to index
        %get3A_1465 = tpu.vector_load %arg10[%get3A_1464] {strides = array<i32>} : memref<98304xbf16, #tpu.memory_space<vmem>>, vector<32xbf16>,
        %mul3A_1466 = arith.mulf %pack3A_1437, %get3A_1465 : vector<32xbf16>
        %add3A_1467 = arith.addf %add3A_1393, %mul3A_1466 : vector<32xbf16>
        %add3A_1468 = arith.constant 16 : i32
        %add3A_1469 = arith.addi %add3A_1433, %add3A_1468 : i32
        %get3A_1470 = arith.index_cast %add3A_1469 : i32 to index
        %get3A_1471 = tpu.vector_load %arg10[%get3A_1470] {strides = array<i32>} : memref<98304xbf16, #tpu.memory_space<vmem>>, vector<32xbf16>,
        %mul3A_1472 = arith.mulf %pack3A_1437, %get3A_1471 : vector<32xbf16>
        %add3A_1473 = arith.addf %add3A_1399, %mul3A_1472 : vector<32xbf16>
        %add3A_1474 = arith.constant 32 : i32
        %add3A_1475 = arith.addi %add3A_1433, %add3A_1474 : i32
        %get3A_1476 = arith.index_cast %add3A_1475 : i32 to index
        %get3A_1477 = tpu.vector_load %arg10[%get3A_1476] {strides = array<i32>} : memref<98304xbf16, #tpu.memory_space<vmem>>, vector<32xbf16>,
        %mul3A_1478 = arith.mulf %pack3A_1437, %get3A_1477 : vector<32xbf16>
        %add3A_1479 = arith.addf %add3A_1405, %mul3A_1478 : vector<32xbf16>
        %add3A_1480 = arith.constant 48 : i32
        %add3A_1481 = arith.addi %add3A_1433, %add3A_1480 : i32
        %get3A_1482 = arith.index_cast %add3A_1481 : i32 to index
        %get3A_1483 = tpu.vector_load %arg10[%get3A_1482] {strides = array<i32>} : memref<98304xbf16, #tpu.memory_space<vmem>>, vector<32xbf16>,
        %mul3A_1484 = arith.mulf %pack3A_1437, %get3A_1483 : vector<32xbf16>
        %add3A_1485 = arith.addf %add3A_1411, %mul3A_1484 : vector<32xbf16>
        %slice3A_1486 = vector.extract_strided_slice %get3A_128 {offsets = [2], sizes = [1], strides = [1]} : vector<16xi32> to vector<1xi32>
        %squeeze3A_1487 = vector.extract %slice3A_1486[0] : i32 from vector<1xi32>
        %slice3A_1488 = vector.extract_strided_slice %get3A_138 {offsets = [2], sizes = [1], strides = [1]} : vector<16xi32> to vector<1xi32>
        %squeeze3A_1489 = vector.extract %slice3A_1488[0] : i32 from vector<1xi32>
        %shift_right_arithmetic3A_1490 = arith.constant 1 : i32
        %shift_right_arithmetic3A_1491 = arith.shrsi %squeeze3A_1487, %shift_right_arithmetic3A_1490 : i32
        %mul3A_1492 = arith.constant 256 : i32
        %mul3A_1493 = arith.muli %shift_right_arithmetic3A_1491, %mul3A_1492 : i32
        %and3A_1494 = arith.constant 1 : i32
        %and3A_1495 = arith.andi %squeeze3A_1487, %and3A_1494 : i32
        %mul3A_1496 = arith.constant 64 : i32
        %mul3A_1497 = arith.muli %and3A_1495, %mul3A_1496 : i32
        %add3A_1498 = arith.addi %mul3A_1493, %mul3A_1497 : i32
        %shift_right_arithmetic3A_1499 = arith.constant 1 : i32
        %shift_right_arithmetic3A_1500 = arith.shrsi %squeeze3A_1489, %shift_right_arithmetic3A_1499 : i32
        %mul3A_1501 = arith.constant 256 : i32
        %mul3A_1502 = arith.muli %shift_right_arithmetic3A_1500, %mul3A_1501 : i32
        %and3A_1503 = arith.constant 1 : i32
        %and3A_1504 = arith.andi %squeeze3A_1489, %and3A_1503 : i32
        %mul3A_1505 = arith.constant 64 : i32
        %mul3A_1506 = arith.muli %and3A_1504, %mul3A_1505 : i32
        %add3A_1507 = arith.addi %mul3A_1502, %mul3A_1506 : i32
        %slice3A_1508 = vector.extract_strided_slice %get3A_148 {offsets = [2], sizes = [1], strides = [1]} : vector<16xf32> to vector<1xf32>
        %squeeze3A_1509 = vector.extract %slice3A_1508[0] : f32 from vector<1xf32>
        %broadcast_in_dim3A_1510 = vector.broadcast %squeeze3A_1509 : f32 to vector<16xf32>
        %pack3A_1511 = tpu.pack_subelements %broadcast_in_dim3A_1510, %broadcast_in_dim3A_1510 {pack_format = #tpu.pack_format<interleaved>, positions = array<i32: 0, 1>} : vector<16xf32>, vector<16xf32> -> vector<32xbf16>
        %add3A_1512 = arith.constant 0 : i32
        %add3A_1513 = arith.addi %add3A_1498, %add3A_1512 : i32
        %get3A_1514 = arith.index_cast %add3A_1513 : i32 to index
        %get3A_1515 = tpu.vector_load %arg10[%get3A_1514] {strides = array<i32>} : memref<98304xbf16, #tpu.memory_space<vmem>>, vector<32xbf16>,
        %mul3A_1516 = arith.mulf %pack3A_1511, %get3A_1515 : vector<32xbf16>
        %add3A_1517 = arith.addf %add3A_1443, %mul3A_1516 : vector<32xbf16>
        %add3A_1518 = arith.constant 16 : i32
        %add3A_1519 = arith.addi %add3A_1498, %add3A_1518 : i32
        %get3A_1520 = arith.index_cast %add3A_1519 : i32 to index
        %get3A_1521 = tpu.vector_load %arg10[%get3A_1520] {strides = array<i32>} : memref<98304xbf16, #tpu.memory_space<vmem>>, vector<32xbf16>,
        %mul3A_1522 = arith.mulf %pack3A_1511, %get3A_1521 : vector<32xbf16>
        %add3A_1523 = arith.addf %add3A_1449, %mul3A_1522 : vector<32xbf16>
        %add3A_1524 = arith.constant 32 : i32
        %add3A_1525 = arith.addi %add3A_1498, %add3A_1524 : i32
        %get3A_1526 = arith.index_cast %add3A_1525 : i32 to index
        %get3A_1527 = tpu.vector_load %arg10[%get3A_1526] {strides = array<i32>} : memref<98304xbf16, #tpu.memory_space<vmem>>, vector<32xbf16>,
        %mul3A_1528 = arith.mulf %pack3A_1511, %get3A_1527 : vector<32xbf16>
        %add3A_1529 = arith.addf %add3A_1455, %mul3A_1528 : vector<32xbf16>
        %add3A_1530 = arith.constant 48 : i32
        %add3A_1531 = arith.addi %add3A_1498, %add3A_1530 : i32
        %get3A_1532 = arith.index_cast %add3A_1531 : i32 to index
        %get3A_1533 = tpu.vector_load %arg10[%get3A_1532] {strides = array<i32>} : memref<98304xbf16, #tpu.memory_space<vmem>>, vector<32xbf16>,
        %mul3A_1534 = arith.mulf %pack3A_1511, %get3A_1533 : vector<32xbf16>
        %add3A_1535 = arith.addf %add3A_1461, %mul3A_1534 : vector<32xbf16>
        %add3A_1536 = arith.constant 0 : i32
        %add3A_1537 = arith.addi %add3A_1507, %add3A_1536 : i32
        %get3A_1538 = arith.index_cast %add3A_1537 : i32 to index
        %get3A_1539 = tpu.vector_load %arg10[%get3A_1538] {strides = array<i32>} : memref<98304xbf16, #tpu.memory_space<vmem>>, vector<32xbf16>,
        %mul3A_1540 = arith.mulf %pack3A_1511, %get3A_1539 : vector<32xbf16>
        %add3A_1541 = arith.addf %add3A_1467, %mul3A_1540 : vector<32xbf16>
        %add3A_1542 = arith.constant 16 : i32
        %add3A_1543 = arith.addi %add3A_1507, %add3A_1542 : i32
        %get3A_1544 = arith.index_cast %add3A_1543 : i32 to index
        %get3A_1545 = tpu.vector_load %arg10[%get3A_1544] {strides = array<i32>} : memref<98304xbf16, #tpu.memory_space<vmem>>, vector<32xbf16>,
        %mul3A_1546 = arith.mulf %pack3A_1511, %get3A_1545 : vector<32xbf16>
        %add3A_1547 = arith.addf %add3A_1473, %mul3A_1546 : vector<32xbf16>
        %add3A_1548 = arith.constant 32 : i32
        %add3A_1549 = arith.addi %add3A_1507, %add3A_1548 : i32
        %get3A_1550 = arith.index_cast %add3A_1549 : i32 to index
        %get3A_1551 = tpu.vector_load %arg10[%get3A_1550] {strides = array<i32>} : memref<98304xbf16, #tpu.memory_space<vmem>>, vector<32xbf16>,
        %mul3A_1552 = arith.mulf %pack3A_1511, %get3A_1551 : vector<32xbf16>
        %add3A_1553 = arith.addf %add3A_1479, %mul3A_1552 : vector<32xbf16>
        %add3A_1554 = arith.constant 48 : i32
        %add3A_1555 = arith.addi %add3A_1507, %add3A_1554 : i32
        %get3A_1556 = arith.index_cast %add3A_1555 : i32 to index
        %get3A_1557 = tpu.vector_load %arg10[%get3A_1556] {strides = array<i32>} : memref<98304xbf16, #tpu.memory_space<vmem>>, vector<32xbf16>,
        %mul3A_1558 = arith.mulf %pack3A_1511, %get3A_1557 : vector<32xbf16>
        %add3A_1559 = arith.addf %add3A_1485, %mul3A_1558 : vector<32xbf16>
        %slice3A_1560 = vector.extract_strided_slice %get3A_128 {offsets = [3], sizes = [1], strides = [1]} : vector<16xi32> to vector<1xi32>
        %squeeze3A_1561 = vector.extract %slice3A_1560[0] : i32 from vector<1xi32>
        %slice3A_1562 = vector.extract_strided_slice %get3A_138 {offsets = [3], sizes = [1], strides = [1]} : vector<16xi32> to vector<1xi32>
        %squeeze3A_1563 = vector.extract %slice3A_1562[0] : i32 from vector<1xi32>
        %shift_right_arithmetic3A_1564 = arith.constant 1 : i32
        %shift_right_arithmetic3A_1565 = arith.shrsi %squeeze3A_1561, %shift_right_arithmetic3A_1564 : i32
        %mul3A_1566 = arith.constant 256 : i32
        %mul3A_1567 = arith.muli %shift_right_arithmetic3A_1565, %mul3A_1566 : i32
        %and3A_1568 = arith.constant 1 : i32
        %and3A_1569 = arith.andi %squeeze3A_1561, %and3A_1568 : i32
        %mul3A_1570 = arith.constant 64 : i32
        %mul3A_1571 = arith.muli %and3A_1569, %mul3A_1570 : i32
        %add3A_1572 = arith.addi %mul3A_1567, %mul3A_1571 : i32
        %shift_right_arithmetic3A_1573 = arith.constant 1 : i32
        %shift_right_arithmetic3A_1574 = arith.shrsi %squeeze3A_1563, %shift_right_arithmetic3A_1573 : i32
        %mul3A_1575 = arith.constant 256 : i32
        %mul3A_1576 = arith.muli %shift_right_arithmetic3A_1574, %mul3A_1575 : i32
        %and3A_1577 = arith.constant 1 : i32
        %and3A_1578 = arith.andi %squeeze3A_1563, %and3A_1577 : i32
        %mul3A_1579 = arith.constant 64 : i32
        %mul3A_1580 = arith.muli %and3A_1578, %mul3A_1579 : i32
        %add3A_1581 = arith.addi %mul3A_1576, %mul3A_1580 : i32
        %slice3A_1582 = vector.extract_strided_slice %get3A_148 {offsets = [3], sizes = [1], strides = [1]} : vector<16xf32> to vector<1xf32>
        %squeeze3A_1583 = vector.extract %slice3A_1582[0] : f32 from vector<1xf32>
        %broadcast_in_dim3A_1584 = vector.broadcast %squeeze3A_1583 : f32 to vector<16xf32>
        %pack3A_1585 = tpu.pack_subelements %broadcast_in_dim3A_1584, %broadcast_in_dim3A_1584 {pack_format = #tpu.pack_format<interleaved>, positions = array<i32: 0, 1>} : vector<16xf32>, vector<16xf32> -> vector<32xbf16>
        %add3A_1586 = arith.constant 0 : i32
        %add3A_1587 = arith.addi %add3A_1572, %add3A_1586 : i32
        %get3A_1588 = arith.index_cast %add3A_1587 : i32 to index
        %get3A_1589 = tpu.vector_load %arg10[%get3A_1588] {strides = array<i32>} : memref<98304xbf16, #tpu.memory_space<vmem>>, vector<32xbf16>,
        %mul3A_1590 = arith.mulf %pack3A_1585, %get3A_1589 : vector<32xbf16>
        %add3A_1591 = arith.addf %add3A_1517, %mul3A_1590 : vector<32xbf16>
        %add3A_1592 = arith.constant 16 : i32
        %add3A_1593 = arith.addi %add3A_1572, %add3A_1592 : i32
        %get3A_1594 = arith.index_cast %add3A_1593 : i32 to index
        %get3A_1595 = tpu.vector_load %arg10[%get3A_1594] {strides = array<i32>} : memref<98304xbf16, #tpu.memory_space<vmem>>, vector<32xbf16>,
        %mul3A_1596 = arith.mulf %pack3A_1585, %get3A_1595 : vector<32xbf16>
        %add3A_1597 = arith.addf %add3A_1523, %mul3A_1596 : vector<32xbf16>
        %add3A_1598 = arith.constant 32 : i32
        %add3A_1599 = arith.addi %add3A_1572, %add3A_1598 : i32
        %get3A_1600 = arith.index_cast %add3A_1599 : i32 to index
        %get3A_1601 = tpu.vector_load %arg10[%get3A_1600] {strides = array<i32>} : memref<98304xbf16, #tpu.memory_space<vmem>>, vector<32xbf16>,
        %mul3A_1602 = arith.mulf %pack3A_1585, %get3A_1601 : vector<32xbf16>
        %add3A_1603 = arith.addf %add3A_1529, %mul3A_1602 : vector<32xbf16>
        %add3A_1604 = arith.constant 48 : i32
        %add3A_1605 = arith.addi %add3A_1572, %add3A_1604 : i32
        %get3A_1606 = arith.index_cast %add3A_1605 : i32 to index
        %get3A_1607 = tpu.vector_load %arg10[%get3A_1606] {strides = array<i32>} : memref<98304xbf16, #tpu.memory_space<vmem>>, vector<32xbf16>,
        %mul3A_1608 = arith.mulf %pack3A_1585, %get3A_1607 : vector<32xbf16>
        %add3A_1609 = arith.addf %add3A_1535, %mul3A_1608 : vector<32xbf16>
        %add3A_1610 = arith.constant 0 : i32
        %add3A_1611 = arith.addi %add3A_1581, %add3A_1610 : i32
        %get3A_1612 = arith.index_cast %add3A_1611 : i32 to index
        %get3A_1613 = tpu.vector_load %arg10[%get3A_1612] {strides = array<i32>} : memref<98304xbf16, #tpu.memory_space<vmem>>, vector<32xbf16>,
        %mul3A_1614 = arith.mulf %pack3A_1585, %get3A_1613 : vector<32xbf16>
        %add3A_1615 = arith.addf %add3A_1541, %mul3A_1614 : vector<32xbf16>
        %add3A_1616 = arith.constant 16 : i32
        %add3A_1617 = arith.addi %add3A_1581, %add3A_1616 : i32
        %get3A_1618 = arith.index_cast %add3A_1617 : i32 to index
        %get3A_1619 = tpu.vector_load %arg10[%get3A_1618] {strides = array<i32>} : memref<98304xbf16, #tpu.memory_space<vmem>>, vector<32xbf16>,
        %mul3A_1620 = arith.mulf %pack3A_1585, %get3A_1619 : vector<32xbf16>
        %add3A_1621 = arith.addf %add3A_1547, %mul3A_1620 : vector<32xbf16>
        %add3A_1622 = arith.constant 32 : i32
        %add3A_1623 = arith.addi %add3A_1581, %add3A_1622 : i32
        %get3A_1624 = arith.index_cast %add3A_1623 : i32 to index
        %get3A_1625 = tpu.vector_load %arg10[%get3A_1624] {strides = array<i32>} : memref<98304xbf16, #tpu.memory_space<vmem>>, vector<32xbf16>,
        %mul3A_1626 = arith.mulf %pack3A_1585, %get3A_1625 : vector<32xbf16>
        %add3A_1627 = arith.addf %add3A_1553, %mul3A_1626 : vector<32xbf16>
        %add3A_1628 = arith.constant 48 : i32
        %add3A_1629 = arith.addi %add3A_1581, %add3A_1628 : i32
        %get3A_1630 = arith.index_cast %add3A_1629 : i32 to index
        %get3A_1631 = tpu.vector_load %arg10[%get3A_1630] {strides = array<i32>} : memref<98304xbf16, #tpu.memory_space<vmem>>, vector<32xbf16>,
        %mul3A_1632 = arith.mulf %pack3A_1585, %get3A_1631 : vector<32xbf16>
        %add3A_1633 = arith.addf %add3A_1559, %mul3A_1632 : vector<32xbf16>
        %slice3A_1634 = vector.extract_strided_slice %get3A_128 {offsets = [4], sizes = [1], strides = [1]} : vector<16xi32> to vector<1xi32>
        %squeeze3A_1635 = vector.extract %slice3A_1634[0] : i32 from vector<1xi32>
        %slice3A_1636 = vector.extract_strided_slice %get3A_138 {offsets = [4], sizes = [1], strides = [1]} : vector<16xi32> to vector<1xi32>
        %squeeze3A_1637 = vector.extract %slice3A_1636[0] : i32 from vector<1xi32>
        %shift_right_arithmetic3A_1638 = arith.constant 1 : i32
        %shift_right_arithmetic3A_1639 = arith.shrsi %squeeze3A_1635, %shift_right_arithmetic3A_1638 : i32
        %mul3A_1640 = arith.constant 256 : i32
        %mul3A_1641 = arith.muli %shift_right_arithmetic3A_1639, %mul3A_1640 : i32
        %and3A_1642 = arith.constant 1 : i32
        %and3A_1643 = arith.andi %squeeze3A_1635, %and3A_1642 : i32
        %mul3A_1644 = arith.constant 64 : i32
        %mul3A_1645 = arith.muli %and3A_1643, %mul3A_1644 : i32
        %add3A_1646 = arith.addi %mul3A_1641, %mul3A_1645 : i32
        %shift_right_arithmetic3A_1647 = arith.constant 1 : i32
        %shift_right_arithmetic3A_1648 = arith.shrsi %squeeze3A_1637, %shift_right_arithmetic3A_1647 : i32
        %mul3A_1649 = arith.constant 256 : i32
        %mul3A_1650 = arith.muli %shift_right_arithmetic3A_1648, %mul3A_1649 : i32
        %and3A_1651 = arith.constant 1 : i32
        %and3A_1652 = arith.andi %squeeze3A_1637, %and3A_1651 : i32
        %mul3A_1653 = arith.constant 64 : i32
        %mul3A_1654 = arith.muli %and3A_1652, %mul3A_1653 : i32
        %add3A_1655 = arith.addi %mul3A_1650, %mul3A_1654 : i32
        %slice3A_1656 = vector.extract_strided_slice %get3A_148 {offsets = [4], sizes = [1], strides = [1]} : vector<16xf32> to vector<1xf32>
        %squeeze3A_1657 = vector.extract %slice3A_1656[0] : f32 from vector<1xf32>
        %broadcast_in_dim3A_1658 = vector.broadcast %squeeze3A_1657 : f32 to vector<16xf32>
        %pack3A_1659 = tpu.pack_subelements %broadcast_in_dim3A_1658, %broadcast_in_dim3A_1658 {pack_format = #tpu.pack_format<interleaved>, positions = array<i32: 0, 1>} : vector<16xf32>, vector<16xf32> -> vector<32xbf16>
        %add3A_1660 = arith.constant 0 : i32
        %add3A_1661 = arith.addi %add3A_1646, %add3A_1660 : i32
        %get3A_1662 = arith.index_cast %add3A_1661 : i32 to index
        %get3A_1663 = tpu.vector_load %arg10[%get3A_1662] {strides = array<i32>} : memref<98304xbf16, #tpu.memory_space<vmem>>, vector<32xbf16>,
        %mul3A_1664 = arith.mulf %pack3A_1659, %get3A_1663 : vector<32xbf16>
        %add3A_1665 = arith.addf %add3A_1591, %mul3A_1664 : vector<32xbf16>
        %add3A_1666 = arith.constant 16 : i32
        %add3A_1667 = arith.addi %add3A_1646, %add3A_1666 : i32
        %get3A_1668 = arith.index_cast %add3A_1667 : i32 to index
        %get3A_1669 = tpu.vector_load %arg10[%get3A_1668] {strides = array<i32>} : memref<98304xbf16, #tpu.memory_space<vmem>>, vector<32xbf16>,
        %mul3A_1670 = arith.mulf %pack3A_1659, %get3A_1669 : vector<32xbf16>
        %add3A_1671 = arith.addf %add3A_1597, %mul3A_1670 : vector<32xbf16>
        %add3A_1672 = arith.constant 32 : i32
        %add3A_1673 = arith.addi %add3A_1646, %add3A_1672 : i32
        %get3A_1674 = arith.index_cast %add3A_1673 : i32 to index
        %get3A_1675 = tpu.vector_load %arg10[%get3A_1674] {strides = array<i32>} : memref<98304xbf16, #tpu.memory_space<vmem>>, vector<32xbf16>,
        %mul3A_1676 = arith.mulf %pack3A_1659, %get3A_1675 : vector<32xbf16>
        %add3A_1677 = arith.addf %add3A_1603, %mul3A_1676 : vector<32xbf16>
        %add3A_1678 = arith.constant 48 : i32
        %add3A_1679 = arith.addi %add3A_1646, %add3A_1678 : i32
        %get3A_1680 = arith.index_cast %add3A_1679 : i32 to index
        %get3A_1681 = tpu.vector_load %arg10[%get3A_1680] {strides = array<i32>} : memref<98304xbf16, #tpu.memory_space<vmem>>, vector<32xbf16>,
        %mul3A_1682 = arith.mulf %pack3A_1659, %get3A_1681 : vector<32xbf16>
        %add3A_1683 = arith.addf %add3A_1609, %mul3A_1682 : vector<32xbf16>
        %add3A_1684 = arith.constant 0 : i32
        %add3A_1685 = arith.addi %add3A_1655, %add3A_1684 : i32
        %get3A_1686 = arith.index_cast %add3A_1685 : i32 to index
        %get3A_1687 = tpu.vector_load %arg10[%get3A_1686] {strides = array<i32>} : memref<98304xbf16, #tpu.memory_space<vmem>>, vector<32xbf16>,
        %mul3A_1688 = arith.mulf %pack3A_1659, %get3A_1687 : vector<32xbf16>
        %add3A_1689 = arith.addf %add3A_1615, %mul3A_1688 : vector<32xbf16>
        %add3A_1690 = arith.constant 16 : i32
        %add3A_1691 = arith.addi %add3A_1655, %add3A_1690 : i32
        %get3A_1692 = arith.index_cast %add3A_1691 : i32 to index
        %get3A_1693 = tpu.vector_load %arg10[%get3A_1692] {strides = array<i32>} : memref<98304xbf16, #tpu.memory_space<vmem>>, vector<32xbf16>,
        %mul3A_1694 = arith.mulf %pack3A_1659, %get3A_1693 : vector<32xbf16>
        %add3A_1695 = arith.addf %add3A_1621, %mul3A_1694 : vector<32xbf16>
        %add3A_1696 = arith.constant 32 : i32
        %add3A_1697 = arith.addi %add3A_1655, %add3A_1696 : i32
        %get3A_1698 = arith.index_cast %add3A_1697 : i32 to index
        %get3A_1699 = tpu.vector_load %arg10[%get3A_1698] {strides = array<i32>} : memref<98304xbf16, #tpu.memory_space<vmem>>, vector<32xbf16>,
        %mul3A_1700 = arith.mulf %pack3A_1659, %get3A_1699 : vector<32xbf16>
        %add3A_1701 = arith.addf %add3A_1627, %mul3A_1700 : vector<32xbf16>
        %add3A_1702 = arith.constant 48 : i32
        %add3A_1703 = arith.addi %add3A_1655, %add3A_1702 : i32
        %get3A_1704 = arith.index_cast %add3A_1703 : i32 to index
        %get3A_1705 = tpu.vector_load %arg10[%get3A_1704] {strides = array<i32>} : memref<98304xbf16, #tpu.memory_space<vmem>>, vector<32xbf16>,
        %mul3A_1706 = arith.mulf %pack3A_1659, %get3A_1705 : vector<32xbf16>
        %add3A_1707 = arith.addf %add3A_1633, %mul3A_1706 : vector<32xbf16>
        %slice3A_1708 = vector.extract_strided_slice %get3A_128 {offsets = [5], sizes = [1], strides = [1]} : vector<16xi32> to vector<1xi32>
        %squeeze3A_1709 = vector.extract %slice3A_1708[0] : i32 from vector<1xi32>
        %slice3A_1710 = vector.extract_strided_slice %get3A_138 {offsets = [5], sizes = [1], strides = [1]} : vector<16xi32> to vector<1xi32>
        %squeeze3A_1711 = vector.extract %slice3A_1710[0] : i32 from vector<1xi32>
        %shift_right_arithmetic3A_1712 = arith.constant 1 : i32
        %shift_right_arithmetic3A_1713 = arith.shrsi %squeeze3A_1709, %shift_right_arithmetic3A_1712 : i32
        %mul3A_1714 = arith.constant 256 : i32
        %mul3A_1715 = arith.muli %shift_right_arithmetic3A_1713, %mul3A_1714 : i32
        %and3A_1716 = arith.constant 1 : i32
        %and3A_1717 = arith.andi %squeeze3A_1709, %and3A_1716 : i32
        %mul3A_1718 = arith.constant 64 : i32
        %mul3A_1719 = arith.muli %and3A_1717, %mul3A_1718 : i32
        %add3A_1720 = arith.addi %mul3A_1715, %mul3A_1719 : i32
        %shift_right_arithmetic3A_1721 = arith.constant 1 : i32
        %shift_right_arithmetic3A_1722 = arith.shrsi %squeeze3A_1711, %shift_right_arithmetic3A_1721 : i32
        %mul3A_1723 = arith.constant 256 : i32
        %mul3A_1724 = arith.muli %shift_right_arithmetic3A_1722, %mul3A_1723 : i32
        %and3A_1725 = arith.constant 1 : i32
        %and3A_1726 = arith.andi %squeeze3A_1711, %and3A_1725 : i32
        %mul3A_1727 = arith.constant 64 : i32
        %mul3A_1728 = arith.muli %and3A_1726, %mul3A_1727 : i32
        %add3A_1729 = arith.addi %mul3A_1724, %mul3A_1728 : i32
        %slice3A_1730 = vector.extract_strided_slice %get3A_148 {offsets = [5], sizes = [1], strides = [1]} : vector<16xf32> to vector<1xf32>
        %squeeze3A_1731 = vector.extract %slice3A_1730[0] : f32 from vector<1xf32>
        %broadcast_in_dim3A_1732 = vector.broadcast %squeeze3A_1731 : f32 to vector<16xf32>
        %pack3A_1733 = tpu.pack_subelements %broadcast_in_dim3A_1732, %broadcast_in_dim3A_1732 {pack_format = #tpu.pack_format<interleaved>, positions = array<i32: 0, 1>} : vector<16xf32>, vector<16xf32> -> vector<32xbf16>
        %add3A_1734 = arith.constant 0 : i32
        %add3A_1735 = arith.addi %add3A_1720, %add3A_1734 : i32
        %get3A_1736 = arith.index_cast %add3A_1735 : i32 to index
        %get3A_1737 = tpu.vector_load %arg10[%get3A_1736] {strides = array<i32>} : memref<98304xbf16, #tpu.memory_space<vmem>>, vector<32xbf16>,
        %mul3A_1738 = arith.mulf %pack3A_1733, %get3A_1737 : vector<32xbf16>
        %add3A_1739 = arith.addf %add3A_1665, %mul3A_1738 : vector<32xbf16>
        %add3A_1740 = arith.constant 16 : i32
        %add3A_1741 = arith.addi %add3A_1720, %add3A_1740 : i32
        %get3A_1742 = arith.index_cast %add3A_1741 : i32 to index
        %get3A_1743 = tpu.vector_load %arg10[%get3A_1742] {strides = array<i32>} : memref<98304xbf16, #tpu.memory_space<vmem>>, vector<32xbf16>,
        %mul3A_1744 = arith.mulf %pack3A_1733, %get3A_1743 : vector<32xbf16>
        %add3A_1745 = arith.addf %add3A_1671, %mul3A_1744 : vector<32xbf16>
        %add3A_1746 = arith.constant 32 : i32
        %add3A_1747 = arith.addi %add3A_1720, %add3A_1746 : i32
        %get3A_1748 = arith.index_cast %add3A_1747 : i32 to index
        %get3A_1749 = tpu.vector_load %arg10[%get3A_1748] {strides = array<i32>} : memref<98304xbf16, #tpu.memory_space<vmem>>, vector<32xbf16>,
        %mul3A_1750 = arith.mulf %pack3A_1733, %get3A_1749 : vector<32xbf16>
        %add3A_1751 = arith.addf %add3A_1677, %mul3A_1750 : vector<32xbf16>
        %add3A_1752 = arith.constant 48 : i32
        %add3A_1753 = arith.addi %add3A_1720, %add3A_1752 : i32
        %get3A_1754 = arith.index_cast %add3A_1753 : i32 to index
        %get3A_1755 = tpu.vector_load %arg10[%get3A_1754] {strides = array<i32>} : memref<98304xbf16, #tpu.memory_space<vmem>>, vector<32xbf16>,
        %mul3A_1756 = arith.mulf %pack3A_1733, %get3A_1755 : vector<32xbf16>
        %add3A_1757 = arith.addf %add3A_1683, %mul3A_1756 : vector<32xbf16>
        %add3A_1758 = arith.constant 0 : i32
        %add3A_1759 = arith.addi %add3A_1729, %add3A_1758 : i32
        %get3A_1760 = arith.index_cast %add3A_1759 : i32 to index
        %get3A_1761 = tpu.vector_load %arg10[%get3A_1760] {strides = array<i32>} : memref<98304xbf16, #tpu.memory_space<vmem>>, vector<32xbf16>,
        %mul3A_1762 = arith.mulf %pack3A_1733, %get3A_1761 : vector<32xbf16>
        %add3A_1763 = arith.addf %add3A_1689, %mul3A_1762 : vector<32xbf16>
        %add3A_1764 = arith.constant 16 : i32
        %add3A_1765 = arith.addi %add3A_1729, %add3A_1764 : i32
        %get3A_1766 = arith.index_cast %add3A_1765 : i32 to index
        %get3A_1767 = tpu.vector_load %arg10[%get3A_1766] {strides = array<i32>} : memref<98304xbf16, #tpu.memory_space<vmem>>, vector<32xbf16>,
        %mul3A_1768 = arith.mulf %pack3A_1733, %get3A_1767 : vector<32xbf16>
        %add3A_1769 = arith.addf %add3A_1695, %mul3A_1768 : vector<32xbf16>
        %add3A_1770 = arith.constant 32 : i32
        %add3A_1771 = arith.addi %add3A_1729, %add3A_1770 : i32
        %get3A_1772 = arith.index_cast %add3A_1771 : i32 to index
        %get3A_1773 = tpu.vector_load %arg10[%get3A_1772] {strides = array<i32>} : memref<98304xbf16, #tpu.memory_space<vmem>>, vector<32xbf16>,
        %mul3A_1774 = arith.mulf %pack3A_1733, %get3A_1773 : vector<32xbf16>
        %add3A_1775 = arith.addf %add3A_1701, %mul3A_1774 : vector<32xbf16>
        %add3A_1776 = arith.constant 48 : i32
        %add3A_1777 = arith.addi %add3A_1729, %add3A_1776 : i32
        %get3A_1778 = arith.index_cast %add3A_1777 : i32 to index
        %get3A_1779 = tpu.vector_load %arg10[%get3A_1778] {strides = array<i32>} : memref<98304xbf16, #tpu.memory_space<vmem>>, vector<32xbf16>,
        %mul3A_1780 = arith.mulf %pack3A_1733, %get3A_1779 : vector<32xbf16>
        %add3A_1781 = arith.addf %add3A_1707, %mul3A_1780 : vector<32xbf16>
        %slice3A_1782 = vector.extract_strided_slice %get3A_128 {offsets = [6], sizes = [1], strides = [1]} : vector<16xi32> to vector<1xi32>
        %squeeze3A_1783 = vector.extract %slice3A_1782[0] : i32 from vector<1xi32>
        %slice3A_1784 = vector.extract_strided_slice %get3A_138 {offsets = [6], sizes = [1], strides = [1]} : vector<16xi32> to vector<1xi32>
        %squeeze3A_1785 = vector.extract %slice3A_1784[0] : i32 from vector<1xi32>
        %shift_right_arithmetic3A_1786 = arith.constant 1 : i32
        %shift_right_arithmetic3A_1787 = arith.shrsi %squeeze3A_1783, %shift_right_arithmetic3A_1786 : i32
        %mul3A_1788 = arith.constant 256 : i32
        %mul3A_1789 = arith.muli %shift_right_arithmetic3A_1787, %mul3A_1788 : i32
        %and3A_1790 = arith.constant 1 : i32
        %and3A_1791 = arith.andi %squeeze3A_1783, %and3A_1790 : i32
        %mul3A_1792 = arith.constant 64 : i32
        %mul3A_1793 = arith.muli %and3A_1791, %mul3A_1792 : i32
        %add3A_1794 = arith.addi %mul3A_1789, %mul3A_1793 : i32
        %shift_right_arithmetic3A_1795 = arith.constant 1 : i32
        %shift_right_arithmetic3A_1796 = arith.shrsi %squeeze3A_1785, %shift_right_arithmetic3A_1795 : i32
        %mul3A_1797 = arith.constant 256 : i32
        %mul3A_1798 = arith.muli %shift_right_arithmetic3A_1796, %mul3A_1797 : i32
        %and3A_1799 = arith.constant 1 : i32
        %and3A_1800 = arith.andi %squeeze3A_1785, %and3A_1799 : i32
        %mul3A_1801 = arith.constant 64 : i32
        %mul3A_1802 = arith.muli %and3A_1800, %mul3A_1801 : i32
        %add3A_1803 = arith.addi %mul3A_1798, %mul3A_1802 : i32
        %slice3A_1804 = vector.extract_strided_slice %get3A_148 {offsets = [6], sizes = [1], strides = [1]} : vector<16xf32> to vector<1xf32>
        %squeeze3A_1805 = vector.extract %slice3A_1804[0] : f32 from vector<1xf32>
        %broadcast_in_dim3A_1806 = vector.broadcast %squeeze3A_1805 : f32 to vector<16xf32>
        %pack3A_1807 = tpu.pack_subelements %broadcast_in_dim3A_1806, %broadcast_in_dim3A_1806 {pack_format = #tpu.pack_format<interleaved>, positions = array<i32: 0, 1>} : vector<16xf32>, vector<16xf32> -> vector<32xbf16>
        %add3A_1808 = arith.constant 0 : i32
        %add3A_1809 = arith.addi %add3A_1794, %add3A_1808 : i32
        %get3A_1810 = arith.index_cast %add3A_1809 : i32 to index
        %get3A_1811 = tpu.vector_load %arg10[%get3A_1810] {strides = array<i32>} : memref<98304xbf16, #tpu.memory_space<vmem>>, vector<32xbf16>,
        %mul3A_1812 = arith.mulf %pack3A_1807, %get3A_1811 : vector<32xbf16>
        %add3A_1813 = arith.addf %add3A_1739, %mul3A_1812 : vector<32xbf16>
        %add3A_1814 = arith.constant 16 : i32
        %add3A_1815 = arith.addi %add3A_1794, %add3A_1814 : i32
        %get3A_1816 = arith.index_cast %add3A_1815 : i32 to index
        %get3A_1817 = tpu.vector_load %arg10[%get3A_1816] {strides = array<i32>} : memref<98304xbf16, #tpu.memory_space<vmem>>, vector<32xbf16>,
        %mul3A_1818 = arith.mulf %pack3A_1807, %get3A_1817 : vector<32xbf16>
        %add3A_1819 = arith.addf %add3A_1745, %mul3A_1818 : vector<32xbf16>
        %add3A_1820 = arith.constant 32 : i32
        %add3A_1821 = arith.addi %add3A_1794, %add3A_1820 : i32
        %get3A_1822 = arith.index_cast %add3A_1821 : i32 to index
        %get3A_1823 = tpu.vector_load %arg10[%get3A_1822] {strides = array<i32>} : memref<98304xbf16, #tpu.memory_space<vmem>>, vector<32xbf16>,
        %mul3A_1824 = arith.mulf %pack3A_1807, %get3A_1823 : vector<32xbf16>
        %add3A_1825 = arith.addf %add3A_1751, %mul3A_1824 : vector<32xbf16>
        %add3A_1826 = arith.constant 48 : i32
        %add3A_1827 = arith.addi %add3A_1794, %add3A_1826 : i32
        %get3A_1828 = arith.index_cast %add3A_1827 : i32 to index
        %get3A_1829 = tpu.vector_load %arg10[%get3A_1828] {strides = array<i32>} : memref<98304xbf16, #tpu.memory_space<vmem>>, vector<32xbf16>,
        %mul3A_1830 = arith.mulf %pack3A_1807, %get3A_1829 : vector<32xbf16>
        %add3A_1831 = arith.addf %add3A_1757, %mul3A_1830 : vector<32xbf16>
        %add3A_1832 = arith.constant 0 : i32
        %add3A_1833 = arith.addi %add3A_1803, %add3A_1832 : i32
        %get3A_1834 = arith.index_cast %add3A_1833 : i32 to index
        %get3A_1835 = tpu.vector_load %arg10[%get3A_1834] {strides = array<i32>} : memref<98304xbf16, #tpu.memory_space<vmem>>, vector<32xbf16>,
        %mul3A_1836 = arith.mulf %pack3A_1807, %get3A_1835 : vector<32xbf16>
        %add3A_1837 = arith.addf %add3A_1763, %mul3A_1836 : vector<32xbf16>
        %add3A_1838 = arith.constant 16 : i32
        %add3A_1839 = arith.addi %add3A_1803, %add3A_1838 : i32
        %get3A_1840 = arith.index_cast %add3A_1839 : i32 to index
        %get3A_1841 = tpu.vector_load %arg10[%get3A_1840] {strides = array<i32>} : memref<98304xbf16, #tpu.memory_space<vmem>>, vector<32xbf16>,
        %mul3A_1842 = arith.mulf %pack3A_1807, %get3A_1841 : vector<32xbf16>
        %add3A_1843 = arith.addf %add3A_1769, %mul3A_1842 : vector<32xbf16>
        %add3A_1844 = arith.constant 32 : i32
        %add3A_1845 = arith.addi %add3A_1803, %add3A_1844 : i32
        %get3A_1846 = arith.index_cast %add3A_1845 : i32 to index
        %get3A_1847 = tpu.vector_load %arg10[%get3A_1846] {strides = array<i32>} : memref<98304xbf16, #tpu.memory_space<vmem>>, vector<32xbf16>,
        %mul3A_1848 = arith.mulf %pack3A_1807, %get3A_1847 : vector<32xbf16>
        %add3A_1849 = arith.addf %add3A_1775, %mul3A_1848 : vector<32xbf16>
        %add3A_1850 = arith.constant 48 : i32
        %add3A_1851 = arith.addi %add3A_1803, %add3A_1850 : i32
        %get3A_1852 = arith.index_cast %add3A_1851 : i32 to index
        %get3A_1853 = tpu.vector_load %arg10[%get3A_1852] {strides = array<i32>} : memref<98304xbf16, #tpu.memory_space<vmem>>, vector<32xbf16>,
        %mul3A_1854 = arith.mulf %pack3A_1807, %get3A_1853 : vector<32xbf16>
        %add3A_1855 = arith.addf %add3A_1781, %mul3A_1854 : vector<32xbf16>
        %slice3A_1856 = vector.extract_strided_slice %get3A_128 {offsets = [7], sizes = [1], strides = [1]} : vector<16xi32> to vector<1xi32>
        %squeeze3A_1857 = vector.extract %slice3A_1856[0] : i32 from vector<1xi32>
        %slice3A_1858 = vector.extract_strided_slice %get3A_138 {offsets = [7], sizes = [1], strides = [1]} : vector<16xi32> to vector<1xi32>
        %squeeze3A_1859 = vector.extract %slice3A_1858[0] : i32 from vector<1xi32>
        %shift_right_arithmetic3A_1860 = arith.constant 1 : i32
        %shift_right_arithmetic3A_1861 = arith.shrsi %squeeze3A_1857, %shift_right_arithmetic3A_1860 : i32
        %mul3A_1862 = arith.constant 256 : i32
        %mul3A_1863 = arith.muli %shift_right_arithmetic3A_1861, %mul3A_1862 : i32
        %and3A_1864 = arith.constant 1 : i32
        %and3A_1865 = arith.andi %squeeze3A_1857, %and3A_1864 : i32
        %mul3A_1866 = arith.constant 64 : i32
        %mul3A_1867 = arith.muli %and3A_1865, %mul3A_1866 : i32
        %add3A_1868 = arith.addi %mul3A_1863, %mul3A_1867 : i32
        %shift_right_arithmetic3A_1869 = arith.constant 1 : i32
        %shift_right_arithmetic3A_1870 = arith.shrsi %squeeze3A_1859, %shift_right_arithmetic3A_1869 : i32
        %mul3A_1871 = arith.constant 256 : i32
        %mul3A_1872 = arith.muli %shift_right_arithmetic3A_1870, %mul3A_1871 : i32
        %and3A_1873 = arith.constant 1 : i32
        %and3A_1874 = arith.andi %squeeze3A_1859, %and3A_1873 : i32
        %mul3A_1875 = arith.constant 64 : i32
        %mul3A_1876 = arith.muli %and3A_1874, %mul3A_1875 : i32
        %add3A_1877 = arith.addi %mul3A_1872, %mul3A_1876 : i32
        %slice3A_1878 = vector.extract_strided_slice %get3A_148 {offsets = [7], sizes = [1], strides = [1]} : vector<16xf32> to vector<1xf32>
        %squeeze3A_1879 = vector.extract %slice3A_1878[0] : f32 from vector<1xf32>
        %broadcast_in_dim3A_1880 = vector.broadcast %squeeze3A_1879 : f32 to vector<16xf32>
        %pack3A_1881 = tpu.pack_subelements %broadcast_in_dim3A_1880, %broadcast_in_dim3A_1880 {pack_format = #tpu.pack_format<interleaved>, positions = array<i32: 0, 1>} : vector<16xf32>, vector<16xf32> -> vector<32xbf16>
        %add3A_1882 = arith.constant 0 : i32
        %add3A_1883 = arith.addi %add3A_1868, %add3A_1882 : i32
        %get3A_1884 = arith.index_cast %add3A_1883 : i32 to index
        %get3A_1885 = tpu.vector_load %arg10[%get3A_1884] {strides = array<i32>} : memref<98304xbf16, #tpu.memory_space<vmem>>, vector<32xbf16>,
        %mul3A_1886 = arith.mulf %pack3A_1881, %get3A_1885 : vector<32xbf16>
        %add3A_1887 = arith.addf %add3A_1813, %mul3A_1886 : vector<32xbf16>
        %add3A_1888 = arith.constant 16 : i32
        %add3A_1889 = arith.addi %add3A_1868, %add3A_1888 : i32
        %get3A_1890 = arith.index_cast %add3A_1889 : i32 to index
        %get3A_1891 = tpu.vector_load %arg10[%get3A_1890] {strides = array<i32>} : memref<98304xbf16, #tpu.memory_space<vmem>>, vector<32xbf16>,
        %mul3A_1892 = arith.mulf %pack3A_1881, %get3A_1891 : vector<32xbf16>
        %add3A_1893 = arith.addf %add3A_1819, %mul3A_1892 : vector<32xbf16>
        %add3A_1894 = arith.constant 32 : i32
        %add3A_1895 = arith.addi %add3A_1868, %add3A_1894 : i32
        %get3A_1896 = arith.index_cast %add3A_1895 : i32 to index
        %get3A_1897 = tpu.vector_load %arg10[%get3A_1896] {strides = array<i32>} : memref<98304xbf16, #tpu.memory_space<vmem>>, vector<32xbf16>,
        %mul3A_1898 = arith.mulf %pack3A_1881, %get3A_1897 : vector<32xbf16>
        %add3A_1899 = arith.addf %add3A_1825, %mul3A_1898 : vector<32xbf16>
        %add3A_1900 = arith.constant 48 : i32
        %add3A_1901 = arith.addi %add3A_1868, %add3A_1900 : i32
        %get3A_1902 = arith.index_cast %add3A_1901 : i32 to index
        %get3A_1903 = tpu.vector_load %arg10[%get3A_1902] {strides = array<i32>} : memref<98304xbf16, #tpu.memory_space<vmem>>, vector<32xbf16>,
        %mul3A_1904 = arith.mulf %pack3A_1881, %get3A_1903 : vector<32xbf16>
        %add3A_1905 = arith.addf %add3A_1831, %mul3A_1904 : vector<32xbf16>
        %add3A_1906 = arith.constant 0 : i32
        %add3A_1907 = arith.addi %add3A_1877, %add3A_1906 : i32
        %get3A_1908 = arith.index_cast %add3A_1907 : i32 to index
        %get3A_1909 = tpu.vector_load %arg10[%get3A_1908] {strides = array<i32>} : memref<98304xbf16, #tpu.memory_space<vmem>>, vector<32xbf16>,
        %mul3A_1910 = arith.mulf %pack3A_1881, %get3A_1909 : vector<32xbf16>
        %add3A_1911 = arith.addf %add3A_1837, %mul3A_1910 : vector<32xbf16>
        %add3A_1912 = arith.constant 16 : i32
        %add3A_1913 = arith.addi %add3A_1877, %add3A_1912 : i32
        %get3A_1914 = arith.index_cast %add3A_1913 : i32 to index
        %get3A_1915 = tpu.vector_load %arg10[%get3A_1914] {strides = array<i32>} : memref<98304xbf16, #tpu.memory_space<vmem>>, vector<32xbf16>,
        %mul3A_1916 = arith.mulf %pack3A_1881, %get3A_1915 : vector<32xbf16>
        %add3A_1917 = arith.addf %add3A_1843, %mul3A_1916 : vector<32xbf16>
        %add3A_1918 = arith.constant 32 : i32
        %add3A_1919 = arith.addi %add3A_1877, %add3A_1918 : i32
        %get3A_1920 = arith.index_cast %add3A_1919 : i32 to index
        %get3A_1921 = tpu.vector_load %arg10[%get3A_1920] {strides = array<i32>} : memref<98304xbf16, #tpu.memory_space<vmem>>, vector<32xbf16>,
        %mul3A_1922 = arith.mulf %pack3A_1881, %get3A_1921 : vector<32xbf16>
        %add3A_1923 = arith.addf %add3A_1849, %mul3A_1922 : vector<32xbf16>
        %add3A_1924 = arith.constant 48 : i32
        %add3A_1925 = arith.addi %add3A_1877, %add3A_1924 : i32
        %get3A_1926 = arith.index_cast %add3A_1925 : i32 to index
        %get3A_1927 = tpu.vector_load %arg10[%get3A_1926] {strides = array<i32>} : memref<98304xbf16, #tpu.memory_space<vmem>>, vector<32xbf16>,
        %mul3A_1928 = arith.mulf %pack3A_1881, %get3A_1927 : vector<32xbf16>
        %add3A_1929 = arith.addf %add3A_1855, %mul3A_1928 : vector<32xbf16>
        %slice3A_1930 = vector.extract_strided_slice %get3A_128 {offsets = [8], sizes = [1], strides = [1]} : vector<16xi32> to vector<1xi32>
        %squeeze3A_1931 = vector.extract %slice3A_1930[0] : i32 from vector<1xi32>
        %slice3A_1932 = vector.extract_strided_slice %get3A_138 {offsets = [8], sizes = [1], strides = [1]} : vector<16xi32> to vector<1xi32>
        %squeeze3A_1933 = vector.extract %slice3A_1932[0] : i32 from vector<1xi32>
        %shift_right_arithmetic3A_1934 = arith.constant 1 : i32
        %shift_right_arithmetic3A_1935 = arith.shrsi %squeeze3A_1931, %shift_right_arithmetic3A_1934 : i32
        %mul3A_1936 = arith.constant 256 : i32
        %mul3A_1937 = arith.muli %shift_right_arithmetic3A_1935, %mul3A_1936 : i32
        %and3A_1938 = arith.constant 1 : i32
        %and3A_1939 = arith.andi %squeeze3A_1931, %and3A_1938 : i32
        %mul3A_1940 = arith.constant 64 : i32
        %mul3A_1941 = arith.muli %and3A_1939, %mul3A_1940 : i32
        %add3A_1942 = arith.addi %mul3A_1937, %mul3A_1941 : i32
        %shift_right_arithmetic3A_1943 = arith.constant 1 : i32
        %shift_right_arithmetic3A_1944 = arith.shrsi %squeeze3A_1933, %shift_right_arithmetic3A_1943 : i32
        %mul3A_1945 = arith.constant 256 : i32
        %mul3A_1946 = arith.muli %shift_right_arithmetic3A_1944, %mul3A_1945 : i32
        %and3A_1947 = arith.constant 1 : i32
        %and3A_1948 = arith.andi %squeeze3A_1933, %and3A_1947 : i32
        %mul3A_1949 = arith.constant 64 : i32
        %mul3A_1950 = arith.muli %and3A_1948, %mul3A_1949 : i32
        %add3A_1951 = arith.addi %mul3A_1946, %mul3A_1950 : i32
        %slice3A_1952 = vector.extract_strided_slice %get3A_148 {offsets = [8], sizes = [1], strides = [1]} : vector<16xf32> to vector<1xf32>
        %squeeze3A_1953 = vector.extract %slice3A_1952[0] : f32 from vector<1xf32>
        %broadcast_in_dim3A_1954 = vector.broadcast %squeeze3A_1953 : f32 to vector<16xf32>
        %pack3A_1955 = tpu.pack_subelements %broadcast_in_dim3A_1954, %broadcast_in_dim3A_1954 {pack_format = #tpu.pack_format<interleaved>, positions = array<i32: 0, 1>} : vector<16xf32>, vector<16xf32> -> vector<32xbf16>
        %add3A_1956 = arith.constant 0 : i32
        %add3A_1957 = arith.addi %add3A_1942, %add3A_1956 : i32
        %get3A_1958 = arith.index_cast %add3A_1957 : i32 to index
        %get3A_1959 = tpu.vector_load %arg10[%get3A_1958] {strides = array<i32>} : memref<98304xbf16, #tpu.memory_space<vmem>>, vector<32xbf16>,
        %mul3A_1960 = arith.mulf %pack3A_1955, %get3A_1959 : vector<32xbf16>
        %add3A_1961 = arith.addf %add3A_1887, %mul3A_1960 : vector<32xbf16>
        %add3A_1962 = arith.constant 16 : i32
        %add3A_1963 = arith.addi %add3A_1942, %add3A_1962 : i32
        %get3A_1964 = arith.index_cast %add3A_1963 : i32 to index
        %get3A_1965 = tpu.vector_load %arg10[%get3A_1964] {strides = array<i32>} : memref<98304xbf16, #tpu.memory_space<vmem>>, vector<32xbf16>,
        %mul3A_1966 = arith.mulf %pack3A_1955, %get3A_1965 : vector<32xbf16>
        %add3A_1967 = arith.addf %add3A_1893, %mul3A_1966 : vector<32xbf16>
        %add3A_1968 = arith.constant 32 : i32
        %add3A_1969 = arith.addi %add3A_1942, %add3A_1968 : i32
        %get3A_1970 = arith.index_cast %add3A_1969 : i32 to index
        %get3A_1971 = tpu.vector_load %arg10[%get3A_1970] {strides = array<i32>} : memref<98304xbf16, #tpu.memory_space<vmem>>, vector<32xbf16>,
        %mul3A_1972 = arith.mulf %pack3A_1955, %get3A_1971 : vector<32xbf16>
        %add3A_1973 = arith.addf %add3A_1899, %mul3A_1972 : vector<32xbf16>
        %add3A_1974 = arith.constant 48 : i32
        %add3A_1975 = arith.addi %add3A_1942, %add3A_1974 : i32
        %get3A_1976 = arith.index_cast %add3A_1975 : i32 to index
        %get3A_1977 = tpu.vector_load %arg10[%get3A_1976] {strides = array<i32>} : memref<98304xbf16, #tpu.memory_space<vmem>>, vector<32xbf16>,
        %mul3A_1978 = arith.mulf %pack3A_1955, %get3A_1977 : vector<32xbf16>
        %add3A_1979 = arith.addf %add3A_1905, %mul3A_1978 : vector<32xbf16>
        %add3A_1980 = arith.constant 0 : i32
        %add3A_1981 = arith.addi %add3A_1951, %add3A_1980 : i32
        %get3A_1982 = arith.index_cast %add3A_1981 : i32 to index
        %get3A_1983 = tpu.vector_load %arg10[%get3A_1982] {strides = array<i32>} : memref<98304xbf16, #tpu.memory_space<vmem>>, vector<32xbf16>,
        %mul3A_1984 = arith.mulf %pack3A_1955, %get3A_1983 : vector<32xbf16>
        %add3A_1985 = arith.addf %add3A_1911, %mul3A_1984 : vector<32xbf16>
        %add3A_1986 = arith.constant 16 : i32
        %add3A_1987 = arith.addi %add3A_1951, %add3A_1986 : i32
        %get3A_1988 = arith.index_cast %add3A_1987 : i32 to index
        %get3A_1989 = tpu.vector_load %arg10[%get3A_1988] {strides = array<i32>} : memref<98304xbf16, #tpu.memory_space<vmem>>, vector<32xbf16>,
        %mul3A_1990 = arith.mulf %pack3A_1955, %get3A_1989 : vector<32xbf16>
        %add3A_1991 = arith.addf %add3A_1917, %mul3A_1990 : vector<32xbf16>
        %add3A_1992 = arith.constant 32 : i32
        %add3A_1993 = arith.addi %add3A_1951, %add3A_1992 : i32
        %get3A_1994 = arith.index_cast %add3A_1993 : i32 to index
        %get3A_1995 = tpu.vector_load %arg10[%get3A_1994] {strides = array<i32>} : memref<98304xbf16, #tpu.memory_space<vmem>>, vector<32xbf16>,
        %mul3A_1996 = arith.mulf %pack3A_1955, %get3A_1995 : vector<32xbf16>
        %add3A_1997 = arith.addf %add3A_1923, %mul3A_1996 : vector<32xbf16>
        %add3A_1998 = arith.constant 48 : i32
        %add3A_1999 = arith.addi %add3A_1951, %add3A_1998 : i32
        %get3A_2000 = arith.index_cast %add3A_1999 : i32 to index
        %get3A_2001 = tpu.vector_load %arg10[%get3A_2000] {strides = array<i32>} : memref<98304xbf16, #tpu.memory_space<vmem>>, vector<32xbf16>,
        %mul3A_2002 = arith.mulf %pack3A_1955, %get3A_2001 : vector<32xbf16>
        %add3A_2003 = arith.addf %add3A_1929, %mul3A_2002 : vector<32xbf16>
        %slice3A_2004 = vector.extract_strided_slice %get3A_128 {offsets = [9], sizes = [1], strides = [1]} : vector<16xi32> to vector<1xi32>
        %squeeze3A_2005 = vector.extract %slice3A_2004[0] : i32 from vector<1xi32>
        %slice3A_2006 = vector.extract_strided_slice %get3A_138 {offsets = [9], sizes = [1], strides = [1]} : vector<16xi32> to vector<1xi32>
        %squeeze3A_2007 = vector.extract %slice3A_2006[0] : i32 from vector<1xi32>
        %shift_right_arithmetic3A_2008 = arith.constant 1 : i32
        %shift_right_arithmetic3A_2009 = arith.shrsi %squeeze3A_2005, %shift_right_arithmetic3A_2008 : i32
        %mul3A_2010 = arith.constant 256 : i32
        %mul3A_2011 = arith.muli %shift_right_arithmetic3A_2009, %mul3A_2010 : i32
        %and3A_2012 = arith.constant 1 : i32
        %and3A_2013 = arith.andi %squeeze3A_2005, %and3A_2012 : i32
        %mul3A_2014 = arith.constant 64 : i32
        %mul3A_2015 = arith.muli %and3A_2013, %mul3A_2014 : i32
        %add3A_2016 = arith.addi %mul3A_2011, %mul3A_2015 : i32
        %shift_right_arithmetic3A_2017 = arith.constant 1 : i32
        %shift_right_arithmetic3A_2018 = arith.shrsi %squeeze3A_2007, %shift_right_arithmetic3A_2017 : i32
        %mul3A_2019 = arith.constant 256 : i32
        %mul3A_2020 = arith.muli %shift_right_arithmetic3A_2018, %mul3A_2019 : i32
        %and3A_2021 = arith.constant 1 : i32
        %and3A_2022 = arith.andi %squeeze3A_2007, %and3A_2021 : i32
        %mul3A_2023 = arith.constant 64 : i32
        %mul3A_2024 = arith.muli %and3A_2022, %mul3A_2023 : i32
        %add3A_2025 = arith.addi %mul3A_2020, %mul3A_2024 : i32
        %slice3A_2026 = vector.extract_strided_slice %get3A_148 {offsets = [9], sizes = [1], strides = [1]} : vector<16xf32> to vector<1xf32>
        %squeeze3A_2027 = vector.extract %slice3A_2026[0] : f32 from vector<1xf32>
        %broadcast_in_dim3A_2028 = vector.broadcast %squeeze3A_2027 : f32 to vector<16xf32>
        %pack3A_2029 = tpu.pack_subelements %broadcast_in_dim3A_2028, %broadcast_in_dim3A_2028 {pack_format = #tpu.pack_format<interleaved>, positions = array<i32: 0, 1>} : vector<16xf32>, vector<16xf32> -> vector<32xbf16>
        %add3A_2030 = arith.constant 0 : i32
        %add3A_2031 = arith.addi %add3A_2016, %add3A_2030 : i32
        %get3A_2032 = arith.index_cast %add3A_2031 : i32 to index
        %get3A_2033 = tpu.vector_load %arg10[%get3A_2032] {strides = array<i32>} : memref<98304xbf16, #tpu.memory_space<vmem>>, vector<32xbf16>,
        %mul3A_2034 = arith.mulf %pack3A_2029, %get3A_2033 : vector<32xbf16>
        %add3A_2035 = arith.addf %add3A_1961, %mul3A_2034 : vector<32xbf16>
        %add3A_2036 = arith.constant 16 : i32
        %add3A_2037 = arith.addi %add3A_2016, %add3A_2036 : i32
        %get3A_2038 = arith.index_cast %add3A_2037 : i32 to index
        %get3A_2039 = tpu.vector_load %arg10[%get3A_2038] {strides = array<i32>} : memref<98304xbf16, #tpu.memory_space<vmem>>, vector<32xbf16>,
        %mul3A_2040 = arith.mulf %pack3A_2029, %get3A_2039 : vector<32xbf16>
        %add3A_2041 = arith.addf %add3A_1967, %mul3A_2040 : vector<32xbf16>
        %add3A_2042 = arith.constant 32 : i32
        %add3A_2043 = arith.addi %add3A_2016, %add3A_2042 : i32
        %get3A_2044 = arith.index_cast %add3A_2043 : i32 to index
        %get3A_2045 = tpu.vector_load %arg10[%get3A_2044] {strides = array<i32>} : memref<98304xbf16, #tpu.memory_space<vmem>>, vector<32xbf16>,
        %mul3A_2046 = arith.mulf %pack3A_2029, %get3A_2045 : vector<32xbf16>
        %add3A_2047 = arith.addf %add3A_1973, %mul3A_2046 : vector<32xbf16>
        %add3A_2048 = arith.constant 48 : i32
        %add3A_2049 = arith.addi %add3A_2016, %add3A_2048 : i32
        %get3A_2050 = arith.index_cast %add3A_2049 : i32 to index
        %get3A_2051 = tpu.vector_load %arg10[%get3A_2050] {strides = array<i32>} : memref<98304xbf16, #tpu.memory_space<vmem>>, vector<32xbf16>,
        %mul3A_2052 = arith.mulf %pack3A_2029, %get3A_2051 : vector<32xbf16>
        %add3A_2053 = arith.addf %add3A_1979, %mul3A_2052 : vector<32xbf16>
        %add3A_2054 = arith.constant 0 : i32
        %add3A_2055 = arith.addi %add3A_2025, %add3A_2054 : i32
        %get3A_2056 = arith.index_cast %add3A_2055 : i32 to index
        %get3A_2057 = tpu.vector_load %arg10[%get3A_2056] {strides = array<i32>} : memref<98304xbf16, #tpu.memory_space<vmem>>, vector<32xbf16>,
        %mul3A_2058 = arith.mulf %pack3A_2029, %get3A_2057 : vector<32xbf16>
        %add3A_2059 = arith.addf %add3A_1985, %mul3A_2058 : vector<32xbf16>
        %add3A_2060 = arith.constant 16 : i32
        %add3A_2061 = arith.addi %add3A_2025, %add3A_2060 : i32
        %get3A_2062 = arith.index_cast %add3A_2061 : i32 to index
        %get3A_2063 = tpu.vector_load %arg10[%get3A_2062] {strides = array<i32>} : memref<98304xbf16, #tpu.memory_space<vmem>>, vector<32xbf16>,
        %mul3A_2064 = arith.mulf %pack3A_2029, %get3A_2063 : vector<32xbf16>
        %add3A_2065 = arith.addf %add3A_1991, %mul3A_2064 : vector<32xbf16>
        %add3A_2066 = arith.constant 32 : i32
        %add3A_2067 = arith.addi %add3A_2025, %add3A_2066 : i32
        %get3A_2068 = arith.index_cast %add3A_2067 : i32 to index
        %get3A_2069 = tpu.vector_load %arg10[%get3A_2068] {strides = array<i32>} : memref<98304xbf16, #tpu.memory_space<vmem>>, vector<32xbf16>,
        %mul3A_2070 = arith.mulf %pack3A_2029, %get3A_2069 : vector<32xbf16>
        %add3A_2071 = arith.addf %add3A_1997, %mul3A_2070 : vector<32xbf16>
        %add3A_2072 = arith.constant 48 : i32
        %add3A_2073 = arith.addi %add3A_2025, %add3A_2072 : i32
        %get3A_2074 = arith.index_cast %add3A_2073 : i32 to index
        %get3A_2075 = tpu.vector_load %arg10[%get3A_2074] {strides = array<i32>} : memref<98304xbf16, #tpu.memory_space<vmem>>, vector<32xbf16>,
        %mul3A_2076 = arith.mulf %pack3A_2029, %get3A_2075 : vector<32xbf16>
        %add3A_2077 = arith.addf %add3A_2003, %mul3A_2076 : vector<32xbf16>
        %slice3A_2078 = vector.extract_strided_slice %get3A_128 {offsets = [10], sizes = [1], strides = [1]} : vector<16xi32> to vector<1xi32>
        %squeeze3A_2079 = vector.extract %slice3A_2078[0] : i32 from vector<1xi32>
        %slice3A_2080 = vector.extract_strided_slice %get3A_138 {offsets = [10], sizes = [1], strides = [1]} : vector<16xi32> to vector<1xi32>
        %squeeze3A_2081 = vector.extract %slice3A_2080[0] : i32 from vector<1xi32>
        %shift_right_arithmetic3A_2082 = arith.constant 1 : i32
        %shift_right_arithmetic3A_2083 = arith.shrsi %squeeze3A_2079, %shift_right_arithmetic3A_2082 : i32
        %mul3A_2084 = arith.constant 256 : i32
        %mul3A_2085 = arith.muli %shift_right_arithmetic3A_2083, %mul3A_2084 : i32
        %and3A_2086 = arith.constant 1 : i32
        %and3A_2087 = arith.andi %squeeze3A_2079, %and3A_2086 : i32
        %mul3A_2088 = arith.constant 64 : i32
        %mul3A_2089 = arith.muli %and3A_2087, %mul3A_2088 : i32
        %add3A_2090 = arith.addi %mul3A_2085, %mul3A_2089 : i32
        %shift_right_arithmetic3A_2091 = arith.constant 1 : i32
        %shift_right_arithmetic3A_2092 = arith.shrsi %squeeze3A_2081, %shift_right_arithmetic3A_2091 : i32
        %mul3A_2093 = arith.constant 256 : i32
        %mul3A_2094 = arith.muli %shift_right_arithmetic3A_2092, %mul3A_2093 : i32
        %and3A_2095 = arith.constant 1 : i32
        %and3A_2096 = arith.andi %squeeze3A_2081, %and3A_2095 : i32
        %mul3A_2097 = arith.constant 64 : i32
        %mul3A_2098 = arith.muli %and3A_2096, %mul3A_2097 : i32
        %add3A_2099 = arith.addi %mul3A_2094, %mul3A_2098 : i32
        %slice3A_2100 = vector.extract_strided_slice %get3A_148 {offsets = [10], sizes = [1], strides = [1]} : vector<16xf32> to vector<1xf32>
        %squeeze3A_2101 = vector.extract %slice3A_2100[0] : f32 from vector<1xf32>
        %broadcast_in_dim3A_2102 = vector.broadcast %squeeze3A_2101 : f32 to vector<16xf32>
        %pack3A_2103 = tpu.pack_subelements %broadcast_in_dim3A_2102, %broadcast_in_dim3A_2102 {pack_format = #tpu.pack_format<interleaved>, positions = array<i32: 0, 1>} : vector<16xf32>, vector<16xf32> -> vector<32xbf16>
        %add3A_2104 = arith.constant 0 : i32
        %add3A_2105 = arith.addi %add3A_2090, %add3A_2104 : i32
        %get3A_2106 = arith.index_cast %add3A_2105 : i32 to index
        %get3A_2107 = tpu.vector_load %arg10[%get3A_2106] {strides = array<i32>} : memref<98304xbf16, #tpu.memory_space<vmem>>, vector<32xbf16>,
        %mul3A_2108 = arith.mulf %pack3A_2103, %get3A_2107 : vector<32xbf16>
        %add3A_2109 = arith.addf %add3A_2035, %mul3A_2108 : vector<32xbf16>
        %add3A_2110 = arith.constant 16 : i32
        %add3A_2111 = arith.addi %add3A_2090, %add3A_2110 : i32
        %get3A_2112 = arith.index_cast %add3A_2111 : i32 to index
        %get3A_2113 = tpu.vector_load %arg10[%get3A_2112] {strides = array<i32>} : memref<98304xbf16, #tpu.memory_space<vmem>>, vector<32xbf16>,
        %mul3A_2114 = arith.mulf %pack3A_2103, %get3A_2113 : vector<32xbf16>
        %add3A_2115 = arith.addf %add3A_2041, %mul3A_2114 : vector<32xbf16>
        %add3A_2116 = arith.constant 32 : i32
        %add3A_2117 = arith.addi %add3A_2090, %add3A_2116 : i32
        %get3A_2118 = arith.index_cast %add3A_2117 : i32 to index
        %get3A_2119 = tpu.vector_load %arg10[%get3A_2118] {strides = array<i32>} : memref<98304xbf16, #tpu.memory_space<vmem>>, vector<32xbf16>,
        %mul3A_2120 = arith.mulf %pack3A_2103, %get3A_2119 : vector<32xbf16>
        %add3A_2121 = arith.addf %add3A_2047, %mul3A_2120 : vector<32xbf16>
        %add3A_2122 = arith.constant 48 : i32
        %add3A_2123 = arith.addi %add3A_2090, %add3A_2122 : i32
        %get3A_2124 = arith.index_cast %add3A_2123 : i32 to index
        %get3A_2125 = tpu.vector_load %arg10[%get3A_2124] {strides = array<i32>} : memref<98304xbf16, #tpu.memory_space<vmem>>, vector<32xbf16>,
        %mul3A_2126 = arith.mulf %pack3A_2103, %get3A_2125 : vector<32xbf16>
        %add3A_2127 = arith.addf %add3A_2053, %mul3A_2126 : vector<32xbf16>
        %add3A_2128 = arith.constant 0 : i32
        %add3A_2129 = arith.addi %add3A_2099, %add3A_2128 : i32
        %get3A_2130 = arith.index_cast %add3A_2129 : i32 to index
        %get3A_2131 = tpu.vector_load %arg10[%get3A_2130] {strides = array<i32>} : memref<98304xbf16, #tpu.memory_space<vmem>>, vector<32xbf16>,
        %mul3A_2132 = arith.mulf %pack3A_2103, %get3A_2131 : vector<32xbf16>
        %add3A_2133 = arith.addf %add3A_2059, %mul3A_2132 : vector<32xbf16>
        %add3A_2134 = arith.constant 16 : i32
        %add3A_2135 = arith.addi %add3A_2099, %add3A_2134 : i32
        %get3A_2136 = arith.index_cast %add3A_2135 : i32 to index
        %get3A_2137 = tpu.vector_load %arg10[%get3A_2136] {strides = array<i32>} : memref<98304xbf16, #tpu.memory_space<vmem>>, vector<32xbf16>,
        %mul3A_2138 = arith.mulf %pack3A_2103, %get3A_2137 : vector<32xbf16>
        %add3A_2139 = arith.addf %add3A_2065, %mul3A_2138 : vector<32xbf16>
        %add3A_2140 = arith.constant 32 : i32
        %add3A_2141 = arith.addi %add3A_2099, %add3A_2140 : i32
        %get3A_2142 = arith.index_cast %add3A_2141 : i32 to index
        %get3A_2143 = tpu.vector_load %arg10[%get3A_2142] {strides = array<i32>} : memref<98304xbf16, #tpu.memory_space<vmem>>, vector<32xbf16>,
        %mul3A_2144 = arith.mulf %pack3A_2103, %get3A_2143 : vector<32xbf16>
        %add3A_2145 = arith.addf %add3A_2071, %mul3A_2144 : vector<32xbf16>
        %add3A_2146 = arith.constant 48 : i32
        %add3A_2147 = arith.addi %add3A_2099, %add3A_2146 : i32
        %get3A_2148 = arith.index_cast %add3A_2147 : i32 to index
        %get3A_2149 = tpu.vector_load %arg10[%get3A_2148] {strides = array<i32>} : memref<98304xbf16, #tpu.memory_space<vmem>>, vector<32xbf16>,
        %mul3A_2150 = arith.mulf %pack3A_2103, %get3A_2149 : vector<32xbf16>
        %add3A_2151 = arith.addf %add3A_2077, %mul3A_2150 : vector<32xbf16>
        %slice3A_2152 = vector.extract_strided_slice %get3A_128 {offsets = [11], sizes = [1], strides = [1]} : vector<16xi32> to vector<1xi32>
        %squeeze3A_2153 = vector.extract %slice3A_2152[0] : i32 from vector<1xi32>
        %slice3A_2154 = vector.extract_strided_slice %get3A_138 {offsets = [11], sizes = [1], strides = [1]} : vector<16xi32> to vector<1xi32>
        %squeeze3A_2155 = vector.extract %slice3A_2154[0] : i32 from vector<1xi32>
        %shift_right_arithmetic3A_2156 = arith.constant 1 : i32
        %shift_right_arithmetic3A_2157 = arith.shrsi %squeeze3A_2153, %shift_right_arithmetic3A_2156 : i32
        %mul3A_2158 = arith.constant 256 : i32
        %mul3A_2159 = arith.muli %shift_right_arithmetic3A_2157, %mul3A_2158 : i32
        %and3A_2160 = arith.constant 1 : i32
        %and3A_2161 = arith.andi %squeeze3A_2153, %and3A_2160 : i32
        %mul3A_2162 = arith.constant 64 : i32
        %mul3A_2163 = arith.muli %and3A_2161, %mul3A_2162 : i32
        %add3A_2164 = arith.addi %mul3A_2159, %mul3A_2163 : i32
        %shift_right_arithmetic3A_2165 = arith.constant 1 : i32
        %shift_right_arithmetic3A_2166 = arith.shrsi %squeeze3A_2155, %shift_right_arithmetic3A_2165 : i32
        %mul3A_2167 = arith.constant 256 : i32
        %mul3A_2168 = arith.muli %shift_right_arithmetic3A_2166, %mul3A_2167 : i32
        %and3A_2169 = arith.constant 1 : i32
        %and3A_2170 = arith.andi %squeeze3A_2155, %and3A_2169 : i32
        %mul3A_2171 = arith.constant 64 : i32
        %mul3A_2172 = arith.muli %and3A_2170, %mul3A_2171 : i32
        %add3A_2173 = arith.addi %mul3A_2168, %mul3A_2172 : i32
        %slice3A_2174 = vector.extract_strided_slice %get3A_148 {offsets = [11], sizes = [1], strides = [1]} : vector<16xf32> to vector<1xf32>
        %squeeze3A_2175 = vector.extract %slice3A_2174[0] : f32 from vector<1xf32>
        %broadcast_in_dim3A_2176 = vector.broadcast %squeeze3A_2175 : f32 to vector<16xf32>
        %pack3A_2177 = tpu.pack_subelements %broadcast_in_dim3A_2176, %broadcast_in_dim3A_2176 {pack_format = #tpu.pack_format<interleaved>, positions = array<i32: 0, 1>} : vector<16xf32>, vector<16xf32> -> vector<32xbf16>
        %add3A_2178 = arith.constant 0 : i32
        %add3A_2179 = arith.addi %add3A_2164, %add3A_2178 : i32
        %get3A_2180 = arith.index_cast %add3A_2179 : i32 to index
        %get3A_2181 = tpu.vector_load %arg10[%get3A_2180] {strides = array<i32>} : memref<98304xbf16, #tpu.memory_space<vmem>>, vector<32xbf16>,
        %mul3A_2182 = arith.mulf %pack3A_2177, %get3A_2181 : vector<32xbf16>
        %add3A_2183 = arith.addf %add3A_2109, %mul3A_2182 : vector<32xbf16>
        %add3A_2184 = arith.constant 16 : i32
        %add3A_2185 = arith.addi %add3A_2164, %add3A_2184 : i32
        %get3A_2186 = arith.index_cast %add3A_2185 : i32 to index
        %get3A_2187 = tpu.vector_load %arg10[%get3A_2186] {strides = array<i32>} : memref<98304xbf16, #tpu.memory_space<vmem>>, vector<32xbf16>,
        %mul3A_2188 = arith.mulf %pack3A_2177, %get3A_2187 : vector<32xbf16>
        %add3A_2189 = arith.addf %add3A_2115, %mul3A_2188 : vector<32xbf16>
        %add3A_2190 = arith.constant 32 : i32
        %add3A_2191 = arith.addi %add3A_2164, %add3A_2190 : i32
        %get3A_2192 = arith.index_cast %add3A_2191 : i32 to index
        %get3A_2193 = tpu.vector_load %arg10[%get3A_2192] {strides = array<i32>} : memref<98304xbf16, #tpu.memory_space<vmem>>, vector<32xbf16>,
        %mul3A_2194 = arith.mulf %pack3A_2177, %get3A_2193 : vector<32xbf16>
        %add3A_2195 = arith.addf %add3A_2121, %mul3A_2194 : vector<32xbf16>
        %add3A_2196 = arith.constant 48 : i32
        %add3A_2197 = arith.addi %add3A_2164, %add3A_2196 : i32
        %get3A_2198 = arith.index_cast %add3A_2197 : i32 to index
        %get3A_2199 = tpu.vector_load %arg10[%get3A_2198] {strides = array<i32>} : memref<98304xbf16, #tpu.memory_space<vmem>>, vector<32xbf16>,
        %mul3A_2200 = arith.mulf %pack3A_2177, %get3A_2199 : vector<32xbf16>
        %add3A_2201 = arith.addf %add3A_2127, %mul3A_2200 : vector<32xbf16>
        %add3A_2202 = arith.constant 0 : i32
        %add3A_2203 = arith.addi %add3A_2173, %add3A_2202 : i32
        %get3A_2204 = arith.index_cast %add3A_2203 : i32 to index
        %get3A_2205 = tpu.vector_load %arg10[%get3A_2204] {strides = array<i32>} : memref<98304xbf16, #tpu.memory_space<vmem>>, vector<32xbf16>,
        %mul3A_2206 = arith.mulf %pack3A_2177, %get3A_2205 : vector<32xbf16>
        %add3A_2207 = arith.addf %add3A_2133, %mul3A_2206 : vector<32xbf16>
        %add3A_2208 = arith.constant 16 : i32
        %add3A_2209 = arith.addi %add3A_2173, %add3A_2208 : i32
        %get3A_2210 = arith.index_cast %add3A_2209 : i32 to index
        %get3A_2211 = tpu.vector_load %arg10[%get3A_2210] {strides = array<i32>} : memref<98304xbf16, #tpu.memory_space<vmem>>, vector<32xbf16>,
        %mul3A_2212 = arith.mulf %pack3A_2177, %get3A_2211 : vector<32xbf16>
        %add3A_2213 = arith.addf %add3A_2139, %mul3A_2212 : vector<32xbf16>
        %add3A_2214 = arith.constant 32 : i32
        %add3A_2215 = arith.addi %add3A_2173, %add3A_2214 : i32
        %get3A_2216 = arith.index_cast %add3A_2215 : i32 to index
        %get3A_2217 = tpu.vector_load %arg10[%get3A_2216] {strides = array<i32>} : memref<98304xbf16, #tpu.memory_space<vmem>>, vector<32xbf16>,
        %mul3A_2218 = arith.mulf %pack3A_2177, %get3A_2217 : vector<32xbf16>
        %add3A_2219 = arith.addf %add3A_2145, %mul3A_2218 : vector<32xbf16>
        %add3A_2220 = arith.constant 48 : i32
        %add3A_2221 = arith.addi %add3A_2173, %add3A_2220 : i32
        %get3A_2222 = arith.index_cast %add3A_2221 : i32 to index
        %get3A_2223 = tpu.vector_load %arg10[%get3A_2222] {strides = array<i32>} : memref<98304xbf16, #tpu.memory_space<vmem>>, vector<32xbf16>,
        %mul3A_2224 = arith.mulf %pack3A_2177, %get3A_2223 : vector<32xbf16>
        %add3A_2225 = arith.addf %add3A_2151, %mul3A_2224 : vector<32xbf16>
        %slice3A_2226 = vector.extract_strided_slice %get3A_128 {offsets = [12], sizes = [1], strides = [1]} : vector<16xi32> to vector<1xi32>
        %squeeze3A_2227 = vector.extract %slice3A_2226[0] : i32 from vector<1xi32>
        %slice3A_2228 = vector.extract_strided_slice %get3A_138 {offsets = [12], sizes = [1], strides = [1]} : vector<16xi32> to vector<1xi32>
        %squeeze3A_2229 = vector.extract %slice3A_2228[0] : i32 from vector<1xi32>
        %shift_right_arithmetic3A_2230 = arith.constant 1 : i32
        %shift_right_arithmetic3A_2231 = arith.shrsi %squeeze3A_2227, %shift_right_arithmetic3A_2230 : i32
        %mul3A_2232 = arith.constant 256 : i32
        %mul3A_2233 = arith.muli %shift_right_arithmetic3A_2231, %mul3A_2232 : i32
        %and3A_2234 = arith.constant 1 : i32
        %and3A_2235 = arith.andi %squeeze3A_2227, %and3A_2234 : i32
        %mul3A_2236 = arith.constant 64 : i32
        %mul3A_2237 = arith.muli %and3A_2235, %mul3A_2236 : i32
        %add3A_2238 = arith.addi %mul3A_2233, %mul3A_2237 : i32
        %shift_right_arithmetic3A_2239 = arith.constant 1 : i32
        %shift_right_arithmetic3A_2240 = arith.shrsi %squeeze3A_2229, %shift_right_arithmetic3A_2239 : i32
        %mul3A_2241 = arith.constant 256 : i32
        %mul3A_2242 = arith.muli %shift_right_arithmetic3A_2240, %mul3A_2241 : i32
        %and3A_2243 = arith.constant 1 : i32
        %and3A_2244 = arith.andi %squeeze3A_2229, %and3A_2243 : i32
        %mul3A_2245 = arith.constant 64 : i32
        %mul3A_2246 = arith.muli %and3A_2244, %mul3A_2245 : i32
        %add3A_2247 = arith.addi %mul3A_2242, %mul3A_2246 : i32
        %slice3A_2248 = vector.extract_strided_slice %get3A_148 {offsets = [12], sizes = [1], strides = [1]} : vector<16xf32> to vector<1xf32>
        %squeeze3A_2249 = vector.extract %slice3A_2248[0] : f32 from vector<1xf32>
        %broadcast_in_dim3A_2250 = vector.broadcast %squeeze3A_2249 : f32 to vector<16xf32>
        %pack3A_2251 = tpu.pack_subelements %broadcast_in_dim3A_2250, %broadcast_in_dim3A_2250 {pack_format = #tpu.pack_format<interleaved>, positions = array<i32: 0, 1>} : vector<16xf32>, vector<16xf32> -> vector<32xbf16>
        %add3A_2252 = arith.constant 0 : i32
        %add3A_2253 = arith.addi %add3A_2238, %add3A_2252 : i32
        %get3A_2254 = arith.index_cast %add3A_2253 : i32 to index
        %get3A_2255 = tpu.vector_load %arg10[%get3A_2254] {strides = array<i32>} : memref<98304xbf16, #tpu.memory_space<vmem>>, vector<32xbf16>,
        %mul3A_2256 = arith.mulf %pack3A_2251, %get3A_2255 : vector<32xbf16>
        %add3A_2257 = arith.addf %add3A_2183, %mul3A_2256 : vector<32xbf16>
        %add3A_2258 = arith.constant 16 : i32
        %add3A_2259 = arith.addi %add3A_2238, %add3A_2258 : i32
        %get3A_2260 = arith.index_cast %add3A_2259 : i32 to index
        %get3A_2261 = tpu.vector_load %arg10[%get3A_2260] {strides = array<i32>} : memref<98304xbf16, #tpu.memory_space<vmem>>, vector<32xbf16>,
        %mul3A_2262 = arith.mulf %pack3A_2251, %get3A_2261 : vector<32xbf16>
        %add3A_2263 = arith.addf %add3A_2189, %mul3A_2262 : vector<32xbf16>
        %add3A_2264 = arith.constant 32 : i32
        %add3A_2265 = arith.addi %add3A_2238, %add3A_2264 : i32
        %get3A_2266 = arith.index_cast %add3A_2265 : i32 to index
        %get3A_2267 = tpu.vector_load %arg10[%get3A_2266] {strides = array<i32>} : memref<98304xbf16, #tpu.memory_space<vmem>>, vector<32xbf16>,
        %mul3A_2268 = arith.mulf %pack3A_2251, %get3A_2267 : vector<32xbf16>
        %add3A_2269 = arith.addf %add3A_2195, %mul3A_2268 : vector<32xbf16>
        %add3A_2270 = arith.constant 48 : i32
        %add3A_2271 = arith.addi %add3A_2238, %add3A_2270 : i32
        %get3A_2272 = arith.index_cast %add3A_2271 : i32 to index
        %get3A_2273 = tpu.vector_load %arg10[%get3A_2272] {strides = array<i32>} : memref<98304xbf16, #tpu.memory_space<vmem>>, vector<32xbf16>,
        %mul3A_2274 = arith.mulf %pack3A_2251, %get3A_2273 : vector<32xbf16>
        %add3A_2275 = arith.addf %add3A_2201, %mul3A_2274 : vector<32xbf16>
        %add3A_2276 = arith.constant 0 : i32
        %add3A_2277 = arith.addi %add3A_2247, %add3A_2276 : i32
        %get3A_2278 = arith.index_cast %add3A_2277 : i32 to index
        %get3A_2279 = tpu.vector_load %arg10[%get3A_2278] {strides = array<i32>} : memref<98304xbf16, #tpu.memory_space<vmem>>, vector<32xbf16>,
        %mul3A_2280 = arith.mulf %pack3A_2251, %get3A_2279 : vector<32xbf16>
        %add3A_2281 = arith.addf %add3A_2207, %mul3A_2280 : vector<32xbf16>
        %add3A_2282 = arith.constant 16 : i32
        %add3A_2283 = arith.addi %add3A_2247, %add3A_2282 : i32
        %get3A_2284 = arith.index_cast %add3A_2283 : i32 to index
        %get3A_2285 = tpu.vector_load %arg10[%get3A_2284] {strides = array<i32>} : memref<98304xbf16, #tpu.memory_space<vmem>>, vector<32xbf16>,
        %mul3A_2286 = arith.mulf %pack3A_2251, %get3A_2285 : vector<32xbf16>
        %add3A_2287 = arith.addf %add3A_2213, %mul3A_2286 : vector<32xbf16>
        %add3A_2288 = arith.constant 32 : i32
        %add3A_2289 = arith.addi %add3A_2247, %add3A_2288 : i32
        %get3A_2290 = arith.index_cast %add3A_2289 : i32 to index
        %get3A_2291 = tpu.vector_load %arg10[%get3A_2290] {strides = array<i32>} : memref<98304xbf16, #tpu.memory_space<vmem>>, vector<32xbf16>,
        %mul3A_2292 = arith.mulf %pack3A_2251, %get3A_2291 : vector<32xbf16>
        %add3A_2293 = arith.addf %add3A_2219, %mul3A_2292 : vector<32xbf16>
        %add3A_2294 = arith.constant 48 : i32
        %add3A_2295 = arith.addi %add3A_2247, %add3A_2294 : i32
        %get3A_2296 = arith.index_cast %add3A_2295 : i32 to index
        %get3A_2297 = tpu.vector_load %arg10[%get3A_2296] {strides = array<i32>} : memref<98304xbf16, #tpu.memory_space<vmem>>, vector<32xbf16>,
        %mul3A_2298 = arith.mulf %pack3A_2251, %get3A_2297 : vector<32xbf16>
        %add3A_2299 = arith.addf %add3A_2225, %mul3A_2298 : vector<32xbf16>
        %slice3A_2300 = vector.extract_strided_slice %get3A_128 {offsets = [13], sizes = [1], strides = [1]} : vector<16xi32> to vector<1xi32>
        %squeeze3A_2301 = vector.extract %slice3A_2300[0] : i32 from vector<1xi32>
        %slice3A_2302 = vector.extract_strided_slice %get3A_138 {offsets = [13], sizes = [1], strides = [1]} : vector<16xi32> to vector<1xi32>
        %squeeze3A_2303 = vector.extract %slice3A_2302[0] : i32 from vector<1xi32>
        %shift_right_arithmetic3A_2304 = arith.constant 1 : i32
        %shift_right_arithmetic3A_2305 = arith.shrsi %squeeze3A_2301, %shift_right_arithmetic3A_2304 : i32
        %mul3A_2306 = arith.constant 256 : i32
        %mul3A_2307 = arith.muli %shift_right_arithmetic3A_2305, %mul3A_2306 : i32
        %and3A_2308 = arith.constant 1 : i32
        %and3A_2309 = arith.andi %squeeze3A_2301, %and3A_2308 : i32
        %mul3A_2310 = arith.constant 64 : i32
        %mul3A_2311 = arith.muli %and3A_2309, %mul3A_2310 : i32
        %add3A_2312 = arith.addi %mul3A_2307, %mul3A_2311 : i32
        %shift_right_arithmetic3A_2313 = arith.constant 1 : i32
        %shift_right_arithmetic3A_2314 = arith.shrsi %squeeze3A_2303, %shift_right_arithmetic3A_2313 : i32
        %mul3A_2315 = arith.constant 256 : i32
        %mul3A_2316 = arith.muli %shift_right_arithmetic3A_2314, %mul3A_2315 : i32
        %and3A_2317 = arith.constant 1 : i32
        %and3A_2318 = arith.andi %squeeze3A_2303, %and3A_2317 : i32
        %mul3A_2319 = arith.constant 64 : i32
        %mul3A_2320 = arith.muli %and3A_2318, %mul3A_2319 : i32
        %add3A_2321 = arith.addi %mul3A_2316, %mul3A_2320 : i32
        %slice3A_2322 = vector.extract_strided_slice %get3A_148 {offsets = [13], sizes = [1], strides = [1]} : vector<16xf32> to vector<1xf32>
        %squeeze3A_2323 = vector.extract %slice3A_2322[0] : f32 from vector<1xf32>
        %broadcast_in_dim3A_2324 = vector.broadcast %squeeze3A_2323 : f32 to vector<16xf32>
        %pack3A_2325 = tpu.pack_subelements %broadcast_in_dim3A_2324, %broadcast_in_dim3A_2324 {pack_format = #tpu.pack_format<interleaved>, positions = array<i32: 0, 1>} : vector<16xf32>, vector<16xf32> -> vector<32xbf16>
        %add3A_2326 = arith.constant 0 : i32
        %add3A_2327 = arith.addi %add3A_2312, %add3A_2326 : i32
        %get3A_2328 = arith.index_cast %add3A_2327 : i32 to index
        %get3A_2329 = tpu.vector_load %arg10[%get3A_2328] {strides = array<i32>} : memref<98304xbf16, #tpu.memory_space<vmem>>, vector<32xbf16>,
        %mul3A_2330 = arith.mulf %pack3A_2325, %get3A_2329 : vector<32xbf16>
        %add3A_2331 = arith.addf %add3A_2257, %mul3A_2330 : vector<32xbf16>
        %add3A_2332 = arith.constant 16 : i32
        %add3A_2333 = arith.addi %add3A_2312, %add3A_2332 : i32
        %get3A_2334 = arith.index_cast %add3A_2333 : i32 to index
        %get3A_2335 = tpu.vector_load %arg10[%get3A_2334] {strides = array<i32>} : memref<98304xbf16, #tpu.memory_space<vmem>>, vector<32xbf16>,
        %mul3A_2336 = arith.mulf %pack3A_2325, %get3A_2335 : vector<32xbf16>
        %add3A_2337 = arith.addf %add3A_2263, %mul3A_2336 : vector<32xbf16>
        %add3A_2338 = arith.constant 32 : i32
        %add3A_2339 = arith.addi %add3A_2312, %add3A_2338 : i32
        %get3A_2340 = arith.index_cast %add3A_2339 : i32 to index
        %get3A_2341 = tpu.vector_load %arg10[%get3A_2340] {strides = array<i32>} : memref<98304xbf16, #tpu.memory_space<vmem>>, vector<32xbf16>,
        %mul3A_2342 = arith.mulf %pack3A_2325, %get3A_2341 : vector<32xbf16>
        %add3A_2343 = arith.addf %add3A_2269, %mul3A_2342 : vector<32xbf16>
        %add3A_2344 = arith.constant 48 : i32
        %add3A_2345 = arith.addi %add3A_2312, %add3A_2344 : i32
        %get3A_2346 = arith.index_cast %add3A_2345 : i32 to index
        %get3A_2347 = tpu.vector_load %arg10[%get3A_2346] {strides = array<i32>} : memref<98304xbf16, #tpu.memory_space<vmem>>, vector<32xbf16>,
        %mul3A_2348 = arith.mulf %pack3A_2325, %get3A_2347 : vector<32xbf16>
        %add3A_2349 = arith.addf %add3A_2275, %mul3A_2348 : vector<32xbf16>
        %add3A_2350 = arith.constant 0 : i32
        %add3A_2351 = arith.addi %add3A_2321, %add3A_2350 : i32
        %get3A_2352 = arith.index_cast %add3A_2351 : i32 to index
        %get3A_2353 = tpu.vector_load %arg10[%get3A_2352] {strides = array<i32>} : memref<98304xbf16, #tpu.memory_space<vmem>>, vector<32xbf16>,
        %mul3A_2354 = arith.mulf %pack3A_2325, %get3A_2353 : vector<32xbf16>
        %add3A_2355 = arith.addf %add3A_2281, %mul3A_2354 : vector<32xbf16>
        %add3A_2356 = arith.constant 16 : i32
        %add3A_2357 = arith.addi %add3A_2321, %add3A_2356 : i32
        %get3A_2358 = arith.index_cast %add3A_2357 : i32 to index
        %get3A_2359 = tpu.vector_load %arg10[%get3A_2358] {strides = array<i32>} : memref<98304xbf16, #tpu.memory_space<vmem>>, vector<32xbf16>,
        %mul3A_2360 = arith.mulf %pack3A_2325, %get3A_2359 : vector<32xbf16>
        %add3A_2361 = arith.addf %add3A_2287, %mul3A_2360 : vector<32xbf16>
        %add3A_2362 = arith.constant 32 : i32
        %add3A_2363 = arith.addi %add3A_2321, %add3A_2362 : i32
        %get3A_2364 = arith.index_cast %add3A_2363 : i32 to index
        %get3A_2365 = tpu.vector_load %arg10[%get3A_2364] {strides = array<i32>} : memref<98304xbf16, #tpu.memory_space<vmem>>, vector<32xbf16>,
        %mul3A_2366 = arith.mulf %pack3A_2325, %get3A_2365 : vector<32xbf16>
        %add3A_2367 = arith.addf %add3A_2293, %mul3A_2366 : vector<32xbf16>
        %add3A_2368 = arith.constant 48 : i32
        %add3A_2369 = arith.addi %add3A_2321, %add3A_2368 : i32
        %get3A_2370 = arith.index_cast %add3A_2369 : i32 to index
        %get3A_2371 = tpu.vector_load %arg10[%get3A_2370] {strides = array<i32>} : memref<98304xbf16, #tpu.memory_space<vmem>>, vector<32xbf16>,
        %mul3A_2372 = arith.mulf %pack3A_2325, %get3A_2371 : vector<32xbf16>
        %add3A_2373 = arith.addf %add3A_2299, %mul3A_2372 : vector<32xbf16>
        %slice3A_2374 = vector.extract_strided_slice %get3A_128 {offsets = [14], sizes = [1], strides = [1]} : vector<16xi32> to vector<1xi32>
        %squeeze3A_2375 = vector.extract %slice3A_2374[0] : i32 from vector<1xi32>
        %slice3A_2376 = vector.extract_strided_slice %get3A_138 {offsets = [14], sizes = [1], strides = [1]} : vector<16xi32> to vector<1xi32>
        %squeeze3A_2377 = vector.extract %slice3A_2376[0] : i32 from vector<1xi32>
        %shift_right_arithmetic3A_2378 = arith.constant 1 : i32
        %shift_right_arithmetic3A_2379 = arith.shrsi %squeeze3A_2375, %shift_right_arithmetic3A_2378 : i32
        %mul3A_2380 = arith.constant 256 : i32
        %mul3A_2381 = arith.muli %shift_right_arithmetic3A_2379, %mul3A_2380 : i32
        %and3A_2382 = arith.constant 1 : i32
        %and3A_2383 = arith.andi %squeeze3A_2375, %and3A_2382 : i32
        %mul3A_2384 = arith.constant 64 : i32
        %mul3A_2385 = arith.muli %and3A_2383, %mul3A_2384 : i32
        %add3A_2386 = arith.addi %mul3A_2381, %mul3A_2385 : i32
        %shift_right_arithmetic3A_2387 = arith.constant 1 : i32
        %shift_right_arithmetic3A_2388 = arith.shrsi %squeeze3A_2377, %shift_right_arithmetic3A_2387 : i32
        %mul3A_2389 = arith.constant 256 : i32
        %mul3A_2390 = arith.muli %shift_right_arithmetic3A_2388, %mul3A_2389 : i32
        %and3A_2391 = arith.constant 1 : i32
        %and3A_2392 = arith.andi %squeeze3A_2377, %and3A_2391 : i32
        %mul3A_2393 = arith.constant 64 : i32
        %mul3A_2394 = arith.muli %and3A_2392, %mul3A_2393 : i32
        %add3A_2395 = arith.addi %mul3A_2390, %mul3A_2394 : i32
        %slice3A_2396 = vector.extract_strided_slice %get3A_148 {offsets = [14], sizes = [1], strides = [1]} : vector<16xf32> to vector<1xf32>
        %squeeze3A_2397 = vector.extract %slice3A_2396[0] : f32 from vector<1xf32>
        %broadcast_in_dim3A_2398 = vector.broadcast %squeeze3A_2397 : f32 to vector<16xf32>
        %pack3A_2399 = tpu.pack_subelements %broadcast_in_dim3A_2398, %broadcast_in_dim3A_2398 {pack_format = #tpu.pack_format<interleaved>, positions = array<i32: 0, 1>} : vector<16xf32>, vector<16xf32> -> vector<32xbf16>
        %add3A_2400 = arith.constant 0 : i32
        %add3A_2401 = arith.addi %add3A_2386, %add3A_2400 : i32
        %get3A_2402 = arith.index_cast %add3A_2401 : i32 to index
        %get3A_2403 = tpu.vector_load %arg10[%get3A_2402] {strides = array<i32>} : memref<98304xbf16, #tpu.memory_space<vmem>>, vector<32xbf16>,
        %mul3A_2404 = arith.mulf %pack3A_2399, %get3A_2403 : vector<32xbf16>
        %add3A_2405 = arith.addf %add3A_2331, %mul3A_2404 : vector<32xbf16>
        %add3A_2406 = arith.constant 16 : i32
        %add3A_2407 = arith.addi %add3A_2386, %add3A_2406 : i32
        %get3A_2408 = arith.index_cast %add3A_2407 : i32 to index
        %get3A_2409 = tpu.vector_load %arg10[%get3A_2408] {strides = array<i32>} : memref<98304xbf16, #tpu.memory_space<vmem>>, vector<32xbf16>,
        %mul3A_2410 = arith.mulf %pack3A_2399, %get3A_2409 : vector<32xbf16>
        %add3A_2411 = arith.addf %add3A_2337, %mul3A_2410 : vector<32xbf16>
        %add3A_2412 = arith.constant 32 : i32
        %add3A_2413 = arith.addi %add3A_2386, %add3A_2412 : i32
        %get3A_2414 = arith.index_cast %add3A_2413 : i32 to index
        %get3A_2415 = tpu.vector_load %arg10[%get3A_2414] {strides = array<i32>} : memref<98304xbf16, #tpu.memory_space<vmem>>, vector<32xbf16>,
        %mul3A_2416 = arith.mulf %pack3A_2399, %get3A_2415 : vector<32xbf16>
        %add3A_2417 = arith.addf %add3A_2343, %mul3A_2416 : vector<32xbf16>
        %add3A_2418 = arith.constant 48 : i32
        %add3A_2419 = arith.addi %add3A_2386, %add3A_2418 : i32
        %get3A_2420 = arith.index_cast %add3A_2419 : i32 to index
        %get3A_2421 = tpu.vector_load %arg10[%get3A_2420] {strides = array<i32>} : memref<98304xbf16, #tpu.memory_space<vmem>>, vector<32xbf16>,
        %mul3A_2422 = arith.mulf %pack3A_2399, %get3A_2421 : vector<32xbf16>
        %add3A_2423 = arith.addf %add3A_2349, %mul3A_2422 : vector<32xbf16>
        %add3A_2424 = arith.constant 0 : i32
        %add3A_2425 = arith.addi %add3A_2395, %add3A_2424 : i32
        %get3A_2426 = arith.index_cast %add3A_2425 : i32 to index
        %get3A_2427 = tpu.vector_load %arg10[%get3A_2426] {strides = array<i32>} : memref<98304xbf16, #tpu.memory_space<vmem>>, vector<32xbf16>,
        %mul3A_2428 = arith.mulf %pack3A_2399, %get3A_2427 : vector<32xbf16>
        %add3A_2429 = arith.addf %add3A_2355, %mul3A_2428 : vector<32xbf16>
        %add3A_2430 = arith.constant 16 : i32
        %add3A_2431 = arith.addi %add3A_2395, %add3A_2430 : i32
        %get3A_2432 = arith.index_cast %add3A_2431 : i32 to index
        %get3A_2433 = tpu.vector_load %arg10[%get3A_2432] {strides = array<i32>} : memref<98304xbf16, #tpu.memory_space<vmem>>, vector<32xbf16>,
        %mul3A_2434 = arith.mulf %pack3A_2399, %get3A_2433 : vector<32xbf16>
        %add3A_2435 = arith.addf %add3A_2361, %mul3A_2434 : vector<32xbf16>
        %add3A_2436 = arith.constant 32 : i32
        %add3A_2437 = arith.addi %add3A_2395, %add3A_2436 : i32
        %get3A_2438 = arith.index_cast %add3A_2437 : i32 to index
        %get3A_2439 = tpu.vector_load %arg10[%get3A_2438] {strides = array<i32>} : memref<98304xbf16, #tpu.memory_space<vmem>>, vector<32xbf16>,
        %mul3A_2440 = arith.mulf %pack3A_2399, %get3A_2439 : vector<32xbf16>
        %add3A_2441 = arith.addf %add3A_2367, %mul3A_2440 : vector<32xbf16>
        %add3A_2442 = arith.constant 48 : i32
        %add3A_2443 = arith.addi %add3A_2395, %add3A_2442 : i32
        %get3A_2444 = arith.index_cast %add3A_2443 : i32 to index
        %get3A_2445 = tpu.vector_load %arg10[%get3A_2444] {strides = array<i32>} : memref<98304xbf16, #tpu.memory_space<vmem>>, vector<32xbf16>,
        %mul3A_2446 = arith.mulf %pack3A_2399, %get3A_2445 : vector<32xbf16>
        %add3A_2447 = arith.addf %add3A_2373, %mul3A_2446 : vector<32xbf16>
        %slice3A_2448 = vector.extract_strided_slice %get3A_128 {offsets = [15], sizes = [1], strides = [1]} : vector<16xi32> to vector<1xi32>
        %squeeze3A_2449 = vector.extract %slice3A_2448[0] : i32 from vector<1xi32>
        %slice3A_2450 = vector.extract_strided_slice %get3A_138 {offsets = [15], sizes = [1], strides = [1]} : vector<16xi32> to vector<1xi32>
        %squeeze3A_2451 = vector.extract %slice3A_2450[0] : i32 from vector<1xi32>
        %shift_right_arithmetic3A_2452 = arith.constant 1 : i32
        %shift_right_arithmetic3A_2453 = arith.shrsi %squeeze3A_2449, %shift_right_arithmetic3A_2452 : i32
        %mul3A_2454 = arith.constant 256 : i32
        %mul3A_2455 = arith.muli %shift_right_arithmetic3A_2453, %mul3A_2454 : i32
        %and3A_2456 = arith.constant 1 : i32
        %and3A_2457 = arith.andi %squeeze3A_2449, %and3A_2456 : i32
        %mul3A_2458 = arith.constant 64 : i32
        %mul3A_2459 = arith.muli %and3A_2457, %mul3A_2458 : i32
        %add3A_2460 = arith.addi %mul3A_2455, %mul3A_2459 : i32
        %shift_right_arithmetic3A_2461 = arith.constant 1 : i32
        %shift_right_arithmetic3A_2462 = arith.shrsi %squeeze3A_2451, %shift_right_arithmetic3A_2461 : i32
        %mul3A_2463 = arith.constant 256 : i32
        %mul3A_2464 = arith.muli %shift_right_arithmetic3A_2462, %mul3A_2463 : i32
        %and3A_2465 = arith.constant 1 : i32
        %and3A_2466 = arith.andi %squeeze3A_2451, %and3A_2465 : i32
        %mul3A_2467 = arith.constant 64 : i32
        %mul3A_2468 = arith.muli %and3A_2466, %mul3A_2467 : i32
        %add3A_2469 = arith.addi %mul3A_2464, %mul3A_2468 : i32
        %slice3A_2470 = vector.extract_strided_slice %get3A_148 {offsets = [15], sizes = [1], strides = [1]} : vector<16xf32> to vector<1xf32>
        %squeeze3A_2471 = vector.extract %slice3A_2470[0] : f32 from vector<1xf32>
        %broadcast_in_dim3A_2472 = vector.broadcast %squeeze3A_2471 : f32 to vector<16xf32>
        %pack3A_2473 = tpu.pack_subelements %broadcast_in_dim3A_2472, %broadcast_in_dim3A_2472 {pack_format = #tpu.pack_format<interleaved>, positions = array<i32: 0, 1>} : vector<16xf32>, vector<16xf32> -> vector<32xbf16>
        %add3A_2474 = arith.constant 0 : i32
        %add3A_2475 = arith.addi %add3A_2460, %add3A_2474 : i32
        %get3A_2476 = arith.index_cast %add3A_2475 : i32 to index
        %get3A_2477 = tpu.vector_load %arg10[%get3A_2476] {strides = array<i32>} : memref<98304xbf16, #tpu.memory_space<vmem>>, vector<32xbf16>,
        %mul3A_2478 = arith.mulf %pack3A_2473, %get3A_2477 : vector<32xbf16>
        %add3A_2479 = arith.addf %add3A_2405, %mul3A_2478 : vector<32xbf16>
        %add3A_2480 = arith.constant 16 : i32
        %add3A_2481 = arith.addi %add3A_2460, %add3A_2480 : i32
        %get3A_2482 = arith.index_cast %add3A_2481 : i32 to index
        %get3A_2483 = tpu.vector_load %arg10[%get3A_2482] {strides = array<i32>} : memref<98304xbf16, #tpu.memory_space<vmem>>, vector<32xbf16>,
        %mul3A_2484 = arith.mulf %pack3A_2473, %get3A_2483 : vector<32xbf16>
        %add3A_2485 = arith.addf %add3A_2411, %mul3A_2484 : vector<32xbf16>
        %add3A_2486 = arith.constant 32 : i32
        %add3A_2487 = arith.addi %add3A_2460, %add3A_2486 : i32
        %get3A_2488 = arith.index_cast %add3A_2487 : i32 to index
        %get3A_2489 = tpu.vector_load %arg10[%get3A_2488] {strides = array<i32>} : memref<98304xbf16, #tpu.memory_space<vmem>>, vector<32xbf16>,
        %mul3A_2490 = arith.mulf %pack3A_2473, %get3A_2489 : vector<32xbf16>
        %add3A_2491 = arith.addf %add3A_2417, %mul3A_2490 : vector<32xbf16>
        %add3A_2492 = arith.constant 48 : i32
        %add3A_2493 = arith.addi %add3A_2460, %add3A_2492 : i32
        %get3A_2494 = arith.index_cast %add3A_2493 : i32 to index
        %get3A_2495 = tpu.vector_load %arg10[%get3A_2494] {strides = array<i32>} : memref<98304xbf16, #tpu.memory_space<vmem>>, vector<32xbf16>,
        %mul3A_2496 = arith.mulf %pack3A_2473, %get3A_2495 : vector<32xbf16>
        %add3A_2497 = arith.addf %add3A_2423, %mul3A_2496 : vector<32xbf16>
        %add3A_2498 = arith.constant 0 : i32
        %add3A_2499 = arith.addi %add3A_2469, %add3A_2498 : i32
        %get3A_2500 = arith.index_cast %add3A_2499 : i32 to index
        %get3A_2501 = tpu.vector_load %arg10[%get3A_2500] {strides = array<i32>} : memref<98304xbf16, #tpu.memory_space<vmem>>, vector<32xbf16>,
        %mul3A_2502 = arith.mulf %pack3A_2473, %get3A_2501 : vector<32xbf16>
        %add3A_2503 = arith.addf %add3A_2429, %mul3A_2502 : vector<32xbf16>
        %add3A_2504 = arith.constant 16 : i32
        %add3A_2505 = arith.addi %add3A_2469, %add3A_2504 : i32
        %get3A_2506 = arith.index_cast %add3A_2505 : i32 to index
        %get3A_2507 = tpu.vector_load %arg10[%get3A_2506] {strides = array<i32>} : memref<98304xbf16, #tpu.memory_space<vmem>>, vector<32xbf16>,
        %mul3A_2508 = arith.mulf %pack3A_2473, %get3A_2507 : vector<32xbf16>
        %add3A_2509 = arith.addf %add3A_2435, %mul3A_2508 : vector<32xbf16>
        %add3A_2510 = arith.constant 32 : i32
        %add3A_2511 = arith.addi %add3A_2469, %add3A_2510 : i32
        %get3A_2512 = arith.index_cast %add3A_2511 : i32 to index
        %get3A_2513 = tpu.vector_load %arg10[%get3A_2512] {strides = array<i32>} : memref<98304xbf16, #tpu.memory_space<vmem>>, vector<32xbf16>,
        %mul3A_2514 = arith.mulf %pack3A_2473, %get3A_2513 : vector<32xbf16>
        %add3A_2515 = arith.addf %add3A_2441, %mul3A_2514 : vector<32xbf16>
        %add3A_2516 = arith.constant 48 : i32
        %add3A_2517 = arith.addi %add3A_2469, %add3A_2516 : i32
        %get3A_2518 = arith.index_cast %add3A_2517 : i32 to index
        %get3A_2519 = tpu.vector_load %arg10[%get3A_2518] {strides = array<i32>} : memref<98304xbf16, #tpu.memory_space<vmem>>, vector<32xbf16>,
        %mul3A_2520 = arith.mulf %pack3A_2473, %get3A_2519 : vector<32xbf16>
        %add3A_2521 = arith.addf %add3A_2447, %mul3A_2520 : vector<32xbf16>
        %broadcast_in_dim3A_2522 = arith.constant 0.000000e+00 : f32
        %broadcast_in_dim3A_2523 = vector.broadcast %broadcast_in_dim3A_2522 : f32 to vector<16xf32>
        %bitcast3A = vector.bitcast %add3A_2479 : vector<32xbf16> to vector<16xi32>
        %shift_left3A = arith.constant 16 : i32
        %shift_left3A_2524 = vector.broadcast %shift_left3A : i32 to vector<16xi32>
        %shift_left3A_2525 = arith.shli %bitcast3A, %shift_left3A_2524 : vector<16xi32>
        %bitcast3A_2526 = vector.bitcast %shift_left3A_2525 : vector<16xi32> to vector<16xf32>
        %and3A_2527 = arith.constant -65536 : i32
        %and3A_2528 = vector.broadcast %and3A_2527 : i32 to vector<16xi32>
        %and3A_2529 = arith.andi %bitcast3A, %and3A_2528 : vector<16xi32>
        %bitcast3A_2530 = vector.bitcast %and3A_2529 : vector<16xi32> to vector<16xf32>
        %jit3A = arith.constant 0.000000e+00 : f32
        %jit3A_2531 = arith.constant 1.000000e+00 : f32
        %max3A = vector.broadcast %jit3A : f32 to vector<16xf32>
        %max3A_2532 = arith.maximumf %max3A, %bitcast3A_2526 : vector<16xf32>
        %min3A = vector.broadcast %jit3A_2531 : f32 to vector<16xf32>
        %min3A_2533 = arith.minimumf %min3A, %max3A_2532 : vector<16xf32>
        %jit3A_2534 = arith.constant 0.000000e+00 : f32
        %jit3A_2535 = arith.constant 1.000000e+00 : f32
        %max3A_2536 = vector.broadcast %jit3A_2534 : f32 to vector<16xf32>
        %max3A_2537 = arith.maximumf %max3A_2536, %bitcast3A_2530 : vector<16xf32>
        %min3A_2538 = vector.broadcast %jit3A_2535 : f32 to vector<16xf32>
        %min3A_2539 = arith.minimumf %min3A_2538, %max3A_2537 : vector<16xf32>
        %get3A_2540 = arith.constant 0 : index
        %get3A_2541 = tpu.vector_load %arg12[%get3A_2540] {strides = array<i32>} : memref<256xf32, #tpu.memory_space<vmem>>, vector<16xf32>,
        %mul3A_2542 = arith.mulf %min3A_2533, %get3A_2541 : vector<16xf32>
        %add3A_2543 = arith.addf %broadcast_in_dim3A_2523, %mul3A_2542 : vector<16xf32>
        %get3A_2544 = arith.constant 16 : index
        %get3A_2545 = tpu.vector_load %arg12[%get3A_2544] {strides = array<i32>} : memref<256xf32, #tpu.memory_space<vmem>>, vector<16xf32>,
        %mul3A_2546 = arith.mulf %min3A_2539, %get3A_2545 : vector<16xf32>
        %add3A_2547 = arith.addf %add3A_2543, %mul3A_2546 : vector<16xf32>
        %bitcast3A_2548 = vector.bitcast %add3A_2485 : vector<32xbf16> to vector<16xi32>
        %shift_left3A_2549 = arith.constant 16 : i32
        %shift_left3A_2550 = vector.broadcast %shift_left3A_2549 : i32 to vector<16xi32>
        %shift_left3A_2551 = arith.shli %bitcast3A_2548, %shift_left3A_2550 : vector<16xi32>
        %bitcast3A_2552 = vector.bitcast %shift_left3A_2551 : vector<16xi32> to vector<16xf32>
        %and3A_2553 = arith.constant -65536 : i32
        %and3A_2554 = vector.broadcast %and3A_2553 : i32 to vector<16xi32>
        %and3A_2555 = arith.andi %bitcast3A_2548, %and3A_2554 : vector<16xi32>
        %bitcast3A_2556 = vector.bitcast %and3A_2555 : vector<16xi32> to vector<16xf32>
        %jit3A_2557 = arith.constant 0.000000e+00 : f32
        %jit3A_2558 = arith.constant 1.000000e+00 : f32
        %max3A_2559 = vector.broadcast %jit3A_2557 : f32 to vector<16xf32>
        %max3A_2560 = arith.maximumf %max3A_2559, %bitcast3A_2552 : vector<16xf32>
        %min3A_2561 = vector.broadcast %jit3A_2558 : f32 to vector<16xf32>
        %min3A_2562 = arith.minimumf %min3A_2561, %max3A_2560 : vector<16xf32>
        %jit3A_2563 = arith.constant 0.000000e+00 : f32
        %jit3A_2564 = arith.constant 1.000000e+00 : f32
        %max3A_2565 = vector.broadcast %jit3A_2563 : f32 to vector<16xf32>
        %max3A_2566 = arith.maximumf %max3A_2565, %bitcast3A_2556 : vector<16xf32>
        %min3A_2567 = vector.broadcast %jit3A_2564 : f32 to vector<16xf32>
        %min3A_2568 = arith.minimumf %min3A_2567, %max3A_2566 : vector<16xf32>
        %get3A_2569 = arith.constant 32 : index
        %get3A_2570 = tpu.vector_load %arg12[%get3A_2569] {strides = array<i32>} : memref<256xf32, #tpu.memory_space<vmem>>, vector<16xf32>,
        %mul3A_2571 = arith.mulf %min3A_2562, %get3A_2570 : vector<16xf32>
        %add3A_2572 = arith.addf %add3A_2547, %mul3A_2571 : vector<16xf32>
        %get3A_2573 = arith.constant 48 : index
        %get3A_2574 = tpu.vector_load %arg12[%get3A_2573] {strides = array<i32>} : memref<256xf32, #tpu.memory_space<vmem>>, vector<16xf32>,
        %mul3A_2575 = arith.mulf %min3A_2568, %get3A_2574 : vector<16xf32>
        %add3A_2576 = arith.addf %add3A_2572, %mul3A_2575 : vector<16xf32>
        %bitcast3A_2577 = vector.bitcast %add3A_2491 : vector<32xbf16> to vector<16xi32>
        %shift_left3A_2578 = arith.constant 16 : i32
        %shift_left3A_2579 = vector.broadcast %shift_left3A_2578 : i32 to vector<16xi32>
        %shift_left3A_2580 = arith.shli %bitcast3A_2577, %shift_left3A_2579 : vector<16xi32>
        %bitcast3A_2581 = vector.bitcast %shift_left3A_2580 : vector<16xi32> to vector<16xf32>
        %and3A_2582 = arith.constant -65536 : i32
        %and3A_2583 = vector.broadcast %and3A_2582 : i32 to vector<16xi32>
        %and3A_2584 = arith.andi %bitcast3A_2577, %and3A_2583 : vector<16xi32>
        %bitcast3A_2585 = vector.bitcast %and3A_2584 : vector<16xi32> to vector<16xf32>
        %jit3A_2586 = arith.constant 0.000000e+00 : f32
        %jit3A_2587 = arith.constant 1.000000e+00 : f32
        %max3A_2588 = vector.broadcast %jit3A_2586 : f32 to vector<16xf32>
        %max3A_2589 = arith.maximumf %max3A_2588, %bitcast3A_2581 : vector<16xf32>
        %min3A_2590 = vector.broadcast %jit3A_2587 : f32 to vector<16xf32>
        %min3A_2591 = arith.minimumf %min3A_2590, %max3A_2589 : vector<16xf32>
        %jit3A_2592 = arith.constant 0.000000e+00 : f32
        %jit3A_2593 = arith.constant 1.000000e+00 : f32
        %max3A_2594 = vector.broadcast %jit3A_2592 : f32 to vector<16xf32>
        %max3A_2595 = arith.maximumf %max3A_2594, %bitcast3A_2585 : vector<16xf32>
        %min3A_2596 = vector.broadcast %jit3A_2593 : f32 to vector<16xf32>
        %min3A_2597 = arith.minimumf %min3A_2596, %max3A_2595 : vector<16xf32>
        %get3A_2598 = arith.constant 64 : index
        %get3A_2599 = tpu.vector_load %arg12[%get3A_2598] {strides = array<i32>} : memref<256xf32, #tpu.memory_space<vmem>>, vector<16xf32>,
        %mul3A_2600 = arith.mulf %min3A_2591, %get3A_2599 : vector<16xf32>
        %add3A_2601 = arith.addf %add3A_2576, %mul3A_2600 : vector<16xf32>
        %get3A_2602 = arith.constant 80 : index
        %get3A_2603 = tpu.vector_load %arg12[%get3A_2602] {strides = array<i32>} : memref<256xf32, #tpu.memory_space<vmem>>, vector<16xf32>,
        %mul3A_2604 = arith.mulf %min3A_2597, %get3A_2603 : vector<16xf32>
        %add3A_2605 = arith.addf %add3A_2601, %mul3A_2604 : vector<16xf32>
        %bitcast3A_2606 = vector.bitcast %add3A_2497 : vector<32xbf16> to vector<16xi32>
        %shift_left3A_2607 = arith.constant 16 : i32
        %shift_left3A_2608 = vector.broadcast %shift_left3A_2607 : i32 to vector<16xi32>
        %shift_left3A_2609 = arith.shli %bitcast3A_2606, %shift_left3A_2608 : vector<16xi32>
        %bitcast3A_2610 = vector.bitcast %shift_left3A_2609 : vector<16xi32> to vector<16xf32>
        %and3A_2611 = arith.constant -65536 : i32
        %and3A_2612 = vector.broadcast %and3A_2611 : i32 to vector<16xi32>
        %and3A_2613 = arith.andi %bitcast3A_2606, %and3A_2612 : vector<16xi32>
        %bitcast3A_2614 = vector.bitcast %and3A_2613 : vector<16xi32> to vector<16xf32>
        %jit3A_2615 = arith.constant 0.000000e+00 : f32
        %jit3A_2616 = arith.constant 1.000000e+00 : f32
        %max3A_2617 = vector.broadcast %jit3A_2615 : f32 to vector<16xf32>
        %max3A_2618 = arith.maximumf %max3A_2617, %bitcast3A_2610 : vector<16xf32>
        %min3A_2619 = vector.broadcast %jit3A_2616 : f32 to vector<16xf32>
        %min3A_2620 = arith.minimumf %min3A_2619, %max3A_2618 : vector<16xf32>
        %jit3A_2621 = arith.constant 0.000000e+00 : f32
        %jit3A_2622 = arith.constant 1.000000e+00 : f32
        %max3A_2623 = vector.broadcast %jit3A_2621 : f32 to vector<16xf32>
        %max3A_2624 = arith.maximumf %max3A_2623, %bitcast3A_2614 : vector<16xf32>
        %min3A_2625 = vector.broadcast %jit3A_2622 : f32 to vector<16xf32>
        %min3A_2626 = arith.minimumf %min3A_2625, %max3A_2624 : vector<16xf32>
        %get3A_2627 = arith.constant 96 : index
        %get3A_2628 = tpu.vector_load %arg12[%get3A_2627] {strides = array<i32>} : memref<256xf32, #tpu.memory_space<vmem>>, vector<16xf32>,
        %mul3A_2629 = arith.mulf %min3A_2620, %get3A_2628 : vector<16xf32>
        %add3A_2630 = arith.addf %add3A_2605, %mul3A_2629 : vector<16xf32>
        %get3A_2631 = arith.constant 112 : index
        %get3A_2632 = tpu.vector_load %arg12[%get3A_2631] {strides = array<i32>} : memref<256xf32, #tpu.memory_space<vmem>>, vector<16xf32>,
        %mul3A_2633 = arith.mulf %min3A_2626, %get3A_2632 : vector<16xf32>
        %add3A_2634 = arith.addf %add3A_2630, %mul3A_2633 : vector<16xf32>
        %bitcast3A_2635 = vector.bitcast %add3A_2503 : vector<32xbf16> to vector<16xi32>
        %shift_left3A_2636 = arith.constant 16 : i32
        %shift_left3A_2637 = vector.broadcast %shift_left3A_2636 : i32 to vector<16xi32>
        %shift_left3A_2638 = arith.shli %bitcast3A_2635, %shift_left3A_2637 : vector<16xi32>
        %bitcast3A_2639 = vector.bitcast %shift_left3A_2638 : vector<16xi32> to vector<16xf32>
        %and3A_2640 = arith.constant -65536 : i32
        %and3A_2641 = vector.broadcast %and3A_2640 : i32 to vector<16xi32>
        %and3A_2642 = arith.andi %bitcast3A_2635, %and3A_2641 : vector<16xi32>
        %bitcast3A_2643 = vector.bitcast %and3A_2642 : vector<16xi32> to vector<16xf32>
        %jit3A_2644 = arith.constant 0.000000e+00 : f32
        %jit3A_2645 = arith.constant 1.000000e+00 : f32
        %max3A_2646 = vector.broadcast %jit3A_2644 : f32 to vector<16xf32>
        %max3A_2647 = arith.maximumf %max3A_2646, %bitcast3A_2639 : vector<16xf32>
        %min3A_2648 = vector.broadcast %jit3A_2645 : f32 to vector<16xf32>
        %min3A_2649 = arith.minimumf %min3A_2648, %max3A_2647 : vector<16xf32>
        %jit3A_2650 = arith.constant 0.000000e+00 : f32
        %jit3A_2651 = arith.constant 1.000000e+00 : f32
        %max3A_2652 = vector.broadcast %jit3A_2650 : f32 to vector<16xf32>
        %max3A_2653 = arith.maximumf %max3A_2652, %bitcast3A_2643 : vector<16xf32>
        %min3A_2654 = vector.broadcast %jit3A_2651 : f32 to vector<16xf32>
        %min3A_2655 = arith.minimumf %min3A_2654, %max3A_2653 : vector<16xf32>
        %get3A_2656 = arith.constant 128 : index
        %get3A_2657 = tpu.vector_load %arg12[%get3A_2656] {strides = array<i32>} : memref<256xf32, #tpu.memory_space<vmem>>, vector<16xf32>,
        %mul3A_2658 = arith.mulf %min3A_2649, %get3A_2657 : vector<16xf32>
        %add3A_2659 = arith.addf %add3A_2634, %mul3A_2658 : vector<16xf32>
        %get3A_2660 = arith.constant 144 : index
        %get3A_2661 = tpu.vector_load %arg12[%get3A_2660] {strides = array<i32>} : memref<256xf32, #tpu.memory_space<vmem>>, vector<16xf32>,
        %mul3A_2662 = arith.mulf %min3A_2655, %get3A_2661 : vector<16xf32>
        %add3A_2663 = arith.addf %add3A_2659, %mul3A_2662 : vector<16xf32>
        %bitcast3A_2664 = vector.bitcast %add3A_2509 : vector<32xbf16> to vector<16xi32>
        %shift_left3A_2665 = arith.constant 16 : i32
        %shift_left3A_2666 = vector.broadcast %shift_left3A_2665 : i32 to vector<16xi32>
        %shift_left3A_2667 = arith.shli %bitcast3A_2664, %shift_left3A_2666 : vector<16xi32>
        %bitcast3A_2668 = vector.bitcast %shift_left3A_2667 : vector<16xi32> to vector<16xf32>
        %and3A_2669 = arith.constant -65536 : i32
        %and3A_2670 = vector.broadcast %and3A_2669 : i32 to vector<16xi32>
        %and3A_2671 = arith.andi %bitcast3A_2664, %and3A_2670 : vector<16xi32>
        %bitcast3A_2672 = vector.bitcast %and3A_2671 : vector<16xi32> to vector<16xf32>
        %jit3A_2673 = arith.constant 0.000000e+00 : f32
        %jit3A_2674 = arith.constant 1.000000e+00 : f32
        %max3A_2675 = vector.broadcast %jit3A_2673 : f32 to vector<16xf32>
        %max3A_2676 = arith.maximumf %max3A_2675, %bitcast3A_2668 : vector<16xf32>
        %min3A_2677 = vector.broadcast %jit3A_2674 : f32 to vector<16xf32>
        %min3A_2678 = arith.minimumf %min3A_2677, %max3A_2676 : vector<16xf32>
        %jit3A_2679 = arith.constant 0.000000e+00 : f32
        %jit3A_2680 = arith.constant 1.000000e+00 : f32
        %max3A_2681 = vector.broadcast %jit3A_2679 : f32 to vector<16xf32>
        %max3A_2682 = arith.maximumf %max3A_2681, %bitcast3A_2672 : vector<16xf32>
        %min3A_2683 = vector.broadcast %jit3A_2680 : f32 to vector<16xf32>
        %min3A_2684 = arith.minimumf %min3A_2683, %max3A_2682 : vector<16xf32>
        %get3A_2685 = arith.constant 160 : index
        %get3A_2686 = tpu.vector_load %arg12[%get3A_2685] {strides = array<i32>} : memref<256xf32, #tpu.memory_space<vmem>>, vector<16xf32>,
        %mul3A_2687 = arith.mulf %min3A_2678, %get3A_2686 : vector<16xf32>
        %add3A_2688 = arith.addf %add3A_2663, %mul3A_2687 : vector<16xf32>
        %get3A_2689 = arith.constant 176 : index
        %get3A_2690 = tpu.vector_load %arg12[%get3A_2689] {strides = array<i32>} : memref<256xf32, #tpu.memory_space<vmem>>, vector<16xf32>,
        %mul3A_2691 = arith.mulf %min3A_2684, %get3A_2690 : vector<16xf32>
        %add3A_2692 = arith.addf %add3A_2688, %mul3A_2691 : vector<16xf32>
        %bitcast3A_2693 = vector.bitcast %add3A_2515 : vector<32xbf16> to vector<16xi32>
        %shift_left3A_2694 = arith.constant 16 : i32
        %shift_left3A_2695 = vector.broadcast %shift_left3A_2694 : i32 to vector<16xi32>
        %shift_left3A_2696 = arith.shli %bitcast3A_2693, %shift_left3A_2695 : vector<16xi32>
        %bitcast3A_2697 = vector.bitcast %shift_left3A_2696 : vector<16xi32> to vector<16xf32>
        %and3A_2698 = arith.constant -65536 : i32
        %and3A_2699 = vector.broadcast %and3A_2698 : i32 to vector<16xi32>
        %and3A_2700 = arith.andi %bitcast3A_2693, %and3A_2699 : vector<16xi32>
        %bitcast3A_2701 = vector.bitcast %and3A_2700 : vector<16xi32> to vector<16xf32>
        %jit3A_2702 = arith.constant 0.000000e+00 : f32
        %jit3A_2703 = arith.constant 1.000000e+00 : f32
        %max3A_2704 = vector.broadcast %jit3A_2702 : f32 to vector<16xf32>
        %max3A_2705 = arith.maximumf %max3A_2704, %bitcast3A_2697 : vector<16xf32>
        %min3A_2706 = vector.broadcast %jit3A_2703 : f32 to vector<16xf32>
        %min3A_2707 = arith.minimumf %min3A_2706, %max3A_2705 : vector<16xf32>
        %jit3A_2708 = arith.constant 0.000000e+00 : f32
        %jit3A_2709 = arith.constant 1.000000e+00 : f32
        %max3A_2710 = vector.broadcast %jit3A_2708 : f32 to vector<16xf32>
        %max3A_2711 = arith.maximumf %max3A_2710, %bitcast3A_2701 : vector<16xf32>
        %min3A_2712 = vector.broadcast %jit3A_2709 : f32 to vector<16xf32>
        %min3A_2713 = arith.minimumf %min3A_2712, %max3A_2711 : vector<16xf32>
        %get3A_2714 = arith.constant 192 : index
        %get3A_2715 = tpu.vector_load %arg12[%get3A_2714] {strides = array<i32>} : memref<256xf32, #tpu.memory_space<vmem>>, vector<16xf32>,
        %mul3A_2716 = arith.mulf %min3A_2707, %get3A_2715 : vector<16xf32>
        %add3A_2717 = arith.addf %add3A_2692, %mul3A_2716 : vector<16xf32>
        %get3A_2718 = arith.constant 208 : index
        %get3A_2719 = tpu.vector_load %arg12[%get3A_2718] {strides = array<i32>} : memref<256xf32, #tpu.memory_space<vmem>>, vector<16xf32>,
        %mul3A_2720 = arith.mulf %min3A_2713, %get3A_2719 : vector<16xf32>
        %add3A_2721 = arith.addf %add3A_2717, %mul3A_2720 : vector<16xf32>
        %bitcast3A_2722 = vector.bitcast %add3A_2521 : vector<32xbf16> to vector<16xi32>
        %shift_left3A_2723 = arith.constant 16 : i32
        %shift_left3A_2724 = vector.broadcast %shift_left3A_2723 : i32 to vector<16xi32>
        %shift_left3A_2725 = arith.shli %bitcast3A_2722, %shift_left3A_2724 : vector<16xi32>
        %bitcast3A_2726 = vector.bitcast %shift_left3A_2725 : vector<16xi32> to vector<16xf32>
        %and3A_2727 = arith.constant -65536 : i32
        %and3A_2728 = vector.broadcast %and3A_2727 : i32 to vector<16xi32>
        %and3A_2729 = arith.andi %bitcast3A_2722, %and3A_2728 : vector<16xi32>
        %bitcast3A_2730 = vector.bitcast %and3A_2729 : vector<16xi32> to vector<16xf32>
        %jit3A_2731 = arith.constant 0.000000e+00 : f32
        %jit3A_2732 = arith.constant 1.000000e+00 : f32
        %max3A_2733 = vector.broadcast %jit3A_2731 : f32 to vector<16xf32>
        %max3A_2734 = arith.maximumf %max3A_2733, %bitcast3A_2726 : vector<16xf32>
        %min3A_2735 = vector.broadcast %jit3A_2732 : f32 to vector<16xf32>
        %min3A_2736 = arith.minimumf %min3A_2735, %max3A_2734 : vector<16xf32>
        %jit3A_2737 = arith.constant 0.000000e+00 : f32
        %jit3A_2738 = arith.constant 1.000000e+00 : f32
        %max3A_2739 = vector.broadcast %jit3A_2737 : f32 to vector<16xf32>
        %max3A_2740 = arith.maximumf %max3A_2739, %bitcast3A_2730 : vector<16xf32>
        %min3A_2741 = vector.broadcast %jit3A_2738 : f32 to vector<16xf32>
        %min3A_2742 = arith.minimumf %min3A_2741, %max3A_2740 : vector<16xf32>
        %get3A_2743 = arith.constant 224 : index
        %get3A_2744 = tpu.vector_load %arg12[%get3A_2743] {strides = array<i32>} : memref<256xf32, #tpu.memory_space<vmem>>, vector<16xf32>,
        %mul3A_2745 = arith.mulf %min3A_2736, %get3A_2744 : vector<16xf32>
        %add3A_2746 = arith.addf %add3A_2721, %mul3A_2745 : vector<16xf32>
        %get3A_2747 = arith.constant 240 : index
        %get3A_2748 = tpu.vector_load %arg12[%get3A_2747] {strides = array<i32>} : memref<256xf32, #tpu.memory_space<vmem>>, vector<16xf32>,
        %mul3A_2749 = arith.mulf %min3A_2742, %get3A_2748 : vector<16xf32>
        %add3A_2750 = arith.addf %add3A_2746, %mul3A_2749 : vector<16xf32>
        %mul3A_2751 = arith.constant 16 : i32
        %mul3A_2752 = arith.muli %scan3A_114, %mul3A_2751 : i32
        %swap3A_2753 = arith.index_cast %mul3A_2752 : i32 to index
        %swap3A_2754 = tpu.vector_load %arg17[%swap3A_2753] {strides = array<i32>} : memref<256xf32, #tpu.memory_space<vmem>>, vector<16xf32>,
        tpu.vector_store %arg17[%swap3A_2753], %add3A_2750 {strides = array<i32>} : memref<256xf32, #tpu.memory_space<vmem>>, vector<16xf32>,
        %scan3A_2755 = arith.constant 0 : i32
        scf.yield %scan3A_2755 : i32
      }
      %scan3A_20 = arith.constant 16 : i32
      %iota3A = tpu.iota {dimensions = array<i32: 0>} : vector<16xi32>
      %mul3A_21 = arith.constant 16 : i32
      %mul3A_22 = vector.broadcast %mul3A_21 : i32 to vector<16xi32>
      %mul3A_23 = arith.muli %iota3A, %mul3A_22 : vector<16xi32>
      %broadcast_in_dim3A = vector.broadcast %squeeze3A : f32 to vector<16xf32>
      %add3A_24 = arith.constant 0 : i32
      %add3A_25 = vector.broadcast %add3A_24 : i32 to vector<16xi32>
      %add3A_26 = arith.addi %mul3A_23, %add3A_25 : vector<16xi32>
      %gather3A = tpu.vector_load_idx %arg17[%add3A_26] : memref<256xf32, #tpu.memory_space<vmem>>[vector<16xi32>], vector<16xf32>,
      %add3A_27 = arith.addf %broadcast_in_dim3A, %gather3A : vector<16xf32>
      %add3A_28 = arith.constant 1 : i32
      %add3A_29 = vector.broadcast %add3A_28 : i32 to vector<16xi32>
      %add3A_30 = arith.addi %mul3A_23, %add3A_29 : vector<16xi32>
      %gather3A_31 = tpu.vector_load_idx %arg17[%add3A_30] : memref<256xf32, #tpu.memory_space<vmem>>[vector<16xi32>], vector<16xf32>,
      %add3A_32 = arith.addf %add3A_27, %gather3A_31 : vector<16xf32>
      %add3A_33 = arith.constant 2 : i32
      %add3A_34 = vector.broadcast %add3A_33 : i32 to vector<16xi32>
      %add3A_35 = arith.addi %mul3A_23, %add3A_34 : vector<16xi32>
      %gather3A_36 = tpu.vector_load_idx %arg17[%add3A_35] : memref<256xf32, #tpu.memory_space<vmem>>[vector<16xi32>], vector<16xf32>,
      %add3A_37 = arith.addf %add3A_32, %gather3A_36 : vector<16xf32>
      %add3A_38 = arith.constant 3 : i32
      %add3A_39 = vector.broadcast %add3A_38 : i32 to vector<16xi32>
      %add3A_40 = arith.addi %mul3A_23, %add3A_39 : vector<16xi32>
      %gather3A_41 = tpu.vector_load_idx %arg17[%add3A_40] : memref<256xf32, #tpu.memory_space<vmem>>[vector<16xi32>], vector<16xf32>,
      %add3A_42 = arith.addf %add3A_37, %gather3A_41 : vector<16xf32>
      %add3A_43 = arith.constant 4 : i32
      %add3A_44 = vector.broadcast %add3A_43 : i32 to vector<16xi32>
      %add3A_45 = arith.addi %mul3A_23, %add3A_44 : vector<16xi32>
      %gather3A_46 = tpu.vector_load_idx %arg17[%add3A_45] : memref<256xf32, #tpu.memory_space<vmem>>[vector<16xi32>], vector<16xf32>,
      %add3A_47 = arith.addf %add3A_42, %gather3A_46 : vector<16xf32>
      %add3A_48 = arith.constant 5 : i32
      %add3A_49 = vector.broadcast %add3A_48 : i32 to vector<16xi32>
      %add3A_50 = arith.addi %mul3A_23, %add3A_49 : vector<16xi32>
      %gather3A_51 = tpu.vector_load_idx %arg17[%add3A_50] : memref<256xf32, #tpu.memory_space<vmem>>[vector<16xi32>], vector<16xf32>,
      %add3A_52 = arith.addf %add3A_47, %gather3A_51 : vector<16xf32>
      %add3A_53 = arith.constant 6 : i32
      %add3A_54 = vector.broadcast %add3A_53 : i32 to vector<16xi32>
      %add3A_55 = arith.addi %mul3A_23, %add3A_54 : vector<16xi32>
      %gather3A_56 = tpu.vector_load_idx %arg17[%add3A_55] : memref<256xf32, #tpu.memory_space<vmem>>[vector<16xi32>], vector<16xf32>,
      %add3A_57 = arith.addf %add3A_52, %gather3A_56 : vector<16xf32>
      %add3A_58 = arith.constant 7 : i32
      %add3A_59 = vector.broadcast %add3A_58 : i32 to vector<16xi32>
      %add3A_60 = arith.addi %mul3A_23, %add3A_59 : vector<16xi32>
      %gather3A_61 = tpu.vector_load_idx %arg17[%add3A_60] : memref<256xf32, #tpu.memory_space<vmem>>[vector<16xi32>], vector<16xf32>,
      %add3A_62 = arith.addf %add3A_57, %gather3A_61 : vector<16xf32>
      %add3A_63 = arith.constant 8 : i32
      %add3A_64 = vector.broadcast %add3A_63 : i32 to vector<16xi32>
      %add3A_65 = arith.addi %mul3A_23, %add3A_64 : vector<16xi32>
      %gather3A_66 = tpu.vector_load_idx %arg17[%add3A_65] : memref<256xf32, #tpu.memory_space<vmem>>[vector<16xi32>], vector<16xf32>,
      %add3A_67 = arith.addf %add3A_62, %gather3A_66 : vector<16xf32>
      %add3A_68 = arith.constant 9 : i32
      %add3A_69 = vector.broadcast %add3A_68 : i32 to vector<16xi32>
      %add3A_70 = arith.addi %mul3A_23, %add3A_69 : vector<16xi32>
      %gather3A_71 = tpu.vector_load_idx %arg17[%add3A_70] : memref<256xf32, #tpu.memory_space<vmem>>[vector<16xi32>], vector<16xf32>,
      %add3A_72 = arith.addf %add3A_67, %gather3A_71 : vector<16xf32>
      %add3A_73 = arith.constant 10 : i32
      %add3A_74 = vector.broadcast %add3A_73 : i32 to vector<16xi32>
      %add3A_75 = arith.addi %mul3A_23, %add3A_74 : vector<16xi32>
      %gather3A_76 = tpu.vector_load_idx %arg17[%add3A_75] : memref<256xf32, #tpu.memory_space<vmem>>[vector<16xi32>], vector<16xf32>,
      %add3A_77 = arith.addf %add3A_72, %gather3A_76 : vector<16xf32>
      %add3A_78 = arith.constant 11 : i32
      %add3A_79 = vector.broadcast %add3A_78 : i32 to vector<16xi32>
      %add3A_80 = arith.addi %mul3A_23, %add3A_79 : vector<16xi32>
      %gather3A_81 = tpu.vector_load_idx %arg17[%add3A_80] : memref<256xf32, #tpu.memory_space<vmem>>[vector<16xi32>], vector<16xf32>,
      %add3A_82 = arith.addf %add3A_77, %gather3A_81 : vector<16xf32>
      %add3A_83 = arith.constant 12 : i32
      %add3A_84 = vector.broadcast %add3A_83 : i32 to vector<16xi32>
      %add3A_85 = arith.addi %mul3A_23, %add3A_84 : vector<16xi32>
      %gather3A_86 = tpu.vector_load_idx %arg17[%add3A_85] : memref<256xf32, #tpu.memory_space<vmem>>[vector<16xi32>], vector<16xf32>,
      %add3A_87 = arith.addf %add3A_82, %gather3A_86 : vector<16xf32>
      %add3A_88 = arith.constant 13 : i32
      %add3A_89 = vector.broadcast %add3A_88 : i32 to vector<16xi32>
      %add3A_90 = arith.addi %mul3A_23, %add3A_89 : vector<16xi32>
      %gather3A_91 = tpu.vector_load_idx %arg17[%add3A_90] : memref<256xf32, #tpu.memory_space<vmem>>[vector<16xi32>], vector<16xf32>,
      %add3A_92 = arith.addf %add3A_87, %gather3A_91 : vector<16xf32>
      %add3A_93 = arith.constant 14 : i32
      %add3A_94 = vector.broadcast %add3A_93 : i32 to vector<16xi32>
      %add3A_95 = arith.addi %mul3A_23, %add3A_94 : vector<16xi32>
      %gather3A_96 = tpu.vector_load_idx %arg17[%add3A_95] : memref<256xf32, #tpu.memory_space<vmem>>[vector<16xi32>], vector<16xf32>,
      %add3A_97 = arith.addf %add3A_92, %gather3A_96 : vector<16xf32>
      %add3A_98 = arith.constant 15 : i32
      %add3A_99 = vector.broadcast %add3A_98 : i32 to vector<16xi32>
      %add3A_100 = arith.addi %mul3A_23, %add3A_99 : vector<16xi32>
      %gather3A_101 = tpu.vector_load_idx %arg17[%add3A_100] : memref<256xf32, #tpu.memory_space<vmem>>[vector<16xi32>], vector<16xf32>,
      %add3A_102 = arith.addf %add3A_97, %gather3A_101 : vector<16xf32>
      %neg3A = arith.constant 0.000000e+00 : f32
      %neg3A_103 = vector.broadcast %neg3A : f32 to vector<16xf32>
      %neg3A_104 = arith.subf %neg3A_103, %add3A_102 : vector<16xf32>
      %exp3A = math.exp %neg3A_104 : vector<16xf32>
      %add3A_105 = arith.constant 1.000000e+00 : f32
      %add3A_106 = vector.broadcast %add3A_105 : f32 to vector<16xf32>
      %add3A_107 = arith.addf %add3A_106, %exp3A : vector<16xf32>
      %div3A = arith.constant 1.000000e+00 : f32
      %div3A_108 = vector.broadcast %div3A : f32 to vector<16xf32>
      %div3A_109 = arith.divf %div3A_108, %add3A_107 : vector<16xf32>
      %mul3A_110 = arith.constant 16 : i32
      %mul3A_111 = arith.muli %scan3A_12, %mul3A_110 : i32
      %swap3A = arith.index_cast %mul3A_111 : i32 to index
      %swap3A_112 = tpu.vector_load %arg18[%swap3A] {strides = array<i32>} : memref<512xf32, #tpu.memory_space<vmem>>, vector<16xf32>,
      tpu.vector_store %arg18[%swap3A], %div3A_109 {strides = array<i32>} : memref<512xf32, #tpu.memory_space<vmem>>, vector<16xf32>,
      %scan3A_113 = arith.constant 0 : i32
      scf.yield %scan3A_113 : i32
    }
    %scan3A_11 = arith.constant 32 : i32
    "tpu.region"() ({
      %run_scoped3A = tpu.sem_alloc : memref<!tpu.dma_semaphore, #tpu.memory_space<semaphore_mem>>
      %dma_start3A = tpu.memref_slice %arg9[%mul3A_2] : memref<16384xf32, #tpu.memory_space<hbm>> -> memref<512xf32, #tpu.memory_space<hbm>>
      %dma_start3A_12 = tpu.memref_slice %arg9[%mul3A_2] : memref<16384xf32, #tpu.memory_space<hbm>> -> memref<512xf32, #tpu.memory_space<hbm>>
      tpu.enqueue_dma source(%arg18 : memref<512xf32, #tpu.memory_space<vmem>>) target(%dma_start3A_12 : memref<512xf32, #tpu.memory_space<hbm>>) target_semaphore(%run_scoped3A : memref<!tpu.dma_semaphore, #tpu.memory_space<semaphore_mem>>)
      %dma_wait3A = tpu.memref_slice %arg9[%mul3A_2] : memref<16384xf32, #tpu.memory_space<hbm>> -> memref<512xf32, #tpu.memory_space<hbm>>
      %dma_wait3A_13 = tpu.memref_slice %arg9[%mul3A_2] : memref<16384xf32, #tpu.memory_space<hbm>> -> memref<512xf32, #tpu.memory_space<hbm>>
      tpu.wait_dma2 semaphore(%run_scoped3A : memref<!tpu.dma_semaphore, #tpu.memory_space<semaphore_mem>>) src(%arg18 : memref<512xf32, #tpu.memory_space<vmem>>) dst(%dma_wait3A_13 : memref<512xf32, #tpu.memory_space<hbm>>)
      tpu.yield
    }) : () -> ()
    return
  }
}

</mosaic_0001>

<sc_bundles>
// kernel: _run.3.cloned.1.call-start
scs
__scs_entry_jumppad:
0x0: {  	(pc) =	sbr.rel $0x88, $3  }
0x1: {  	(tag) =	ssettag $0x0;
	lr =	simm.s32 $0x1  }
0x2: {  	[smem:$0x3F9A] =	sst lr;
	_ =	strace $0xD0000000  }
0x3: {  	_ = 	snop  }
0x4: {  	_ = 	snop  }
0x5: {  	_ = 	snop  }
0x6: {  	_ = 	snop  }
0x7: {  	_ = 	snop  }
__scs_overlays_trampoline_lowered:
0x8: {  	[smem:$0x3FA9] =	sst s0  }
0x9: {  	[smem:$0x3FAA] =	sst s1  }
0xa: {  	[smem:$0x3FAB] =	sst s2  }
0xb: {  	[smem:$0x3FAC] =	sst s3  }
0xc: {  	[smem:$0x3FAD] =	sst s4  }
0xd: {  	[smem:$0x3FAE] =	sst s5  }
0xe: {  	[smem:$0x3FAF] =	sst s6  }
0xf: {  	[smem:$0x3FB0] =	sst s7  }
0x10: {  	[smem:$0x3FB1] =	sst s8  }
0x11: {  	[smem:$0x3FB2] =	sst s9;
	s0 =	simm.s32 @!p0 $0x0  }
0x12: {  	s1 =	sld [smem:$0x3F98];
	s0 =	simm.s32 @p0 $0x1  }
0x13: {  	[smem:$0x3FB3] =	sst s0;
	s0 =	simm.s32 @!p1 $0x0  }
0x14: {  	s2 =	sld [smem:$0x3F97];
	s0 =	simm.s32 @p1 $0x1  }
0x15: {  	[smem:$0x3FB4] =	sst s0;
	s0 =	simm.s32 @!p2 $0x0  }
0x16: {  	s3 =	sld [smem:$0x3FDB];
	s0 =	simm.s32 @p2 $0x1  }
0x17: {  	s4 =	simm.s32 $0x1BF5;
	[smem:$0x3FB6] =	sst s0  }
0x18: {  	s0 =	sld [smem:$0x3F99];
	_ =	swait.ge [sflag:s4], $0x0  }
0x19: {  	s7 =	sld [smem:$0x3F9A]  }
0x1a: {  	s8 =	sadd.s32 $0xFFFFE003, lr  }
0x1b: {  	s9 =	sadd.s32 $0xFFFFFEF7, lr;
	s5 =	simm.s32 $0xFFFFFFFF;
	p2 =	slt.u32 s8, $0xFFFFF086  }
0x1c: {  	p1 =	slt.u32 s9, $0xF7A;
	s5 =	simm.s32 @!p2 $0x0  }
0x1d: {  	s5 =	simm.s32 @p1 $0x1;
	p0 =	seq.s32 s7, s2  }
0x1e: {  	s7 =	smul.u32 @!p0 $0xF7A, s2;
	p2 =	seq.s32 @!p0 s5, $0x0  }
0x1f: {  	s9 =	smul.u32 $0xF7A, s1;
	s8 =	simm.s32 @!p0 $0x1BF5;
	p2 =	por !p2, p0  }
0x20: {  	[sflag:s8] =	ssyncset.s32 @!p0 $0xFFFFF086;
	s6 =	sadd.s32 @!p0 s3, s7;
	s7 =	simm.s32 @!p0 $0x108  }
0x21: {  	s3 =	sadd.s32 s3, s9;
	s6 =	sadd.s32 @!p0 $0x88, s6;
	s7 =	simm.s32 @p2 $0x1082  }
0x22: {  	[simem:s7], [sflag:s8] =	dma.local @!p0 [hbm:s6], $0xF7A  }
0x23: {  	s9 =	sor.u32 $0xD0000000, s2;
	s6 =	simm.s32 $0x108;
	_ =	swait.ge @!p0 [sflag:s8], $0x0  }
0x24: {  	s3 =	sadd.s32 $0x88, s3;
	s6 =	simm.s32 @!p1 $0x1082;
	[sflag:s4] =	ssyncset.s32 $0xFFFFF086  }
0x25: {  	[simem:s6], [sflag:s4] =	dma.local [hbm:s3], $0xF7A  }
0x26: {  	[smem:$0x3F9A] =	sst s1;
	(tag) =	ssettag s2;
	_ =	strace s9  }
0x27: {  	s1 =	sld [smem:$0x3FAA]  }
0x28: {  	s2 =	sld [smem:$0x3FAB]  }
0x29: {  	s4 =	sld [smem:$0x3FAD]  }
0x2a: {  	p0 =	seq.s32 s5, $0x0;
	s5 =	sld [smem:$0x3FAE]  }
0x2b: {  	s6 =	sld [smem:$0x3FAF]  }
0x2c: {  	s7 =	sld [smem:$0x3FB0]  }
0x2d: {  	s3 =	simm.s32 $0x108;
	s8 =	sld [smem:$0x3FB1]  }
0x2e: {  	s3 =	simm.s32 @!p0 $0x1082;
	s9 =	sld [smem:$0x3FB2]  }
0x2f: {  	lr =	sadd.s32 s0, s3;
	s0 =	sld [smem:$0x3FA9]  }
0x30: {  	s3 =	sld [smem:$0x3FAC]  }
0x31: {  	[smem:$0x3FB5] =	sst s10  }
0x32: {  	s10 =	sld [smem:$0x3FB3];
	_ =	sdelay $0x3  }
0x33: {  	p0 =	seq.s32 s10, $0x1;
	s10 =	sld [smem:$0x3FB5];
	_ =	sdelay $0x3  }
0x34: {  	[smem:$0x3FB5] =	sst s10  }
0x35: {  	s10 =	sld [smem:$0x3FB4];
	_ =	sdelay $0x3  }
0x36: {  	p1 =	seq.s32 s10, $0x1;
	s10 =	sld [smem:$0x3FB5];
	_ =	sdelay $0x3  }
0x37: {  	[smem:$0x3FB5] =	sst s10  }
0x38: {  	s10 =	sld [smem:$0x3FB6]  }
0x39: {  	_ = 	snop;
	(pc) =	sbr.ind lr, $3  }
0x3a: {  	_ = 	snop  }
0x3b: {  	_ = 	snop  }
0x3c: {  	p2 =	seq.s32 s10, $0x1;
	s10 =	sld [smem:$0x3FB5]  }
0x3d: {  	_ =	shalt  }
0x3e: {  	_ =	shalt  }
0x3f: {  	_ =	shalt  }
0x40: {  	_ =	shalt  }
0x41: {  	_ =	shalt  }
0x42: {  	_ =	shalt  }
0x43: {  	_ =	shalt  }
0x44: {  	_ =	shalt  }
0x45: {  	_ =	shalt  }
0x46: {  	_ =	shalt  }
0x47: {  	_ =	shalt  }
0x48: {  	_ =	shalt  }
0x49: {  	_ =	shalt  }
0x4a: {  	_ =	shalt  }
0x4b: {  	_ =	shalt  }
0x4c: {  	_ =	shalt  }
0x4d: {  	_ =	shalt  }
0x4e: {  	_ =	shalt  }
0x4f: {  	_ =	shalt  }
0x50: {  	_ =	shalt  }
0x51: {  	_ =	shalt  }
0x52: {  	_ =	shalt  }
0x53: {  	_ =	shalt  }
0x54: {  	_ =	shalt  }
0x55: {  	_ =	shalt  }
0x56: {  	_ =	shalt  }
0x57: {  	_ =	shalt  }
0x58: {  	_ =	shalt  }
0x59: {  	_ =	shalt  }
0x5a: {  	_ =	shalt  }
0x5b: {  	_ =	shalt  }
0x5c: {  	_ =	shalt  }
0x5d: {  	_ =	shalt  }
0x5e: {  	_ =	shalt  }
0x5f: {  	_ =	shalt  }
0x60: {  	_ =	shalt  }
0x61: {  	_ =	shalt  }
0x62: {  	_ =	shalt  }
0x63: {  	_ =	shalt  }
0x64: {  	_ =	shalt  }
0x65: {  	_ =	shalt  }
0x66: {  	_ =	shalt  }
0x67: {  	_ =	shalt  }
0x68: {  	_ =	shalt  }
0x69: {  	_ =	shalt  }
0x6a: {  	_ =	shalt  }
0x6b: {  	_ =	shalt  }
0x6c: {  	_ =	shalt  }
0x6d: {  	_ =	shalt  }
0x6e: {  	_ =	shalt  }
0x6f: {  	_ =	shalt  }
0x70: {  	_ =	shalt  }
0x71: {  	_ =	shalt  }
0x72: {  	_ =	shalt  }
0x73: {  	_ =	shalt  }
0x74: {  	_ =	shalt  }
0x75: {  	_ =	shalt  }
0x76: {  	_ =	shalt  }
0x77: {  	_ =	shalt  }
0x78: {  	_ =	shalt  }
0x79: {  	_ =	shalt  }
0x7a: {  	_ =	shalt  }
0x7b: {  	_ =	shalt  }
0x7c: {  	_ =	shalt  }
0x7d: {  	_ =	shalt  }
0x7e: {  	_ =	shalt  }
0x7f: {  	_ =	shalt  }
0x80: {  	_ =	shalt  }
0x81: {  	_ =	shalt  }
0x82: {  	_ =	shalt  }
0x83: {  	_ =	shalt  }
0x84: {  	_ =	shalt  }
0x85: {  	_ =	shalt  }
0x86: {  	_ =	shalt  }
0x87: {  	_ =	shalt  }
.Lfunc_end0:
.L_simem_size_0:
called_computation_lowered:
.L_overlay_start_0:
0x88: {  	s2 =	sld [smem:$0x3FD9]  }
0x89: {  	s3 =	sld [smem:$0x3FFE];
	_ =	sdelay $0x1  }
0x8a: {  	s1 =	srdreg.scid  }
0x8b: {  	s0 =	sand.u32 $0x1, s1  }
0x8c: {  	s18 =	sshll.u32 s0, $0xA;
	s2 =	sadd.s32 s3, s2  }
0x8d: {  	s2 =	sadd.s32 s2, s18  }
0x8e: {  	[smem:$0x3FC1] =	sst s2  }
0x8f: {  	_ = 	snop  }
0x90: {  	s2 =	sld [smem:$0x3FC9]  }
0x91: {  	s19 =	sld [smem:$0x3FC8]  }
0x92: {  	s4 =	sld [smem:$0x3FC7]  }
0x93: {  	s5 =	sld [smem:$0x3FC6]  }
0x94: {  	s6 =	sld [smem:$0x3FC5]  }
0x95: {  	s7 =	sld [smem:$0x3FC4]  }
0x96: {  	s8 =	sld [smem:$0x3FC3]  }
0x97: {  	s9 =	sld [smem:$0x3FD0];
	(tm) =	ssettm $0x1  }
0x98: {  	s10 =	sld [smem:$0x3FFB];
	_ =	sdelay $0x3  }
0x99: {  	_ =	strace s10  }
0x9a: {  	s10 =	sld [smem:$0x3FFC];
	_ =	sdelay $0x3  }
0x9b: {  	_ =	strace s10  }
0x9c: {  	s10 =	sld [smem:$0x3FFD];
	_ =	sdelay $0x3  }
0x9d: {  	_ =	strace s10  }
0x9e: {  	_ =	strace $0x8FFFFFFF  }
0x9f: {  	s20 =	sld [smem:$0x3FDB];
	_ =	sdelay $0x1  }
0xa0: {  	s11 =	simm.s32 $_scs_section_size  }
0xa1: {  	s12 =	simm.s32 $_size__tile_overlayer_lowered;
	s13 =	simm.s32 $_tile_overlayer_lowered  }
0xa2: {  	s23 =	simm.s32 $0x1BFF;
	s22 =	sshll.u32 s13, $0x1;
	s10 =	sadd.s32 s11, s20  }
0xa3: {  	s14 =	simm.s32 $0x0;
	s21 =	sshll.u32 s12, $0x1;
	s12 =	sadd.s32 s22, s10  }
0xa4: {  	[timem:s14], [sflag:s23] =	dma.local [hbm:s12], s21  }
0xa5: {  	_ =	swait.ge [sflag:s23], s21  }
0xa6: {  	s11 =	ssub.s32 $0x0, s21;
	[sflag:s23] =	ssyncset.done $0x0  }
0xa7: {  	[sflag:s23] =	ssyncadd.s32 s11;
	_ =	sdelay $0x1  }
0xa8: {  	s24 =	simm.s32 $0x1B8B  }
0xa9: {  	_ =	swait.ge [sflag:s24], $0x1  }
0xaa: {  	[sflag:s24] =	ssyncset.done $0x0  }
0xab: {  	s25 =	simm.s32 $0x1B8E;
	[sflag:s24] =	ssyncadd.s32 $0xFFFFFFFF  }
0xac: {  	s26 =	simm.s32 $execute0_lowered;
	[smem:$0x3FD2] =	sst s25  }
0xad: {  	s11 =	sshll.u32 s26, $0x1;
	_ =	strace $0x80000046;
	[dreg:$0x1] =	wrdreg $0xFFFFFFFF  }
0xae: {  	s28 =	simm.s32 $_size_execute0_lowered;
	s10 =	sadd.s32 s10, s11;
	[dreg:$0x0] =	wrdreg $0x0  }
0xaf: {  	s11 =	sshll.u32 s28, $0x1;
	[dreg:$0x2] =	wrdreg s10  }
0xb0: {  	[dreg:$0x3] =	wrdreg s11  }
0xb1: {  	[dreg:$0x4] =	wrdreg $0xC0  }
0xb2: {  	_ =	task [dreg:s14], $0x5FFFF  }
0xb3: {  	[dreg:$0x1] =	wrdreg $0xFFFFFFFF  }
0xb4: {  	[dreg:$0x0] =	wrdreg $0x60  }
0xb5: {  	[dreg:$0x2] =	wrdreg s2  }
0xb6: {  	[dreg:$0x3] =	wrdreg s19  }
0xb7: {  	[dreg:$0x4] =	wrdreg s4  }
0xb8: {  	[dreg:$0x5] =	wrdreg s5  }
0xb9: {  	[dreg:$0x6] =	wrdreg s6  }
0xba: {  	[dreg:$0x7] =	wrdreg s7  }
0xbb: {  	[dreg:$0x8] =	wrdreg s8  }
0xbc: {  	[dreg:$0x9] =	wrdreg s9  }
0xbd: {  	[dreg:$0xa] =	wrdreg $0x9  }
0xbe: {  	_ =	task.clear_ibuf [dreg:s14], $0xBFFFF;
	_ =	strace $0x90000046  }
0xbf: {  	s29 =	simm.s32 $0x9;
	_ =	strace $0x80000048  }
0xc0: {  	_ =	swait.ge [sflag:s29], $0x1  }
0xc1: {  	[sflag:s29] =	ssyncadd.s32 $0xFFFFFFFF  }
0xc2: {  	_ =	strace $0x90000048  }
0xc3: {  	_ =	sfence  }
0xc4: {  	s30 =	sld [smem:$0x0];
	_ =	sdelay $0x2  }
0xc5: {  	s31 =	sshll.u32 s1, $0xD;
	s1 =	sshrl.u32 s1, $0x2  }
0xc6: {  	s3 =	sand.u32 $0x4000, s31;
	s1 =	sadd.s32 s1, s30  }
0xc7: {  	s0 =	sor.u32 s3, s0;
	s1 =	sshll.u32 s1, $0x11  }
0xc8: {  	s0 =	sor.u32 s1, s0  }
0xc9: {  	s0 =	sadd.s32 $0x8F2B, s0  }
0xca: {  	[sflag:s0] =	ssyncadd.remote.s32 $0x1  }
0xcb: {  	_ =	sfence.sel $0xFFFF  }
0xcc: {  	[dreg:$0x0] =	wrdreg $0xFFFFFFFF;
	(pc) =	sbr.abs _section_cstart, $3  }
0xcd: {  	[dreg:$0x1] =	wrdreg $0xFFFFFFFF  }
0xce: {  	_ =	task.clear_ibuf [dreg:s14], $0x2FFFF;
	_ =	strace $0x9FFFFFFF  }
0xcf: {  	(tm) =	ssettm $0x7FFFFFFF  }
tec
execute0_lowered:
.L_overlay_start_1:
0x0: {  	(tag) =	ssettag $0x1  }
0x1: {  	s7 =	rddreg [dreg:$0x0]  }
0x2: {  	s8 =	rddreg [dreg:$0x1]  }
0x3: {  	s9 =	rddreg [dreg:$0x2]  }
0x4: {  	s2 =	rddreg [dreg:$0x4]  }
0x5: {  	s4 =	rddreg [dreg:$0x5]  }
0x6: {  	s5 =	rddreg [dreg:$0x6]  }
0x7: {  	s10 =	rddreg [dreg:$0x7];
	s6 =	srdreg.scid  }
0x8: {  	s0 =	stileid.u32;
	s15 =	simm.s32 $0xC180;
	s16 =	simm.s32 $0x18200  }
0x9: {  	s17 =	simm.s32 $0x18300;
	s18 =	simm.s32 $0x0;
	s11 =	sand.u32 $0x1, s6  }
0xa: {  	s12 =	sshll.u32 s0, $0x1;
	s6 =	simm.s32 $0x0;
	s13 =	ssub.s32 $0x2, s11  }
0xb: {  	s11 =	sor.u32 s11, s12;
	[smem:$0x7FF] =	sst s6;
	s31 =	sshrl.u32 s13, $0x1  }
0xc: {  	s14 =	sshll.u32 s11, $0xB;
	_ =	strace $0x80000047;
	s11 =	sshll.u32 s11, $0x6  }
0xd: {  	s12 =	ssub.s32 s13, s31;
	s7 =	sadd.s32 s7, s14;
	s8 =	sadd.s32 s8, s14  }
0xe: {  	v0 =	vlaneseq.u32;
	s9 =	sadd.s32 s9, s14;
	s10 =	sadd.s32 s10, s11;
	s13 =	simm.s32 $0xC000  }
0xf: {  	v0 =	vmul.u32 $0x10, v0;
	s14 =	simm.s32 $0xC080;
	s11 =	smax.u32 s12, $0x1;
	s12 =	simm.s32 $0x1  }
.LBB2_1:
0x10: {  	s0 =	rddreg [dreg:$0x3]  }
0x11: {  	[tilespmem:s6], [sflag:$0x1] =	stream.linear.gather [hbm4b:s0+s6], $0xC000, $0x38;
	[tilespmem:$0x18500] =	vst v63  }
0x12: {  	_ =	swait.ge [sflag:s12], $0xC000  }
0x13: {  	[sflag:s12] =	ssyncset.done $0x0  }
0x14: {  	[sflag:s12] =	ssyncadd.s32 $0xFFFF4000  }
0x15: {  	[tilespmem:s13], [sflag:$0x1] =	stream.linear.gather [hbm4b:s2+s6], $0x80, $0x38;
	[tilespmem:$0x18500] =	vst v63  }
0x16: {  	_ =	swait.ge [sflag:s12], $0x80  }
0x17: {  	[sflag:s12] =	ssyncset.done $0x0  }
0x18: {  	[sflag:s12] =	ssyncadd.s32 $0xFFFFFF80  }
0x19: {  	[tilespmem:s14], [sflag:$0x1] =	stream.linear.gather [hbm4b:s4+s6], $0x100, $0x38;
	[tilespmem:$0x18500] =	vst v63  }
0x1a: {  	_ =	swait.ge [sflag:s12], $0x100  }
0x1b: {  	[sflag:s12] =	ssyncset.done $0x0  }
0x1c: {  	[sflag:s12] =	ssyncadd.s32 $0xFFFFFF00  }
0x1d: {  	[tilespmem:s15], [sflag:$0x1] =	stream.linear.gather [hbm4b:s5+s6], $0x80, $0x38;
	[tilespmem:$0x18500] =	vst v63  }
0x1e: {  	_ =	swait.ge [sflag:s12], $0x80  }
0x1f: {  	[sflag:s12] =	ssyncset.done $0x0  }
0x20: {  	s19 =	simm.s32 $0xC200;
	[sflag:s12] =	ssyncadd.s32 $0xFFFFFF80  }
0x21: {  	[tilespmem:s19], [sflag:$0x1] =	stream.linear.gather [hbm4b:s7+s6], $0x4000, $0x38;
	[tilespmem:$0x18500] =	vst v63  }
0x22: {  	_ =	swait.ge [sflag:s12], $0x4000  }
0x23: {  	[sflag:s12] =	ssyncset.done $0x0  }
0x24: {  	s20 =	simm.s32 $0x10200;
	[sflag:s12] =	ssyncadd.s32 $0xFFFFC000  }
0x25: {  	[tilespmem:s20], [sflag:$0x1] =	stream.linear.gather [hbm4b:s8+s6], $0x4000, $0x38;
	[tilespmem:$0x18500] =	vst v63  }
0x26: {  	_ =	swait.ge [sflag:s12], $0x4000  }
0x27: {  	[sflag:s12] =	ssyncset.done $0x0  }
0x28: {  	s21 =	simm.s32 $0x14200;
	[sflag:s12] =	ssyncadd.s32 $0xFFFFC000  }
0x29: {  	[tilespmem:s21], [sflag:$0x1] =	stream.linear.gather [hbm4b:s9+s6], $0x4000, $0x38;
	[tilespmem:$0x18500] =	vst v63  }
0x2a: {  	_ =	swait.ge [sflag:s12], $0x4000  }
0x2b: {  	[sflag:s12] =	ssyncset.done $0x0  }
0x2c: {  	[sflag:s12] =	ssyncadd.s32 $0xFFFFC000  }
0x2d: {  	s22 =	simm.s32 $0x0;
	s23 =	simm.s32 $0x0;
	v1 =	vld.msk [tilespmem:$0xC180 ss:$0x0], $0xffff  }
.LBB2_2:
0x2e: {  	s24 =	simm.s32 $0x0;
	s25 =	simm.s32 $0x18200  }
0x2f: {  	s26 =	smov.u32 s20;
	s28 =	smov.u32 s21;
	s29 =	smov.u32 s19  }
.LBB2_3:
0x30: {  	v7 =	vld [tilespmem:s26+$0x0];
	_ =	sdelay $0x3  }
0x31: {  	v6 =	vld [tilespmem:s28+$0x0]  }
0x32: {  	(v2sf) =	vpush v7, $0x0;
	_ =	sdelay $0x3  }
0x33: {  	(v2sf) =	vpush v6, $0x0;
	_ =	sdelay $0x3  }
0x34: {  	(v2sf) =	vpush v7, $0x1;
	_ =	sdelay $0x3  }
0x35: {  	s30 =	sadd.s32 s24, s22;
	v5 =	vld [tilespmem:s29+$0x0];
	(v2sf) =	vpush v6, $0x1  }
0x36: {  	s31 =	sand.u32 $0x60, s24;
	v14 =	vld [tilespmem:$0xC000];
	s30 =	sand.u32 $0x3F80, s30  }
0x37: {  	v15 =	vld [tilespmem:$0xC010];
	s30 =	sor.u32 s30, s31  }
0x38: {  	v4 =	vld [tilespmem:s30+$0x10210];
	s0 =	spop (v2sf)  }
0x39: {  	v3 =	vld [tilespmem:s30+$0x14210];
	(v2sf) =	vpush v7, $0x2;
	s1 =	sshll.u32 s0, $0x7  }
0x3a: {  	v2 =	vld [tilespmem:s30+$0xC210];
	s30 =	sshll.u32 s0, $0x6;
	s31 =	sshra.s32 s1, $0x1  }
0x3b: {  	v20 =	vld [tilespmem:$0xC020];
	s30 =	sand.u32 $0x40, s30;
	s31 =	sand.u32 $0xFFFFFF80, s31  }
0x3c: {  	v17 =	vld [tilespmem:$0xC030];
	s1 =	spop (v2sf);
	s30 =	sor.u32 s30, s31  }
0x3d: {  	(v2sf) =	vpush v6, $0x2;
	s3 =	sshll.u32 s1, $0x7;
	v8 =	vld [tilespmem:s30+$0x0]  }
0x3e: {  	s1 =	sshll.u32 s1, $0x6;
	s31 =	sshra.s32 s3, $0x1;
	v11 =	vld [tilespmem:s30+$0x10]  }
0x3f: {  	s1 =	sand.u32 $0x40, s1;
	v12 =	vld [tilespmem:s30+$0x20];
	s31 =	sand.u32 $0xFFFFFF80, s31  }
0x40: {  	s0 =	spop (v2sf);
	v13 =	vld [tilespmem:s30+$0x30];
	s1 =	sor.u32 s1, s31  }
0x41: {  	(v2sf) =	vpush v7, $0x3;
	s3 =	sshll.u32 s0, $0x7;
	v50 =	vld [tilespmem:s1+$0x0]  }
0x42: {  	s30 =	sshll.u32 s0, $0x6;
	s31 =	sshra.s32 s3, $0x1;
	v51 =	vld [tilespmem:s1+$0x10]  }
0x43: {  	s30 =	sand.u32 $0x40, s30;
	v49 =	vld [tilespmem:s1+$0x20];
	s31 =	sand.u32 $0xFFFFFF80, s31  }
0x44: {  	s0 =	spop (v2sf);
	v21 =	vld [tilespmem:s1+$0x30];
	s30 =	sor.u32 s30, s31  }
0x45: {  	(v2sf) =	vpush v6, $0x3;
	s3 =	sshll.u32 s0, $0x7;
	v24 =	vld [tilespmem:s30+$0x0]  }
0x46: {  	s1 =	sshll.u32 s0, $0x6;
	s31 =	sshra.s32 s3, $0x1;
	v48 =	vld [tilespmem:s30+$0x10]  }
0x47: {  	s1 =	sand.u32 $0x40, s1;
	v22 =	vld [tilespmem:s30+$0x20];
	s31 =	sand.u32 $0xFFFFFF80, s31  }
0x48: {  	v47 =	vld [tilespmem:s30+$0x30];
	s1 =	sor.u32 s1, s31;
	s0 =	spop (v2sf)  }
0x49: {  	v23 =	vld [tilespmem:s1+$0x0];
	(v2sf) =	vpush v7, $0x4;
	s3 =	sshll.u32 s0, $0x7  }
0x4a: {  	v28 =	vld [tilespmem:s1+$0x10];
	s30 =	sshll.u32 s0, $0x6;
	s31 =	sshra.s32 s3, $0x1  }
0x4b: {  	v46 =	vld [tilespmem:s1+$0x20];
	s30 =	sand.u32 $0x40, s30;
	s31 =	sand.u32 $0xFFFFFF80, s31  }
0x4c: {  	v35 =	vld [tilespmem:s1+$0x30];
	s0 =	spop (v2sf);
	s30 =	sor.u32 s30, s31  }
0x4d: {  	(v2sf) =	vpush v6, $0x4;
	s3 =	sshll.u32 s0, $0x7;
	v25 =	vld [tilespmem:s30+$0x0]  }
0x4e: {  	s1 =	sshll.u32 s0, $0x6;
	s31 =	sshra.s32 s3, $0x1;
	v26 =	vld [tilespmem:s30+$0x10]  }
0x4f: {  	s1 =	sand.u32 $0x40, s1;
	v29 =	vld [tilespmem:s30+$0x20];
	s31 =	sand.u32 $0xFFFFFF80, s31  }
0x50: {  	s0 =	spop (v2sf);
	v36 =	vld [tilespmem:s30+$0x30];
	s1 =	sor.u32 s1, s31  }
0x51: {  	(v2sf) =	vpush v7, $0x5;
	s3 =	sshll.u32 s0, $0x7;
	v38 =	vld [tilespmem:s1+$0x0]  }
0x52: {  	s30 =	sshll.u32 s0, $0x6;
	s31 =	sshra.s32 s3, $0x1;
	v37 =	vld [tilespmem:s1+$0x10]  }
0x53: {  	s30 =	sand.u32 $0x40, s30;
	v43 =	vld [tilespmem:s1+$0x20];
	s31 =	sand.u32 $0xFFFFFF80, s31  }
0x54: {  	s0 =	spop (v2sf);
	v39 =	vld [tilespmem:s1+$0x30];
	s30 =	sor.u32 s30, s31  }
0x55: {  	(v2sf) =	vpush v6, $0x5;
	s3 =	sshll.u32 s0, $0x7;
	v45 =	vld [tilespmem:s30+$0x0]  }
0x56: {  	s1 =	sshll.u32 s0, $0x6;
	s31 =	sshra.s32 s3, $0x1;
	v30 =	vld [tilespmem:s30+$0x10]  }
0x57: {  	s1 =	sand.u32 $0x40, s1;
	v40 =	vld [tilespmem:s30+$0x20];
	s31 =	sand.u32 $0xFFFFFF80, s31  }
0x58: {  	v42 =	vld [tilespmem:s30+$0x30];
	s1 =	sor.u32 s1, s31;
	s0 =	spop (v2sf)  }
0x59: {  	v41 =	vld [tilespmem:s1+$0x0];
	(v2sf) =	vpush v7, $0x6;
	s3 =	sshll.u32 s0, $0x7  }
0x5a: {  	v44 =	vld [tilespmem:s1+$0x10];
	s30 =	sshll.u32 s0, $0x6;
	s31 =	sshra.s32 s3, $0x1  }
0x5b: {  	v31 =	vld [tilespmem:s1+$0x20];
	s30 =	sand.u32 $0x40, s30;
	s31 =	sand.u32 $0xFFFFFF80, s31  }
0x5c: {  	v33 =	vld [tilespmem:s1+$0x30];
	s0 =	spop (v2sf);
	s30 =	sor.u32 s30, s31  }
0x5d: {  	(v2sf) =	vpush v6, $0x6;
	s3 =	sshll.u32 s0, $0x7;
	v32 =	vld [tilespmem:s30+$0x0]  }
0x5e: {  	s1 =	sshll.u32 s0, $0x6;
	s31 =	sshra.s32 s3, $0x1;
	v34 =	vld [tilespmem:s30+$0x10]  }
0x5f: {  	s1 =	sand.u32 $0x40, s1;
	v27 =	vld [tilespmem:s30+$0x20];
	s31 =	sand.u32 $0xFFFFFF80, s31  }
0x60: {  	s0 =	spop (v2sf);
	v16 =	vld [tilespmem:s30+$0x30];
	s1 =	sor.u32 s1, s31  }
0x61: {  	(v2sf) =	vpush v7, $0x7;
	s3 =	sshll.u32 s0, $0x7;
	v18 =	vld [tilespmem:s1+$0x0]  }
0x62: {  	v9 =	vbroadcast v5, $0x0;
	s30 =	sshll.u32 s0, $0x6;
	s31 =	sshra.s32 s3, $0x1;
	v19 =	vld [tilespmem:s1+$0x10]  }
0x63: {  	s30 =	sand.u32 $0x40, s30;
	v10 =	vld [tilespmem:s1+$0x20];
	s31 =	sand.u32 $0xFFFFFF80, s31  }
0x64: {  	v52 =	vpack.i.f32.bf16 v9, v9;
	s0 =	spop (v2sf);
	v9 =	vld [tilespmem:s1+$0x30];
	s30 =	sor.u32 s30, s31  }
0x65: {  	v53 =	vmul.bf16 v8, v52;
	(v2sf) =	vpush v6, $0x7;
	s3 =	sshll.u32 s0, $0x7;
	v8 =	vld [tilespmem:s30+$0x0]  }
0x66: {  	v54 =	vmul.bf16 v11, v52;
	s1 =	sshll.u32 s0, $0x6;
	s31 =	sshra.s32 s3, $0x1;
	v11 =	vld [tilespmem:s30+$0x10]  }
0x67: {  	v55 =	vmul.bf16 v12, v52;
	v50 =	vmul.bf16 v50, v52;
	s1 =	sand.u32 $0x40, s1;
	v12 =	vld [tilespmem:s30+$0x20];
	s31 =	sand.u32 $0xFFFFFF80, s31  }
0x68: {  	v56 =	vmul.bf16 v13, v52;
	v53 =	vadd.bf16 v53, v14;
	v51 =	vmul.bf16 v51, v52;
	v13 =	vld [tilespmem:s30+$0x30];
	s1 =	sor.u32 s1, s31;
	s0 =	spop (v2sf)  }
0x69: {  	v57 =	vbroadcast v5, $0x1;
	v50 =	vadd.bf16 v50, v14;
	(v2sf) =	vpush v7, $0x8;
	v14 =	vld [tilespmem:s1+$0x0];
	s3 =	sshll.u32 s0, $0x7  }
0x6a: {  	v54 =	vadd.bf16 v54, v15;
	v51 =	vadd.bf16 v51, v15;
	v15 =	vld [tilespmem:s1+$0x10];
	s30 =	sshll.u32 s0, $0x6;
	s31 =	sshra.s32 s3, $0x1  }
0x6b: {  	v57 =	vpack.i.f32.bf16 v57, v57;
	v49 =	vmul.bf16 v49, v52;
	v52 =	vmul.bf16 v21, v52;
	v21 =	vld [tilespmem:s1+$0x20];
	s30 =	sand.u32 $0x40, s30;
	s31 =	sand.u32 $0xFFFFFF80, s31  }
0x6c: {  	v61 =	vmul.bf16 v24, v57;
	v24 =	vld [tilespmem:s1+$0x30];
	s0 =	spop (v2sf);
	s30 =	sor.u32 s30, s31  }
0x6d: {  	v58 =	vmul.bf16 v22, v57;
	(v2sf) =	vpush v6, $0x8;
	s3 =	sshll.u32 s0, $0x7;
	v22 =	vld [tilespmem:s30+$0x0]  }
0x6e: {  	v60 =	vbroadcast v5, $0x2;
	v56 =	vadd.bf16 v56, v17;
	v52 =	vadd.bf16 v52, v17;
	s1 =	sshll.u32 s0, $0x6;
	s31 =	sshra.s32 s3, $0x1;
	v17 =	vld [tilespmem:s30+$0x10]  }
0x6f: {  	v55 =	vadd.bf16 v55, v20;
	v48 =	vmul.bf16 v48, v57;
	v63 =	vmul.bf16 v23, v57;
	s1 =	sand.u32 $0x40, s1;
	v23 =	vld [tilespmem:s30+$0x20];
	s31 =	sand.u32 $0xFFFFFF80, s31  }
0x70: {  	v62 =	vmul.bf16 v47, v57;
	v53 =	vadd.bf16 v61, v53;
	v61 =	vmul.bf16 v28, v57;
	s0 =	spop (v2sf);
	v28 =	vld [tilespmem:s30+$0x30];
	s1 =	sor.u32 s1, s31  }
0x71: {  	v46 =	vmul.bf16 v46, v57;
	v57 =	vmul.bf16 v35, v57;
	(v2sf) =	vpush v7, $0x9;
	s3 =	sshll.u32 s0, $0x7;
	v35 =	vld [tilespmem:s1+$0x0]  }
0x72: {  	v49 =	vadd.bf16 v49, v20;
	v47 =	vadd.bf16 v58, v55;
	v55 =	vpack.i.f32.bf16 v60, v60;
	s30 =	sshll.u32 s0, $0x6;
	s31 =	sshra.s32 s3, $0x1;
	v20 =	vld [tilespmem:s1+$0x10]  }
0x73: {  	v48 =	vadd.bf16 v48, v54;
	v56 =	vadd.bf16 v62, v56;
	v62 =	vmul.bf16 v25, v55;
	s30 =	sand.u32 $0x40, s30;
	v25 =	vld [tilespmem:s1+$0x20];
	s31 =	sand.u32 $0xFFFFFF80, s31  }
0x74: {  	v50 =	vadd.bf16 v63, v50;
	v51 =	vadd.bf16 v61, v51;
	v63 =	vmul.bf16 v29, v55;
	s0 =	spop (v2sf);
	v29 =	vld [tilespmem:s1+$0x30];
	s30 =	sor.u32 s30, s31  }
0x75: {  	v26 =	vmul.bf16 v26, v55;
	v61 =	vmul.bf16 v38, v55;
	(v2sf) =	vpush v6, $0x9;
	s3 =	sshll.u32 s0, $0x7;
	v38 =	vld [tilespmem:s30+$0x0]  }
0x76: {  	v46 =	vadd.bf16 v46, v49;
	v49 =	vadd.bf16 v57, v52;
	v60 =	vmul.bf16 v36, v55;
	s1 =	sshll.u32 s0, $0x6;
	s31 =	sshra.s32 s3, $0x1;
	v36 =	vld [tilespmem:s30+$0x10]  }
0x77: {  	v52 =	vadd.bf16 v62, v53;
	v48 =	vadd.bf16 v26, v48;
	v62 =	vbroadcast v5, $0x3;
	s1 =	sand.u32 $0x40, s1;
	v26 =	vld [tilespmem:s30+$0x20];
	s31 =	sand.u32 $0xFFFFFF80, s31  }
0x78: {  	v47 =	vadd.bf16 v63, v47;
	v63 =	vmul.bf16 v37, v55;
	v43 =	vmul.bf16 v43, v55;
	s0 =	spop (v2sf);
	v37 =	vld [tilespmem:s30+$0x30];
	s1 =	sor.u32 s1, s31  }
0x79: {  	v55 =	vmul.bf16 v39, v55;
	(v2sf) =	vpush v7, $0xA;
	s3 =	sshll.u32 s0, $0x7;
	v39 =	vld [tilespmem:s1+$0x0]  }
0x7a: {  	v53 =	vpack.i.f32.bf16 v62, v62;
	v46 =	vadd.bf16 v43, v46;
	s30 =	sshll.u32 s0, $0x6;
	s31 =	sshra.s32 s3, $0x1;
	v43 =	vld [tilespmem:s1+$0x10]  }
0x7b: {  	v57 =	vbroadcast v5, $0x4;
	v54 =	vadd.bf16 v60, v56;
	v60 =	vmul.bf16 v30, v53;
	s30 =	sand.u32 $0x40, s30;
	v30 =	vld [tilespmem:s1+$0x20];
	s31 =	sand.u32 $0xFFFFFF80, s31  }
0x7c: {  	v50 =	vadd.bf16 v61, v50;
	v45 =	vmul.bf16 v45, v53;
	v61 =	vmul.bf16 v40, v53;
	s0 =	spop (v2sf);
	v40 =	vld [tilespmem:s1+$0x30];
	s30 =	sor.u32 s30, s31  }
0x7d: {  	v42 =	vmul.bf16 v42, v53;
	v62 =	vmul.bf16 v41, v53;
	(v2sf) =	vpush v6, $0xA;
	s3 =	sshll.u32 s0, $0x7;
	v41 =	vld [tilespmem:s30+$0x0]  }
0x7e: {  	v51 =	vadd.bf16 v63, v51;
	v63 =	vmul.bf16 v44, v53;
	s1 =	sshll.u32 s0, $0x6;
	s31 =	sshra.s32 s3, $0x1;
	v44 =	vld [tilespmem:s30+$0x10]  }
0x7f: {  	v59 =	vpack.i.f32.bf16 v57, v57;
	v45 =	vadd.bf16 v45, v52;
	v52 =	vadd.bf16 v42, v54;
	s1 =	sand.u32 $0x40, s1;
	v42 =	vld [tilespmem:s30+$0x20];
	s31 =	sand.u32 $0xFFFFFF80, s31  }
0x80: {  	v49 =	vadd.bf16 v55, v49;
	v58 =	vmul.bf16 v31, v53;
	v33 =	vmul.bf16 v33, v53;
	v31 =	vld [tilespmem:s30+$0x30];
	s1 =	sor.u32 s1, s31;
	s0 =	spop (v2sf)  }
0x81: {  	v54 =	vmul.bf16 v32, v59;
	(v2sf) =	vpush v7, $0xB;
	v32 =	vld [tilespmem:s1+$0x0];
	s3 =	sshll.u32 s0, $0x7  }
0x82: {  	v49 =	vadd.bf16 v33, v49;
	v33 =	vld [tilespmem:s1+$0x10];
	s30 =	sshll.u32 s0, $0x6;
	s31 =	sshra.s32 s3, $0x1  }
0x83: {  	v48 =	vadd.bf16 v60, v48;
	v47 =	vadd.bf16 v61, v47;
	v60 =	vmul.bf16 v27, v59;
	v27 =	vld [tilespmem:s1+$0x20];
	s30 =	sand.u32 $0x40, s30;
	s31 =	sand.u32 $0xFFFFFF80, s31  }
0x84: {  	v50 =	vadd.bf16 v62, v50;
	v51 =	vadd.bf16 v63, v51;
	v61 =	vmul.bf16 v16, v59;
	v16 =	vld [tilespmem:s1+$0x30];
	s0 =	spop (v2sf);
	s30 =	sor.u32 s30, s31  }
0x85: {  	v63 =	vbroadcast v5, $0x5;
	v62 =	vmul.bf16 v18, v59;
	(v2sf) =	vpush v6, $0xB;
	s3 =	sshll.u32 s0, $0x7;
	v18 =	vld [tilespmem:s30+$0x0]  }
0x86: {  	v46 =	vadd.bf16 v58, v46;
	v34 =	vmul.bf16 v34, v59;
	v56 =	vmul.bf16 v10, v59;
	v10 =	vld [tilespmem:s30+$0x10];
	s1 =	sshll.u32 s0, $0x6;
	s31 =	sshra.s32 s3, $0x1  }
0x87: {  	v58 =	vpack.i.f32.bf16 v63, v63;
	v45 =	vadd.bf16 v54, v45;
	v57 =	vmul.bf16 v9, v59;
	v9 =	vld [tilespmem:s30+$0x20];
	s1 =	sand.u32 $0x40, s1;
	s31 =	sand.u32 $0xFFFFFF80, s31  }
0x88: {  	v34 =	vadd.bf16 v34, v48;
	v19 =	vmul.bf16 v19, v59;
	v59 =	vmul.bf16 v8, v58;
	v8 =	vld [tilespmem:s30+$0x30];
	s0 =	spop (v2sf);
	s1 =	sor.u32 s1, s31  }
0x89: {  	v47 =	vadd.bf16 v60, v47;
	v60 =	vmul.bf16 v11, v58;
	(v2sf) =	vpush v7, $0xC;
	s3 =	sshll.u32 s0, $0x7;
	v11 =	vld [tilespmem:s1+$0x0]  }
0x8a: {  	v48 =	vadd.bf16 v61, v52;
	v50 =	vadd.bf16 v62, v50;
	v61 =	vmul.bf16 v12, v58;
	s30 =	sshll.u32 s0, $0x6;
	s31 =	sshra.s32 s3, $0x1;
	v12 =	vld [tilespmem:s1+$0x10]  }
0x8b: {  	v51 =	vadd.bf16 v19, v51;
	v46 =	vadd.bf16 v56, v46;
	s30 =	sand.u32 $0x40, s30;
	v19 =	vld [tilespmem:s1+$0x20];
	s31 =	sand.u32 $0xFFFFFF80, s31  }
0x8c: {  	v49 =	vadd.bf16 v57, v49;
	v13 =	vmul.bf16 v13, v58;
	v52 =	vadd.bf16 v60, v34;
	s0 =	spop (v2sf);
	v34 =	vld [tilespmem:s1+$0x30];
	s30 =	sor.u32 s30, s31  }
0x8d: {  	v62 =	vbroadcast v5, $0x6;
	v56 =	vmul.bf16 v21, v58;
	(v2sf) =	vpush v6, $0xC;
	s3 =	sshll.u32 s0, $0x7;
	v21 =	vld [tilespmem:s30+$0x0]  }
0x8e: {  	v45 =	vadd.bf16 v59, v45;
	v48 =	vadd.bf16 v13, v48;
	s1 =	sshll.u32 s0, $0x6;
	s31 =	sshra.s32 s3, $0x1;
	v13 =	vld [tilespmem:s30+$0x10]  }
0x8f: {  	v14 =	vmul.bf16 v14, v58;
	v63 =	vmul.bf16 v15, v58;
	v57 =	vpack.i.f32.bf16 v62, v62;
	s1 =	sand.u32 $0x40, s1;
	v15 =	vld [tilespmem:s30+$0x20];
	s31 =	sand.u32 $0xFFFFFF80, s31  }
0x90: {  	v47 =	vadd.bf16 v61, v47;
	v24 =	vmul.bf16 v24, v58;
	v58 =	vmul.bf16 v22, v57;
	s0 =	spop (v2sf);
	v22 =	vld [tilespmem:s30+$0x30];
	s1 =	sor.u32 s1, s31  }
0x91: {  	v50 =	vadd.bf16 v14, v50;
	v61 =	vmul.bf16 v28, v57;
	(v2sf) =	vpush v7, $0xD;
	s3 =	sshll.u32 s0, $0x7;
	v28 =	vld [tilespmem:s1+$0x0]  }
0x92: {  	v51 =	vadd.bf16 v63, v51;
	v46 =	vadd.bf16 v56, v46;
	s30 =	sshll.u32 s0, $0x6;
	s31 =	sshra.s32 s3, $0x1;
	v14 =	vld [tilespmem:s1+$0x10]  }
0x93: {  	v24 =	vadd.bf16 v24, v49;
	v63 =	vbroadcast v5, $0x7;
	v59 =	vmul.bf16 v17, v57;
	s30 =	sand.u32 $0x40, s30;
	v17 =	vld [tilespmem:s1+$0x20];
	s31 =	sand.u32 $0xFFFFFF80, s31  }
0x94: {  	v60 =	vmul.bf16 v23, v57;
	v45 =	vadd.bf16 v58, v45;
	v25 =	vmul.bf16 v25, v57;
	v23 =	vld [tilespmem:s1+$0x30];
	s30 =	sor.u32 s30, s31;
	s0 =	spop (v2sf)  }
0x95: {  	v20 =	vmul.bf16 v20, v57;
	v54 =	vmul.bf16 v29, v57;
	v29 =	vld [tilespmem:s30+$0x0];
	(v2sf) =	vpush v6, $0xD;
	s3 =	sshll.u32 s0, $0x7  }
0x96: {  	v35 =	vmul.bf16 v35, v57;
	v62 =	vadd.bf16 v59, v52;
	v46 =	vadd.bf16 v25, v46;
	v25 =	vld [tilespmem:s30+$0x10];
	s1 =	sshll.u32 s0, $0x6;
	s31 =	sshra.s32 s3, $0x1  }
0x97: {  	v47 =	vadd.bf16 v60, v47;
	v52 =	vpack.i.f32.bf16 v63, v63;
	v51 =	vadd.bf16 v20, v51;
	v20 =	vld [tilespmem:s30+$0x20];
	s1 =	sand.u32 $0x40, s1;
	s31 =	sand.u32 $0xFFFFFF80, s31  }
0x98: {  	v48 =	vadd.bf16 v61, v48;
	v38 =	vmul.bf16 v38, v52;
	v55 =	vmul.bf16 v26, v52;
	v26 =	vld [tilespmem:s30+$0x30];
	s1 =	sor.u32 s1, s31;
	s0 =	spop (v2sf)  }
0x99: {  	v50 =	vadd.bf16 v35, v50;
	(v2sf) =	vpush v7, $0xE;
	v35 =	vld [tilespmem:s1+$0x0];
	s3 =	sshll.u32 s0, $0x7  }
0x9a: {  	v61 =	vbroadcast v5, $0x8;
	v36 =	vmul.bf16 v36, v52;
	v45 =	vadd.bf16 v38, v45;
	v38 =	vld [tilespmem:s1+$0x10];
	s30 =	sshll.u32 s0, $0x6;
	s31 =	sshra.s32 s3, $0x1  }
0x9b: {  	v53 =	vadd.bf16 v54, v24;
	v56 =	vmul.bf16 v37, v52;
	v57 =	vmul.bf16 v39, v52;
	v24 =	vld [tilespmem:s1+$0x20];
	s30 =	sand.u32 $0x40, s30;
	s31 =	sand.u32 $0xFFFFFF80, s31  }
0x9c: {  	v49 =	vadd.bf16 v36, v62;
	v58 =	vmul.bf16 v43, v52;
	v54 =	vmul.bf16 v30, v52;
	v30 =	vld [tilespmem:s1+$0x30];
	s0 =	spop (v2sf);
	s30 =	sor.u32 s30, s31  }
0x9d: {  	v60 =	vadd.bf16 v56, v48;
	v56 =	vpack.i.f32.bf16 v61, v61;
	(v2sf) =	vpush v6, $0xE;
	s3 =	sshll.u32 s0, $0x7;
	v36 =	vld [tilespmem:s30+$0x0]  }
0x9e: {  	v59 =	vadd.bf16 v55, v47;
	v55 =	vmul.bf16 v40, v52;
	v41 =	vmul.bf16 v41, v56;
	s1 =	sshll.u32 s0, $0x6;
	s31 =	sshra.s32 s3, $0x1;
	v39 =	vld [tilespmem:s30+$0x10]  }
0x9f: {  	v52 =	vbroadcast v5, $0xA;
	v62 =	vadd.bf16 v57, v50;
	v42 =	vmul.bf16 v42, v56;
	s1 =	sand.u32 $0x40, s1;
	v37 =	vld [tilespmem:s30+$0x20];
	s31 =	sand.u32 $0xFFFFFF80, s31  }
0xa0: {  	v63 =	vadd.bf16 v58, v51;
	v58 =	vmul.bf16 v31, v56;
	v41 =	vadd.bf16 v41, v45;
	s0 =	spop (v2sf);
	v31 =	vld [tilespmem:s30+$0x30];
	s1 =	sor.u32 s1, s31  }
0xa1: {  	v42 =	vadd.bf16 v42, v59;
	v59 =	vbroadcast v5, $0x9;
	(v2sf) =	vpush v7, $0xF;
	s3 =	sshll.u32 s0, $0x7;
	v7 =	vld [tilespmem:s1+$0x0]  }
0xa2: {  	v32 =	vmul.bf16 v32, v56;
	v43 =	vadd.bf16 v58, v60;
	v60 =	vmul.bf16 v27, v56;
	s30 =	sshll.u32 s0, $0x6;
	s31 =	sshra.s32 s3, $0x1;
	v27 =	vld [tilespmem:s1+$0x10]  }
0xa3: {  	v33 =	vmul.bf16 v33, v56;
	v40 =	vmul.bf16 v16, v56;
	v45 =	vpack.i.f32.bf16 v59, v59;
	s30 =	sand.u32 $0x40, s30;
	v16 =	vld [tilespmem:s1+$0x20];
	s31 =	sand.u32 $0xFFFFFF80, s31  }
0xa4: {  	v46 =	vadd.bf16 v54, v46;
	v61 =	vmul.bf16 v10, v45;
	v9 =	vmul.bf16 v9, v45;
	v10 =	vld [tilespmem:s1+$0x30];
	s30 =	sor.u32 s30, s31;
	s0 =	spop (v2sf)  }
0xa5: {  	v32 =	vadd.bf16 v32, v62;
	v62 =	vmul.bf16 v8, v45;
	v8 =	vld [tilespmem:s30+$0x10];
	(v2sf) =	vpush v6, $0xF;
	s3 =	sshll.u32 s0, $0x7  }
0xa6: {  	v44 =	vmul.bf16 v44, v56;
	v57 =	vadd.bf16 v55, v53;
	v42 =	vadd.bf16 v9, v42;
	v9 =	vld [tilespmem:s30+$0x20];
	s1 =	sshll.u32 s0, $0x6;
	s31 =	sshra.s32 s3, $0x1  }
0xa7: {  	v54 =	vpack.i.f32.bf16 v52, v52;
	v33 =	vadd.bf16 v33, v63;
	v63 =	vmul.bf16 v11, v45;
	v11 =	vld [tilespmem:s30+$0x30];
	s1 =	sand.u32 $0x40, s1;
	s31 =	sand.u32 $0xFFFFFF80, s31  }
0xa8: {  	v44 =	vadd.bf16 v44, v49;
	v46 =	vadd.bf16 v60, v46;
	v18 =	vmul.bf16 v18, v45;
	v6 =	vld [tilespmem:s30+$0x0];
	s1 =	sor.u32 s1, s31;
	s0 =	spop (v2sf)  }
0xa9: {  	v53 =	vmul.bf16 v12, v45;
	v19 =	vmul.bf16 v19, v45;
	(v2sf) =	vpush v4, $0x0;
	v12 =	vld [tilespmem:s1+$0x0];
	s3 =	sshll.u32 s0, $0x7  }
0xaa: {  	v40 =	vadd.bf16 v40, v57;
	v57 =	vbroadcast v5, $0xB;
	v41 =	vadd.bf16 v18, v41;
	v18 =	vld [tilespmem:s1+$0x10];
	s30 =	sshll.u32 s0, $0x6;
	s31 =	sshra.s32 s3, $0x1  }
0xab: {  	v44 =	vadd.bf16 v61, v44;
	v21 =	vmul.bf16 v21, v54;
	v46 =	vadd.bf16 v19, v46;
	v19 =	vld [tilespmem:s1+$0x20];
	s30 =	sand.u32 $0x40, s30;
	s31 =	sand.u32 $0xFFFFFF80, s31  }
0xac: {  	v43 =	vadd.bf16 v62, v43;
	v47 =	vadd.bf16 v63, v32;
	v13 =	vmul.bf16 v13, v54;
	v32 =	vld [tilespmem:s1+$0x30];
	s0 =	spop (v2sf);
	s30 =	sor.u32 s30, s31  }
0xad: {  	v15 =	vmul.bf16 v15, v54;
	v55 =	vadd.bf16 v21, v41;
	(v2sf) =	vpush v3, $0x0;
	s3 =	sshll.u32 s0, $0x7;
	v21 =	vld [tilespmem:s30+$0x0]  }
0xae: {  	v34 =	vmul.bf16 v34, v45;
	v22 =	vmul.bf16 v22, v54;
	v56 =	vadd.bf16 v13, v44;
	s1 =	sshll.u32 s0, $0x6;
	s31 =	sshra.s32 s3, $0x1;
	v13 =	vld [tilespmem:s30+$0x10]  }
0xaf: {  	v33 =	vadd.bf16 v53, v33;
	v28 =	vmul.bf16 v28, v54;
	v42 =	vadd.bf16 v15, v42;
	s1 =	sand.u32 $0x40, s1;
	v15 =	vld [tilespmem:s30+$0x20];
	s31 =	sand.u32 $0xFFFFFF80, s31  }
0xb0: {  	v34 =	vadd.bf16 v34, v40;
	v43 =	vadd.bf16 v22, v43;
	v14 =	vmul.bf16 v14, v54;
	s0 =	spop (v2sf);
	v22 =	vld [tilespmem:s30+$0x30];
	s1 =	sor.u32 s1, s31  }
0xb1: {  	v17 =	vmul.bf16 v17, v54;
	v47 =	vadd.bf16 v28, v47;
	(v2sf) =	vpush v4, $0x1;
	s3 =	sshll.u32 s0, $0x7;
	v28 =	vld [tilespmem:s1+$0x0]  }
0xb2: {  	v44 =	vpack.i.f32.bf16 v57, v57;
	v23 =	vmul.bf16 v23, v54;
	v33 =	vadd.bf16 v14, v33;
	s30 =	sshll.u32 s0, $0x6;
	s31 =	sshra.s32 s3, $0x1;
	v14 =	vld [tilespmem:s1+$0x10]  }
0xb3: {  	v29 =	vmul.bf16 v29, v44;
	v58 =	vadd.bf16 v17, v46;
	s30 =	sand.u32 $0x40, s30;
	v17 =	vld [tilespmem:s1+$0x20];
	s31 =	sand.u32 $0xFFFFFF80, s31  }
0xb4: {  	v25 =	vmul.bf16 v25, v44;
	v34 =	vadd.bf16 v23, v34;
	v23 =	vld [tilespmem:s1+$0x30];
	s30 =	sor.u32 s30, s31;
	s0 =	spop (v2sf)  }
0xb5: {  	v20 =	vmul.bf16 v20, v44;
	v40 =	vadd.bf16 v29, v55;
	(v2sf) =	vpush v3, $0x1;
	v29 =	vld [tilespmem:s30+$0x0];
	s3 =	sshll.u32 s0, $0x7  }
0xb6: {  	v41 =	vadd.bf16 v25, v56;
	v25 =	vld [tilespmem:s30+$0x10];
	s1 =	sshll.u32 s0, $0x6;
	s31 =	sshra.s32 s3, $0x1  }
0xb7: {  	v62 =	vadd.bf16 v20, v42;
	v20 =	vld [tilespmem:s30+$0x20];
	s1 =	sand.u32 $0x40, s1;
	s31 =	sand.u32 $0xFFFFFF80, s31  }
0xb8: {  	v48 =	vbroadcast v5, $0xC;
	v59 =	vmul.bf16 v26, v44;
	v51 =	vld [tilespmem:s30+$0x30];
	s1 =	sor.u32 s1, s31;
	s0 =	spop (v2sf)  }
0xb9: {  	v24 =	vmul.bf16 v24, v44;
	v50 =	vmul.bf16 v30, v44;
	(v2sf) =	vpush v4, $0x2;
	v30 =	vld [tilespmem:s1+$0x0];
	s3 =	sshll.u32 s0, $0x7  }
0xba: {  	v54 =	vld [tilespmem:s1+$0x10];
	s30 =	sshll.u32 s0, $0x6;
	s31 =	sshra.s32 s3, $0x1  }
0xbb: {  	v63 =	vadd.bf16 v59, v43;
	v43 =	vpack.i.f32.bf16 v48, v48;
	v52 =	vadd.bf16 v24, v58;
	v24 =	vld [tilespmem:s1+$0x20];
	s30 =	sand.u32 $0x40, s30;
	s31 =	sand.u32 $0xFFFFFF80, s31  }
0xbc: {  	v57 =	vbroadcast v5, $0xD;
	v55 =	vmul.bf16 v7, v43;
	v7 =	vld [tilespmem:s1+$0x30];
	s0 =	spop (v2sf);
	s30 =	sor.u32 s30, s31  }
0xbd: {  	v39 =	vmul.bf16 v39, v43;
	v56 =	vmul.bf16 v27, v43;
	(v2sf) =	vpush v3, $0x2;
	s3 =	sshll.u32 s0, $0x7;
	v27 =	vld [tilespmem:s30+$0x0]  }
0xbe: {  	v59 =	vpack.i.f32.bf16 v57, v57;
	v60 =	vmul.bf16 v35, v44;
	s1 =	sshll.u32 s0, $0x6;
	s31 =	sshra.s32 s3, $0x1;
	v58 =	vld [tilespmem:s30+$0x10]  }
0xbf: {  	v61 =	vmul.bf16 v38, v44;
	v53 =	vmul.bf16 v37, v43;
	v39 =	vadd.bf16 v39, v41;
	s1 =	sand.u32 $0x40, s1;
	v41 =	vld [tilespmem:s30+$0x20];
	s31 =	sand.u32 $0xFFFFFF80, s31  }
0xc0: {  	v49 =	vadd.bf16 v60, v47;
	v31 =	vmul.bf16 v31, v43;
	v60 =	vmul.bf16 v6, v59;
	s0 =	spop (v2sf);
	v6 =	vld [tilespmem:s30+$0x30];
	s1 =	sor.u32 s1, s31  }
0xc1: {  	v33 =	vadd.bf16 v61, v33;
	v36 =	vmul.bf16 v36, v43;
	(v2sf) =	vpush v4, $0x3;
	s3 =	sshll.u32 s0, $0x7;
	v61 =	vld [tilespmem:s1+$0x0]  }
0xc2: {  	v35 =	vadd.bf16 v53, v62;
	v31 =	vadd.bf16 v31, v63;
	v11 =	vmul.bf16 v11, v59;
	s30 =	sshll.u32 s0, $0x6;
	s31 =	sshra.s32 s3, $0x1;
	v62 =	vld [tilespmem:s1+$0x10]  }
0xc3: {  	v36 =	vadd.bf16 v36, v40;
	v16 =	vmul.bf16 v16, v43;
	v10 =	vmul.bf16 v10, v43;
	s30 =	sand.u32 $0x40, s30;
	v43 =	vld [tilespmem:s1+$0x20];
	s31 =	sand.u32 $0xFFFFFF80, s31  }
0xc4: {  	v33 =	vadd.bf16 v56, v33;
	v11 =	vadd.bf16 v11, v31;
	v18 =	vmul.bf16 v18, v59;
	s0 =	spop (v2sf);
	v31 =	vld [tilespmem:s1+$0x30];
	s30 =	sor.u32 s30, s31  }
0xc5: {  	v63 =	vbroadcast v5, $0xE;
	v9 =	vmul.bf16 v9, v59;
	(v2sf) =	vpush v3, $0x3;
	s3 =	sshll.u32 s0, $0x7;
	v40 =	vld [tilespmem:s30+$0x0]  }
0xc6: {  	v34 =	vadd.bf16 v50, v34;
	v8 =	vmul.bf16 v8, v59;
	v18 =	vadd.bf16 v18, v33;
	s1 =	sshll.u32 s0, $0x6;
	s31 =	sshra.s32 s3, $0x1;
	v33 =	vld [tilespmem:s30+$0x10]  }
0xc7: {  	v5 =	vbroadcast v5, $0xF;
	v9 =	vadd.bf16 v9, v35;
	v35 =	vpack.i.f32.bf16 v63, v63;
	s1 =	sand.u32 $0x40, s1;
	v44 =	vld [tilespmem:s30+$0x20];
	s31 =	sand.u32 $0xFFFFFF80, s31  }
0xc8: {  	v38 =	vadd.bf16 v55, v49;
	v8 =	vadd.bf16 v8, v39;
	v13 =	vmul.bf16 v13, v35;
	v45 =	vld [tilespmem:s30+$0x30];
	s1 =	sor.u32 s1, s31;
	s0 =	spop (v2sf)  }
0xc9: {  	v16 =	vadd.bf16 v16, v52;
	v15 =	vmul.bf16 v15, v35;
	v46 =	vld [tilespmem:s1+$0x0];
	(v2sf) =	vpush v4, $0x4;
	s3 =	sshll.u32 s0, $0x7  }
0xca: {  	v10 =	vadd.bf16 v10, v34;
	v32 =	vmul.bf16 v32, v59;
	v8 =	vadd.bf16 v13, v8;
	v13 =	vld [tilespmem:s1+$0x10];
	s30 =	sshll.u32 s0, $0x6;
	s31 =	sshra.s32 s3, $0x1  }
0xcb: {  	v5 =	vpack.i.f32.bf16 v5, v5;
	v56 =	vbroadcast v2, $0x0;
	v9 =	vadd.bf16 v15, v9;
	v15 =	vld [tilespmem:s1+$0x20];
	s30 =	sand.u32 $0x40, s30;
	s31 =	sand.u32 $0xFFFFFF80, s31  }
0xcc: {  	v12 =	vmul.bf16 v12, v59;
	v10 =	vadd.bf16 v32, v10;
	v14 =	vmul.bf16 v14, v35;
	v47 =	vld [tilespmem:s1+$0x30];
	s0 =	spop (v2sf);
	s30 =	sor.u32 s30, s31  }
0xcd: {  	v23 =	vmul.bf16 v23, v35;
	v48 =	vmul.bf16 v29, v5;
	(v2sf) =	vpush v3, $0x4;
	s3 =	sshll.u32 s0, $0x7;
	v29 =	vld [tilespmem:s30+$0x0]  }
0xce: {  	v36 =	vadd.bf16 v60, v36;
	v19 =	vmul.bf16 v19, v59;
	v14 =	vadd.bf16 v14, v18;
	s1 =	sshll.u32 s0, $0x6;
	s31 =	sshra.s32 s3, $0x1;
	v18 =	vld [tilespmem:s30+$0x10]  }
0xcf: {  	v57 =	vpack.i.f32.bf16 v56, v56;
	v12 =	vadd.bf16 v12, v38;
	v10 =	vadd.bf16 v23, v10;
	s1 =	sand.u32 $0x40, s1;
	v23 =	vld [tilespmem:s30+$0x20];
	s31 =	sand.u32 $0xFFFFFF80, s31  }
0xd0: {  	v16 =	vadd.bf16 v19, v16;
	v21 =	vmul.bf16 v21, v35;
	v22 =	vmul.bf16 v22, v35;
	s0 =	spop (v2sf);
	v52 =	vld [tilespmem:s30+$0x30];
	s1 =	sor.u32 s1, s31  }
0xd1: {  	v28 =	vmul.bf16 v28, v35;
	v17 =	vmul.bf16 v17, v35;
	(v2sf) =	vpush v4, $0x5;
	s3 =	sshll.u32 s0, $0x7;
	v55 =	vld [tilespmem:s1+$0x0]  }
0xd2: {  	v21 =	vadd.bf16 v21, v36;
	v11 =	vadd.bf16 v22, v11;
	v50 =	vmul.bf16 v20, v5;
	s30 =	sshll.u32 s0, $0x6;
	s31 =	sshra.s32 s3, $0x1;
	v20 =	vld [tilespmem:s1+$0x10]  }
0xd3: {  	v12 =	vadd.bf16 v28, v12;
	v16 =	vadd.bf16 v17, v16;
	v49 =	vmul.bf16 v25, v5;
	s30 =	sand.u32 $0x40, s30;
	v26 =	vld [tilespmem:s1+$0x20];
	s31 =	sand.u32 $0xFFFFFF80, s31  }
0xd4: {  	v51 =	vmul.bf16 v51, v5;
	v21 =	vadd.bf16 v48, v21;
	v24 =	vmul.bf16 v24, v5;
	s0 =	spop (v2sf);
	v17 =	vld [tilespmem:s1+$0x30];
	s30 =	sor.u32 s30, s31  }
0xd5: {  	v8 =	vadd.bf16 v49, v8;
	v27 =	vmul.bf16 v27, v57;
	(v2sf) =	vpush v3, $0x5;
	s3 =	sshll.u32 s0, $0x7;
	v59 =	vld [tilespmem:s30+$0x0]  }
0xd6: {  	v53 =	vmul.bf16 v30, v5;
	v54 =	vmul.bf16 v54, v5;
	v16 =	vadd.bf16 v24, v16;
	s1 =	sshll.u32 s0, $0x6;
	s31 =	sshra.s32 s3, $0x1;
	v24 =	vld [tilespmem:s30+$0x10]  }
0xd7: {  	v11 =	vadd.bf16 v51, v11;
	v5 =	vmul.bf16 v7, v5;
	v21 =	vadd.bf16 v27, v21;
	s1 =	sand.u32 $0x40, s1;
	v27 =	vld [tilespmem:s30+$0x20];
	s31 =	sand.u32 $0xFFFFFF80, s31  }
0xd8: {  	v12 =	vadd.bf16 v53, v12;
	v14 =	vadd.bf16 v54, v14;
	v61 =	vmul.bf16 v61, v57;
	v28 =	vld [tilespmem:s30+$0x30];
	s1 =	sor.u32 s1, s31;
	s0 =	spop (v2sf)  }
0xd9: {  	v63 =	vbroadcast v2, $0x1;
	v5 =	vadd.bf16 v5, v10;
	(v2sf) =	vpush v4, $0x6;
	v38 =	vld [tilespmem:s1+$0x0];
	s3 =	sshll.u32 s0, $0x7  }
0xda: {  	v58 =	vmul.bf16 v58, v57;
	v6 =	vmul.bf16 v6, v57;
	v10 =	vadd.bf16 v61, v12;
	v12 =	vld [tilespmem:s1+$0x10];
	s30 =	sshll.u32 s0, $0x6;
	s31 =	sshra.s32 s3, $0x1  }
0xdb: {  	v60 =	vmul.bf16 v41, v57;
	v41 =	vpack.i.f32.bf16 v63, v63;
	v62 =	vmul.bf16 v62, v57;
	v34 =	vld [tilespmem:s1+$0x20];
	s30 =	sand.u32 $0x40, s30;
	s31 =	sand.u32 $0xFFFFFF80, s31  }
0xdc: {  	v8 =	vadd.bf16 v58, v8;
	v6 =	vadd.bf16 v6, v11;
	v39 =	vmul.bf16 v43, v57;
	v37 =	vld [tilespmem:s1+$0x30];
	s0 =	spop (v2sf);
	s30 =	sor.u32 s30, s31  }
0xdd: {  	v7 =	vmul.bf16 v31, v57;
	v14 =	vadd.bf16 v62, v14;
	(v2sf) =	vpush v3, $0x6;
	s3 =	sshll.u32 s0, $0x7;
	v19 =	vld [tilespmem:s30+$0x0]  }
0xde: {  	v11 =	vadd.bf16 v39, v16;
	v42 =	vmul.bf16 v40, v41;
	v33 =	vmul.bf16 v33, v41;
	s1 =	sshll.u32 s0, $0x6;
	s31 =	sshra.s32 s3, $0x1;
	v32 =	vld [tilespmem:s30+$0x10]  }
0xdf: {  	v5 =	vadd.bf16 v7, v5;
	v43 =	vmul.bf16 v44, v41;
	v44 =	vmul.bf16 v45, v41;
	s1 =	sand.u32 $0x40, s1;
	v36 =	vld [tilespmem:s30+$0x20];
	s31 =	sand.u32 $0xFFFFFF80, s31  }
0xe0: {  	v16 =	vadd.bf16 v42, v21;
	v8 =	vadd.bf16 v33, v8;
	v13 =	vmul.bf16 v13, v41;
	s0 =	spop (v2sf);
	v21 =	vld [tilespmem:s30+$0x30];
	s1 =	sor.u32 s1, s31  }
0xe1: {  	v45 =	vmul.bf16 v46, v41;
	v15 =	vmul.bf16 v15, v41;
	(v2sf) =	vpush v4, $0x7;
	s3 =	sshll.u32 s0, $0x7;
	v33 =	vld [tilespmem:s1+$0x0]  }
0xe2: {  	v46 =	vbroadcast v2, $0x2;
	v22 =	vmul.bf16 v47, v41;
	v48 =	vadd.bf16 v13, v14;
	s30 =	sshll.u32 s0, $0x6;
	s31 =	sshra.s32 s3, $0x1;
	v14 =	vld [tilespmem:s1+$0x10]  }
0xe3: {  	v11 =	vadd.bf16 v15, v11;
	s30 =	sand.u32 $0x40, s30;
	v15 =	vld [tilespmem:s1+$0x20];
	s31 =	sand.u32 $0xFFFFFF80, s31  }
0xe4: {  	v9 =	vadd.bf16 v50, v9;
	v47 =	vpack.i.f32.bf16 v46, v46;
	v5 =	vadd.bf16 v22, v5;
	s0 =	spop (v2sf);
	v22 =	vld [tilespmem:s1+$0x30];
	s30 =	sor.u32 s30, s31  }
0xe5: {  	v49 =	vmul.bf16 v29, v47;
	(v2sf) =	vpush v3, $0x7;
	s3 =	sshll.u32 s0, $0x7;
	v29 =	vld [tilespmem:s30+$0x0]  }
0xe6: {  	v9 =	vadd.bf16 v60, v9;
	v53 =	vmul.bf16 v55, v47;
	s1 =	sshll.u32 s0, $0x6;
	s31 =	sshra.s32 s3, $0x1;
	v55 =	vld [tilespmem:s30+$0x10]  }
0xe7: {  	s1 =	sand.u32 $0x40, s1;
	v56 =	vld [tilespmem:s30+$0x20];
	s31 =	sand.u32 $0xFFFFFF80, s31  }
0xe8: {  	v54 =	vbroadcast v2, $0x3;
	v7 =	vadd.bf16 v43, v9;
	s0 =	spop (v2sf);
	v58 =	vld [tilespmem:s30+$0x30];
	s1 =	sor.u32 s1, s31  }
0xe9: {  	v6 =	vadd.bf16 v44, v6;
	v17 =	vmul.bf16 v17, v47;
	(v2sf) =	vpush v4, $0x8;
	s3 =	sshll.u32 s0, $0x7;
	v60 =	vld [tilespmem:s1+$0x0]  }
0xea: {  	v9 =	vadd.bf16 v45, v10;
	v50 =	vmul.bf16 v18, v47;
	v51 =	vmul.bf16 v23, v47;
	s30 =	sshll.u32 s0, $0x6;
	s31 =	sshra.s32 s3, $0x1;
	v62 =	vld [tilespmem:s1+$0x10]  }
0xeb: {  	v13 =	vadd.bf16 v49, v16;
	v16 =	vpack.i.f32.bf16 v54, v54;
	v5 =	vadd.bf16 v17, v5;
	s30 =	sand.u32 $0x40, s30;
	v17 =	vld [tilespmem:s1+$0x20];
	s31 =	sand.u32 $0xFFFFFF80, s31  }
0xec: {  	v52 =	vmul.bf16 v52, v47;
	v8 =	vadd.bf16 v50, v8;
	v63 =	vmul.bf16 v27, v16;
	v27 =	vld [tilespmem:s1+$0x30];
	s30 =	sor.u32 s30, s31;
	s0 =	spop (v2sf)  }
0xed: {  	v41 =	vbroadcast v2, $0x4;
	v7 =	vadd.bf16 v51, v7;
	(v2sf) =	vpush v3, $0x8;
	v40 =	vld [tilespmem:s30+$0x0];
	s3 =	sshll.u32 s0, $0x7  }
0xee: {  	v6 =	vadd.bf16 v52, v6;
	v20 =	vmul.bf16 v20, v47;
	v57 =	vmul.bf16 v26, v47;
	v42 =	vld [tilespmem:s30+$0x10];
	s1 =	sshll.u32 s0, $0x6;
	s31 =	sshra.s32 s3, $0x1  }
0xef: {  	v50 =	vbroadcast v2, $0x5;
	v9 =	vadd.bf16 v53, v9;
	v59 =	vmul.bf16 v59, v16;
	v43 =	vld [tilespmem:s30+$0x20];
	s1 =	sand.u32 $0x40, s1;
	s31 =	sand.u32 $0xFFFFFF80, s31  }
0xf0: {  	v10 =	vadd.bf16 v20, v48;
	v61 =	vmul.bf16 v24, v16;
	v20 =	vpack.i.f32.bf16 v41, v41;
	v45 =	vld [tilespmem:s30+$0x30];
	s0 =	spop (v2sf);
	s1 =	sor.u32 s1, s31  }
0xf1: {  	v13 =	vadd.bf16 v59, v13;
	v19 =	vmul.bf16 v19, v20;
	(v2sf) =	vpush v4, $0x9;
	s3 =	sshll.u32 s0, $0x7;
	v46 =	vld [tilespmem:s1+$0x0]  }
0xf2: {  	v35 =	vmul.bf16 v28, v16;
	v8 =	vadd.bf16 v61, v8;
	v32 =	vmul.bf16 v32, v20;
	s30 =	sshll.u32 s0, $0x6;
	s31 =	sshra.s32 s3, $0x1;
	v28 =	vld [tilespmem:s1+$0x10]  }
0xf3: {  	v39 =	vmul.bf16 v38, v16;
	v12 =	vmul.bf16 v12, v16;
	v13 =	vadd.bf16 v19, v13;
	s30 =	sand.u32 $0x40, s30;
	v19 =	vld [tilespmem:s1+$0x20];
	s31 =	sand.u32 $0xFFFFFF80, s31  }
0xf4: {  	v44 =	vmul.bf16 v34, v16;
	v16 =	vmul.bf16 v37, v16;
	v8 =	vadd.bf16 v32, v8;
	s0 =	spop (v2sf);
	v32 =	vld [tilespmem:s1+$0x30];
	s30 =	sor.u32 s30, s31  }
0xf5: {  	v11 =	vadd.bf16 v57, v11;
	(v2sf) =	vpush v3, $0x9;
	s3 =	sshll.u32 s0, $0x7;
	v51 =	vld [tilespmem:s30+$0x0]  }
0xf6: {  	v53 =	vpack.i.f32.bf16 v50, v50;
	v7 =	vadd.bf16 v63, v7;
	v5 =	vadd.bf16 v16, v5;
	s1 =	sshll.u32 s0, $0x6;
	s31 =	sshra.s32 s3, $0x1;
	v16 =	vld [tilespmem:s30+$0x10]  }
0xf7: {  	v6 =	vadd.bf16 v35, v6;
	v9 =	vadd.bf16 v39, v9;
	v48 =	vmul.bf16 v21, v20;
	s1 =	sand.u32 $0x40, s1;
	v21 =	vld [tilespmem:s30+$0x20];
	s31 =	sand.u32 $0xFFFFFF80, s31  }
0xf8: {  	v10 =	vadd.bf16 v12, v10;
	v47 =	vmul.bf16 v36, v20;
	v18 =	vmul.bf16 v55, v53;
	s0 =	spop (v2sf);
	v55 =	vld [tilespmem:s30+$0x30];
	s1 =	sor.u32 s1, s31  }
0xf9: {  	v11 =	vadd.bf16 v44, v11;
	(v2sf) =	vpush v4, $0xA;
	s3 =	sshll.u32 s0, $0x7;
	v23 =	vld [tilespmem:s1+$0x0]  }
0xfa: {  	v7 =	vadd.bf16 v47, v7;
	v49 =	vmul.bf16 v33, v20;
	v57 =	vmul.bf16 v58, v53;
	s30 =	sshll.u32 s0, $0x6;
	s31 =	sshra.s32 s3, $0x1;
	v58 =	vld [tilespmem:s1+$0x10]  }
0xfb: {  	v14 =	vmul.bf16 v14, v20;
	v6 =	vadd.bf16 v48, v6;
	v15 =	vmul.bf16 v15, v20;
	s30 =	sand.u32 $0x40, s30;
	v61 =	vld [tilespmem:s1+$0x20];
	s31 =	sand.u32 $0xFFFFFF80, s31  }
0xfc: {  	v9 =	vadd.bf16 v49, v9;
	v59 =	vmul.bf16 v60, v53;
	v60 =	vbroadcast v2, $0x6;
	s0 =	spop (v2sf);
	v63 =	vld [tilespmem:s1+$0x30];
	s30 =	sor.u32 s30, s31  }
0xfd: {  	v52 =	vmul.bf16 v22, v20;
	v10 =	vadd.bf16 v14, v10;
	(v2sf) =	vpush v3, $0xA;
	s3 =	sshll.u32 s0, $0x7;
	v37 =	vld [tilespmem:s30+$0x0]  }
0xfe: {  	v11 =	vadd.bf16 v15, v11;
	v54 =	vmul.bf16 v29, v53;
	v26 =	vpack.i.f32.bf16 v60, v60;
	s1 =	sshll.u32 s0, $0x6;
	s31 =	sshra.s32 s3, $0x1;
	v39 =	vld [tilespmem:s30+$0x10]  }
0xff: {  	v5 =	vadd.bf16 v52, v5;
	v56 =	vmul.bf16 v56, v53;
	v38 =	vmul.bf16 v40, v26;
	s1 =	sand.u32 $0x40, s1;
	v40 =	vld [tilespmem:s30+$0x20];
	s31 =	sand.u32 $0xFFFFFF80, s31  }
0x100: {  	v13 =	vadd.bf16 v54, v13;
	v8 =	vadd.bf16 v18, v8;
	v41 =	vmul.bf16 v42, v26;
	v42 =	vld [tilespmem:s30+$0x30];
	s1 =	sor.u32 s1, s31;
	s0 =	spop (v2sf)  }
0x101: {  	v12 =	vmul.bf16 v43, v26;
	v43 =	vmul.bf16 v45, v26;
	(v2sf) =	vpush v4, $0xB;
	v45 =	vld [tilespmem:s1+$0x0];
	s3 =	sshll.u32 s0, $0x7  }
0x102: {  	v7 =	vadd.bf16 v56, v7;
	v44 =	vmul.bf16 v46, v26;
	v46 =	vbroadcast v2, $0x7;
	v47 =	vld [tilespmem:s1+$0x10];
	s30 =	sshll.u32 s0, $0x6;
	s31 =	sshra.s32 s3, $0x1  }
0x103: {  	v6 =	vadd.bf16 v57, v6;
	v62 =	vmul.bf16 v62, v53;
	v17 =	vmul.bf16 v17, v53;
	v48 =	vld [tilespmem:s1+$0x20];
	s30 =	sand.u32 $0x40, s30;
	s31 =	sand.u32 $0xFFFFFF80, s31  }
0x104: {  	v20 =	vmul.bf16 v27, v53;
	v7 =	vadd.bf16 v12, v7;
	v12 =	vpack.i.f32.bf16 v46, v46;
	v49 =	vld [tilespmem:s1+$0x30];
	s0 =	spop (v2sf);
	s30 =	sor.u32 s30, s31  }
0x105: {  	v9 =	vadd.bf16 v59, v9;
	v50 =	vmul.bf16 v51, v12;
	(v2sf) =	vpush v3, $0xB;
	s3 =	sshll.u32 s0, $0x7;
	v51 =	vld [tilespmem:s30+$0x0]  }
0x106: {  	v10 =	vadd.bf16 v62, v10;
	v11 =	vadd.bf16 v17, v11;
	s1 =	sshll.u32 s0, $0x6;
	s31 =	sshra.s32 s3, $0x1;
	v52 =	vld [tilespmem:s30+$0x10]  }
0x107: {  	v5 =	vadd.bf16 v20, v5;
	v13 =	vadd.bf16 v38, v13;
	s1 =	sand.u32 $0x40, s1;
	v53 =	vld [tilespmem:s30+$0x20];
	s31 =	sand.u32 $0xFFFFFF80, s31  }
0x108: {  	v8 =	vadd.bf16 v41, v8;
	v6 =	vadd.bf16 v43, v6;
	v28 =	vmul.bf16 v28, v26;
	v56 =	vld [tilespmem:s30+$0x30];
	s0 =	spop (v2sf);
	s1 =	sor.u32 s1, s31  }
0x109: {  	v19 =	vmul.bf16 v19, v26;
	v26 =	vmul.bf16 v32, v26;
	(v2sf) =	vpush v4, $0xC;
	s3 =	sshll.u32 s0, $0x7;
	v57 =	vld [tilespmem:s1+$0x0]  }
0x10a: {  	v9 =	vadd.bf16 v44, v9;
	v16 =	vmul.bf16 v16, v12;
	v54 =	vmul.bf16 v21, v12;
	s30 =	sshll.u32 s0, $0x6;
	v59 =	vld [tilespmem:s1+$0x10];
	s31 =	sshra.s32 s3, $0x1  }
0x10b: {  	v10 =	vadd.bf16 v28, v10;
	v55 =	vmul.bf16 v55, v12;
	v23 =	vmul.bf16 v23, v12;
	v60 =	vld [tilespmem:s1+$0x20];
	s30 =	sand.u32 $0x40, s30;
	s31 =	sand.u32 $0xFFFFFF80, s31  }
0x10c: {  	v11 =	vadd.bf16 v19, v11;
	v18 =	vmul.bf16 v58, v12;
	v58 =	vbroadcast v2, $0x8;
	s0 =	spop (v2sf);
	v62 =	vld [tilespmem:s1+$0x30];
	s30 =	sor.u32 s30, s31  }
0x10d: {  	v61 =	vmul.bf16 v61, v12;
	v12 =	vmul.bf16 v63, v12;
	(v2sf) =	vpush v3, $0xC;
	s3 =	sshll.u32 s0, $0x7;
	v63 =	vld [tilespmem:s30+$0x0]  }
0x10e: {  	v5 =	vadd.bf16 v26, v5;
	v13 =	vadd.bf16 v50, v13;
	s1 =	sshll.u32 s0, $0x6;
	s31 =	sshra.s32 s3, $0x1;
	v34 =	vld [tilespmem:s30+$0x10]  }
0x10f: {  	v8 =	vadd.bf16 v16, v8;
	v7 =	vadd.bf16 v54, v7;
	v16 =	vpack.i.f32.bf16 v58, v58;
	s1 =	sand.u32 $0x40, s1;
	v35 =	vld [tilespmem:s30+$0x20];
	s31 =	sand.u32 $0xFFFFFF80, s31  }
0x110: {  	v6 =	vadd.bf16 v55, v6;
	v9 =	vadd.bf16 v23, v9;
	v27 =	vmul.bf16 v37, v16;
	s0 =	spop (v2sf);
	v38 =	vld [tilespmem:s30+$0x30];
	s1 =	sor.u32 s1, s31  }
0x111: {  	v15 =	vmul.bf16 v39, v16;
	v32 =	vmul.bf16 v40, v16;
	(v2sf) =	vpush v4, $0xD;
	s3 =	sshll.u32 s0, $0x7;
	v40 =	vld [tilespmem:s1+$0x0]  }
0x112: {  	v10 =	vadd.bf16 v18, v10;
	v36 =	vmul.bf16 v42, v16;
	v39 =	vbroadcast v2, $0x9;
	s30 =	sshll.u32 s0, $0x6;
	s31 =	sshra.s32 s3, $0x1;
	v42 =	vld [tilespmem:s1+$0x10]  }
0x113: {  	v11 =	vadd.bf16 v61, v11;
	v37 =	vmul.bf16 v45, v16;
	v14 =	vmul.bf16 v47, v16;
	s30 =	sand.u32 $0x40, s30;
	v45 =	vld [tilespmem:s1+$0x20];
	s31 =	sand.u32 $0xFFFFFF80, s31  }
0x114: {  	v5 =	vadd.bf16 v12, v5;
	v41 =	vmul.bf16 v48, v16;
	v43 =	vmul.bf16 v49, v16;
	v47 =	vld [tilespmem:s1+$0x30];
	s30 =	sor.u32 s30, s31;
	s0 =	spop (v2sf)  }
0x115: {  	v13 =	vadd.bf16 v27, v13;
	v44 =	vpack.i.f32.bf16 v39, v39;
	v49 =	vld [tilespmem:s30+$0x0];
	(v2sf) =	vpush v3, $0xD;
	s3 =	sshll.u32 s0, $0x7  }
0x116: {  	v8 =	vadd.bf16 v15, v8;
	v7 =	vadd.bf16 v32, v7;
	v46 =	vmul.bf16 v51, v44;
	v51 =	vld [tilespmem:s30+$0x10];
	s1 =	sshll.u32 s0, $0x6;
	s31 =	sshra.s32 s3, $0x1  }
0x117: {  	v6 =	vadd.bf16 v36, v6;
	v27 =	vbroadcast v2, $0xD;
	v9 =	vadd.bf16 v37, v9;
	v54 =	vld [tilespmem:s30+$0x20];
	s1 =	sand.u32 $0x40, s1;
	s31 =	sand.u32 $0xFFFFFF80, s31  }
0x118: {  	v10 =	vadd.bf16 v14, v10;
	v11 =	vadd.bf16 v41, v11;
	v50 =	vmul.bf16 v56, v44;
	v56 =	vld [tilespmem:s30+$0x30];
	s0 =	spop (v2sf);
	s1 =	sor.u32 s1, s31  }
0x119: {  	v19 =	vmul.bf16 v52, v44;
	v52 =	vmul.bf16 v57, v44;
	(v2sf) =	vpush v4, $0xE;
	s3 =	sshll.u32 s0, $0x7;
	v57 =	vld [tilespmem:s1+$0x0]  }
0x11a: {  	v5 =	vadd.bf16 v43, v5;
	v48 =	vmul.bf16 v53, v44;
	v55 =	vmul.bf16 v59, v44;
	s30 =	sshll.u32 s0, $0x6;
	s31 =	sshra.s32 s3, $0x1;
	v59 =	vld [tilespmem:s1+$0x10]  }
0x11b: {  	v53 =	vbroadcast v2, $0xA;
	v12 =	vadd.bf16 v46, v13;
	v18 =	vmul.bf16 v60, v44;
	s30 =	sand.u32 $0x40, s30;
	v60 =	vld [tilespmem:s1+$0x20];
	s31 =	sand.u32 $0xFFFFFF80, s31  }
0x11c: {  	v8 =	vadd.bf16 v19, v8;
	v7 =	vadd.bf16 v48, v7;
	v16 =	vmul.bf16 v62, v44;
	s0 =	spop (v2sf);
	v62 =	vld [tilespmem:s1+$0x30];
	s30 =	sor.u32 s30, s31  }
0x11d: {  	v6 =	vadd.bf16 v50, v6;
	v22 =	vpack.i.f32.bf16 v53, v53;
	v9 =	vadd.bf16 v52, v9;
	s3 =	sshll.u32 s0, $0x7;
	v32 =	vld [tilespmem:s30+$0x0]  }
0x11e: {  	v10 =	vadd.bf16 v55, v10;
	v58 =	vmul.bf16 v63, v22;
	(v2sf) =	vpush v3, $0xE;
	s1 =	sshll.u32 s0, $0x6;
	s31 =	sshra.s32 s3, $0x1;
	v36 =	vld [tilespmem:s30+$0x10]  }
0x11f: {  	v11 =	vadd.bf16 v18, v11;
	v61 =	vmul.bf16 v34, v22;
	v63 =	vmul.bf16 v38, v22;
	s1 =	sand.u32 $0x40, s1;
	v38 =	vld [tilespmem:s30+$0x20];
	s31 =	sand.u32 $0xFFFFFF80, s31  }
0x120: {  	v15 =	vmul.bf16 v35, v22;
	v34 =	vmul.bf16 v40, v22;
	(v2sf) =	vpush v4, $0xF;
	s3 =	spop (v2sf);
	v40 =	vld [tilespmem:s30+$0x30];
	s1 =	sor.u32 s1, s31  }
0x121: {  	v5 =	vadd.bf16 v16, v5;
	v35 =	vbroadcast v2, $0xB;
	v12 =	vadd.bf16 v58, v12;
	s31 =	sshll.u32 s3, $0x7;
	v43 =	vld [tilespmem:s1+$0x0]  }
0x122: {  	v33 =	vadd.bf16 v61, v8;
	v7 =	vadd.bf16 v15, v7;
	v37 =	vmul.bf16 v42, v22;
	s3 =	sshll.u32 s3, $0x6;
	v46 =	vld [tilespmem:s1+$0x10];
	s30 =	sshra.s32 s31, $0x1  }
0x123: {  	v6 =	vadd.bf16 v63, v6;
	v39 =	vmul.bf16 v45, v22;
	v13 =	vpack.i.f32.bf16 v35, v35;
	v48 =	vld [tilespmem:s1+$0x20];
	s3 =	sand.u32 $0x40, s3;
	s30 =	sand.u32 $0xFFFFFF80, s30  }
0x124: {  	v41 =	vmul.bf16 v47, v22;
	v8 =	vadd.bf16 v34, v9;
	v10 =	vadd.bf16 v37, v10;
	v50 =	vld [tilespmem:s1+$0x30];
	s1 =	sor.u32 s3, s30;
	s0 =	spop (v2sf)  }
0x125: {  	v42 =	vmul.bf16 v49, v13;
	v9 =	vadd.bf16 v39, v11;
	v44 =	vmul.bf16 v51, v13;
	v52 =	vld [tilespmem:s1+$0x0];
	s30 =	sshll.u32 s0, $0x7  }
0x126: {  	v45 =	vmul.bf16 v54, v13;
	v5 =	vadd.bf16 v41, v5;
	v47 =	vmul.bf16 v56, v13;
	v53 =	vld [tilespmem:s1+$0x10];
	s31 =	sshll.u32 s0, $0x6;
	s3 =	sshra.s32 s30, $0x1  }
0x127: {  	v49 =	vbroadcast v2, $0xC;
	v12 =	vadd.bf16 v42, v12;
	v4 =	vadd.bf16 v44, v33;
	v55 =	vld [tilespmem:s1+$0x20];
	s30 =	sand.u32 $0x40, s31;
	s3 =	sand.u32 $0xFFFFFF80, s3  }
0x128: {  	v7 =	vadd.bf16 v45, v7;
	v51 =	vmul.bf16 v57, v13;
	v14 =	vmul.bf16 v59, v13;
	v57 =	vld [tilespmem:s1+$0x30];
	s0 =	spop (v2sf);
	s1 =	sor.u32 s30, s3  }
0x129: {  	v6 =	vadd.bf16 v47, v6;
	v11 =	vpack.i.f32.bf16 v49, v49;
	v16 =	vmul.bf16 v60, v13;
	s30 =	sshll.u32 s0, $0x7;
	v60 =	vld [tilespmem:s1+$0x0]  }
0x12a: {  	v13 =	vmul.bf16 v62, v13;
	v8 =	vadd.bf16 v51, v8;
	v10 =	vadd.bf16 v14, v10;
	s0 =	sshll.u32 s0, $0x6;
	v63 =	vld [tilespmem:s1+$0x10];
	s3 =	sshra.s32 s30, $0x1  }
0x12b: {  	v54 =	vmul.bf16 v32, v11;
	v9 =	vadd.bf16 v16, v9;
	v56 =	vmul.bf16 v36, v11;
	v28 =	vld [tilespmem:s1+$0x20];
	s30 =	sand.u32 $0x40, s0;
	s3 =	sand.u32 $0xFFFFFF80, s3  }
0x12c: {  	v5 =	vadd.bf16 v13, v5;
	v58 =	vmul.bf16 v38, v11;
	v59 =	vmul.bf16 v40, v11;
	v30 =	vld [tilespmem:s1+$0x30];
	s1 =	sor.u32 s30, s3  }
0x12d: {  	v14 =	vpack.i.f32.bf16 v27, v27;
	v40 =	vbroadcast v2, $0xE;
	v2 =	vbroadcast v2, $0xF;
	s31 =	spop (v2sf);
	v31 =	vld [tilespmem:s1+$0x0]  }
0x12e: {  	v12 =	vadd.bf16 v54, v12;
	v4 =	vadd.bf16 v56, v4;
	v61 =	vmul.bf16 v43, v11;
	s30 =	sshll.u32 s31, $0x7;
	v34 =	vld [tilespmem:s1+$0x10]  }
0x12f: {  	v62 =	vmul.bf16 v46, v11;
	v7 =	vadd.bf16 v58, v7;
	v6 =	vadd.bf16 v59, v6;
	s3 =	spop (v2sf);
	s31 =	sshll.u32 s31, $0x6;
	s30 =	sshra.s32 s30, $0x1;
	v37 =	vld [tilespmem:s1+$0x20]  }
0x130: {  	v29 =	vmul.bf16 v48, v11;
	v11 =	vmul.bf16 v50, v11;
	(v2sf) =	vpush v3, $0xF;
	s0 =	sshll.u32 s3, $0x7;
	v38 =	vld [tilespmem:s1+$0x30];
	s31 =	sand.u32 $0x40, s31;
	s1 =	sand.u32 $0xFFFFFF80, s30  }
0x131: {  	v2 =	vpack.i.f32.bf16 v2, v2;
	v8 =	vadd.bf16 v61, v8;
	v33 =	vmul.bf16 v53, v14;
	s3 =	sshll.u32 s3, $0x6;
	s0 =	sshra.s32 s0, $0x1;
	s1 =	sor.u32 s31, s1  }
0x132: {  	v10 =	vadd.bf16 v62, v10;
	v35 =	vmul.bf16 v55, v14;
	v36 =	vmul.bf16 v57, v14;
	s3 =	sand.u32 $0x40, s3;
	s0 =	sand.u32 $0xFFFFFF80, s0;
	v44 =	vld [tilespmem:s1+$0x0]  }
0x133: {  	v5 =	vadd.bf16 v11, v5;
	v11 =	vpack.i.f32.bf16 v40, v40;
	v4 =	vadd.bf16 v33, v4;
	s0 =	sor.u32 s3, s0;
	v45 =	vld [tilespmem:s1+$0x10]  }
0x134: {  	v32 =	vmul.bf16 v52, v14;
	v7 =	vadd.bf16 v35, v7;
	v6 =	vadd.bf16 v36, v6;
	v41 =	vld [tilespmem:s0+$0x0]  }
0x135: {  	v3 =	vadd.bf16 v29, v9;
	v39 =	vmul.bf16 v60, v14;
	v42 =	vmul.bf16 v63, v14;
	v47 =	vld [tilespmem:s1+$0x20]  }
0x136: {  	v9 =	vadd.bf16 v32, v12;
	v43 =	vmul.bf16 v28, v14;
	v14 =	vmul.bf16 v30, v14;
	v51 =	vld [tilespmem:s1+$0x30]  }
0x137: {  	v8 =	vadd.bf16 v39, v8;
	v10 =	vadd.bf16 v42, v10;
	v49 =	vld [tilespmem:s0+$0x10];
	v46 =	vmul.bf16 v31, v11  }
0x138: {  	v3 =	vadd.bf16 v43, v3;
	v56 =	vld [tilespmem:s0+$0x20];
	v48 =	vmul.bf16 v34, v11;
	v50 =	vmul.bf16 v37, v11  }
0x139: {  	v5 =	vadd.bf16 v14, v5;
	v9 =	vadd.bf16 v46, v9;
	v13 =	vmul.bf16 v41, v2  }
0x13a: {  	v52 =	vmul.bf16 v38, v11;
	v4 =	vadd.bf16 v48, v4;
	v7 =	vadd.bf16 v50, v7  }
0x13b: {  	v54 =	vld [tilespmem:$0xC080];
	v18 =	vmul.bf16 v44, v11;
	v53 =	vmul.bf16 v45, v11;
	v9 =	vadd.bf16 v13, v9  }
0x13c: {  	v6 =	vadd.bf16 v52, v6;
	v55 =	vmul.bf16 v47, v11;
	v11 =	vmul.bf16 v51, v11  }
0x13d: {  	v59 =	vld [tilespmem:$0xC090];
	v57 =	vmul.bf16 v49, v2;
	v20 =	vmul.bf16 v56, v2;
	v58 =	vshll.u32 v9, $0x10  }
0x13e: {  	v8 =	vadd.bf16 v18, v8;
	v10 =	vadd.bf16 v53, v10;
	v60 =	vmax.f32 v58, $0.0e+00  }
0x13f: {  	v62 =	vld [tilespmem:$0xC0A0];
	v4 =	vadd.bf16 v57, v4;
	v9 =	vand.u32 $0xFFFF0000, v9;
	s1 =	spop (v2sf);
	v61 =	vmin.f32 v60, $1.000000000e+00  }
0x140: {  	v63 =	vld [tilespmem:s0+$0x30];
	v3 =	vadd.bf16 v55, v3;
	v9 =	vmax.f32 v9, $0.0e+00;
	s30 =	sshll.u32 s1, $0x7;
	v12 =	vmul.f32 v54, v61  }
0x141: {  	v22 =	vld [tilespmem:$0xC0B0];
	v5 =	vadd.bf16 v11, v5;
	v21 =	vshll.u32 v4, $0x10;
	s1 =	sshll.u32 s1, $0x6;
	v9 =	vmin.f32 v9, $1.000000000e+00;
	s31 =	sshra.s32 s30, $0x1  }
0x142: {  	v15 =	vmax.f32 v21, $0.0e+00;
	s1 =	sand.u32 $0x40, s1;
	v9 =	vmul.f32 v59, v9;
	s0 =	sand.u32 $0xFFFFFF80, s31;
	v12 =	vadd.f32 $0.0e+00, v12  }
0x143: {  	v24 =	vld [tilespmem:$0xC0C0];
	v7 =	vadd.bf16 v20, v7;
	v4 =	vand.u32 $0xFFFF0000, v4;
	v23 =	vmin.f32 v15, $1.000000000e+00;
	s0 =	sor.u32 s1, s0  }
0x144: {  	v4 =	vmax.f32 v4, $0.0e+00;
	v26 =	vmul.f32 v62, v23;
	v25 =	vld [tilespmem:s0+$0x0];
	v9 =	vadd.f32 v9, v12  }
0x145: {  	v28 =	vld [tilespmem:$0xC0D0];
	v11 =	vmul.bf16 v63, v2;
	v27 =	vshll.u32 v7, $0x10;
	v4 =	vmin.f32 v4, $1.000000000e+00  }
0x146: {  	v29 =	vmax.f32 v27, $0.0e+00;
	v4 =	vmul.f32 v22, v4;
	v9 =	vadd.f32 v26, v9  }
0x147: {  	v31 =	vld [tilespmem:$0xC0E0];
	v6 =	vadd.bf16 v11, v6;
	v7 =	vand.u32 $0xFFFF0000, v7;
	v30 =	vmin.f32 v29, $1.000000000e+00  }
0x148: {  	v7 =	vmax.f32 v7, $0.0e+00;
	v33 =	vmul.f32 v24, v30;
	v32 =	vld [tilespmem:s0+$0x10];
	v4 =	vadd.f32 v4, v9  }
0x149: {  	v36 =	vld [tilespmem:$0xC0F0];
	v35 =	vshll.u32 v6, $0x10;
	v7 =	vmin.f32 v7, $1.000000000e+00;
	v34 =	vmul.bf16 v25, v2  }
0x14a: {  	v37 =	vmax.f32 v35, $0.0e+00;
	v7 =	vmul.f32 v28, v7;
	v4 =	vadd.f32 v33, v4  }
0x14b: {  	v38 =	vld [tilespmem:$0xC100];
	v6 =	vand.u32 $0xFFFF0000, v6;
	v9 =	vmin.f32 v37, $1.000000000e+00;
	v8 =	vadd.bf16 v34, v8  }
0x14c: {  	v6 =	vmax.f32 v6, $0.0e+00;
	v39 =	vld [tilespmem:s0+$0x20];
	v40 =	vmul.f32 v31, v9;
	v4 =	vadd.f32 v7, v4  }
0x14d: {  	v43 =	vld [tilespmem:$0xC110];
	v6 =	vmin.f32 v6, $1.000000000e+00;
	v41 =	vmul.bf16 v32, v2;
	v42 =	vshll.u32 v8, $0x10  }
0x14e: {  	v6 =	vmul.f32 v36, v6;
	v44 =	vmax.f32 v42, $0.0e+00;
	v4 =	vadd.f32 v40, v4  }
0x14f: {  	v45 =	vld [tilespmem:$0xC120];
	v9 =	vadd.bf16 v41, v10;
	v8 =	vand.u32 $0xFFFF0000, v8;
	v7 =	vmin.f32 v44, $1.000000000e+00  }
0x150: {  	v46 =	vld [tilespmem:s0+$0x30];
	v47 =	vmax.f32 v8, $0.0e+00;
	v7 =	vmul.f32 v38, v7;
	v4 =	vadd.f32 v6, v4  }
0x151: {  	v50 =	vld [tilespmem:$0xC130];
	v48 =	vmul.bf16 v39, v2;
	v49 =	vshll.u32 v9, $0x10;
	v6 =	vmin.f32 v47, $1.000000000e+00  }
0x152: {  	v51 =	vmax.f32 v49, $0.0e+00;
	v6 =	vmul.f32 v43, v6;
	v4 =	vadd.f32 v7, v4  }
0x153: {  	v53 =	vld [tilespmem:$0xC140];
	v3 =	vadd.bf16 v48, v3;
	v52 =	vand.u32 $0xFFFF0000, v9;
	v7 =	vmin.f32 v51, $1.000000000e+00  }
0x154: {  	v54 =	vmax.f32 v52, $0.0e+00;
	v7 =	vmul.f32 v45, v7;
	v4 =	vadd.f32 v6, v4  }
0x155: {  	v56 =	vld [tilespmem:$0xC150];
	v2 =	vmul.bf16 v46, v2;
	v55 =	vshll.u32 v3, $0x10;
	v6 =	vmin.f32 v54, $1.000000000e+00  }
0x156: {  	v57 =	vmax.f32 v55, $0.0e+00;
	v6 =	vmul.f32 v50, v6;
	v4 =	vadd.f32 v7, v4  }
0x157: {  	v59 =	vld [tilespmem:$0xC160];
	v2 =	vadd.bf16 v2, v5;
	v3 =	vand.u32 $0xFFFF0000, v3;
	v58 =	vmin.f32 v57, $1.000000000e+00  }
0x158: {  	v3 =	vmax.f32 v3, $0.0e+00;
	v5 =	vmul.f32 v53, v58;
	v4 =	vadd.f32 v6, v4  }
0x159: {  	v61 =	vld [tilespmem:$0xC170];
	v60 =	vshll.u32 v2, $0x10;
	v3 =	vmin.f32 v3, $1.000000000e+00  }
0x15a: {  	v62 =	vmax.f32 v60, $0.0e+00;
	v3 =	vmul.f32 v56, v3;
	v4 =	vadd.f32 v5, v4  }
0x15b: {  	v2 =	vand.u32 $0xFFFF0000, v2;
	v5 =	vmin.f32 v62, $1.000000000e+00  }
0x15c: {  	v2 =	vmax.f32 v2, $0.0e+00;
	v63 =	vmul.f32 v59, v5;
	v3 =	vadd.f32 v3, v4  }
0x15d: {  	p0 =	sne.s32 s24, $0x1E0;
	v2 =	vmin.f32 v2, $1.000000000e+00  }
.Ltmp0:
0x15e: {  	v2 =	vmul.f32 v61, v2;
	v3 =	vadd.f32 v63, v3;
	(pc) =	sbr.rel @p0 .LBB2_3-.Ltmp0, $4  }
0x15f: {  	_ = 	snop  }
0x160: {  	v2 =	vadd.f32 v2, v3  }
0x161: {  	s29 =	sadd.s32 $0x20, s29;
	s28 =	sadd.s32 $0x20, s28  }
0x162: {  	s26 =	sadd.s32 $0x20, s26;
	s24 =	sadd.s32 $0x20, s24;
	[tilespmem:s25+$0x0] =	vst v2;
	s25 =	sadd.s32 $0x10, s25  }
0x163: {  	_ = 	snop  }
0x164: {  	v2 =	vor.u32 $0x1, v0;
	_ =	sdelay $0x1  }
0x165: {  	v3 =	vor.u32 $0x2, v0  }
0x166: {  	v4 =	vld.idx.msk [tilespmem:v0+s16+$0x0], $0xffff  }
0x167: {  	v5 =	vor.u32 $0x3, v0  }
0x168: {  	v2 =	vld.idx.msk [tilespmem:v2+s16+$0x0], $0xffff  }
0x169: {  	v6 =	vor.u32 $0x4, v0  }
0x16a: {  	v3 =	vld.idx.msk [tilespmem:v3+s16+$0x0], $0xffff  }
0x16b: {  	v7 =	vor.u32 $0x5, v0;
	v4 =	vadd.f32 v4, v1  }
0x16c: {  	v5 =	vld.idx.msk [tilespmem:v5+s16+$0x0], $0xffff  }
0x16d: {  	v55 =	vor.u32 $0x6, v0;
	v2 =	vadd.f32 v2, v4  }
0x16e: {  	v6 =	vld.idx.msk [tilespmem:v6+s16+$0x0], $0xffff  }
0x16f: {  	v2 =	vadd.f32 v3, v2;
	v3 =	vor.u32 $0x7, v0  }
0x170: {  	v7 =	vld.idx.msk [tilespmem:v7+s16+$0x0], $0xffff  }
0x171: {  	v56 =	vor.u32 $0x8, v0;
	v2 =	vadd.f32 v5, v2  }
0x172: {  	v4 =	vld.idx.msk [tilespmem:v55+s16+$0x0], $0xffff  }
0x173: {  	v57 =	vor.u32 $0x9, v0;
	v2 =	vadd.f32 v6, v2  }
0x174: {  	v3 =	vld.idx.msk [tilespmem:v3+s16+$0x0], $0xffff  }
0x175: {  	v58 =	vor.u32 $0xA, v0;
	v2 =	vadd.f32 v7, v2  }
0x176: {  	v5 =	vld.idx.msk [tilespmem:v56+s16+$0x0], $0xffff  }
0x177: {  	v59 =	vor.u32 $0xB, v0;
	v2 =	vadd.f32 v4, v2  }
0x178: {  	v6 =	vld.idx.msk [tilespmem:v57+s16+$0x0], $0xffff  }
0x179: {  	v2 =	vadd.f32 v3, v2;
	v3 =	vor.u32 $0xC, v0  }
0x17a: {  	v7 =	vld.idx.msk [tilespmem:v58+s16+$0x0], $0xffff  }
0x17b: {  	v60 =	vor.u32 $0xD, v0;
	v2 =	vadd.f32 v5, v2  }
0x17c: {  	v4 =	vld.idx.msk [tilespmem:v59+s16+$0x0], $0xffff  }
0x17d: {  	v61 =	vor.u32 $0xE, v0;
	v2 =	vadd.f32 v6, v2  }
0x17e: {  	v3 =	vld.idx.msk [tilespmem:v3+s16+$0x0], $0xffff  }
0x17f: {  	v62 =	vor.u32 $0xF, v0;
	v2 =	vadd.f32 v7, v2  }
0x180: {  	v5 =	vld.idx.msk [tilespmem:v60+s16+$0x0], $0xffff  }
0x181: {  	v2 =	vadd.f32 v4, v2  }
0x182: {  	v63 =	vld.idx.msk [tilespmem:v61+s16+$0x0], $0xffff  }
0x183: {  	v2 =	vadd.f32 v3, v2  }
0x184: {  	v3 =	vld.idx.msk [tilespmem:v62+s16+$0x0], $0xffff  }
0x185: {  	v2 =	vadd.f32 v5, v2;
	_ =	sdelay $0x1  }
0x186: {  	v2 =	vadd.f32 v63, v2;
	_ =	sdelay $0x1  }
0x187: {  	v2 =	vadd.f32 v3, v2;
	_ =	sdelay $0x1  }
0x188: {  	v2 =	vsub.f32 $0.0e+00, v2;
	_ =	sdelay $0x1  }
0x189: {  	v2 =	vmul.f32 $1.442695020e+00, v2;
	_ =	sdelay $0x1  }
0x18a: {  	(erf) = vpow2.f32 v2;
	_ =	sdelay $0x8  }
0x18b: {  	v2 =	vpop (erf)  }
0x18c: {  	v2 =	vadd.f32 $1.000000000e+00, v2;
	_ =	sdelay $0x1  }
0x18d: {  	(erf) = vrcp.f32 v2;
	_ =	sdelay $0x3  }
0x18e: {  	s0 =	sshll.u32 s23, $0x4;
	s23 =	sadd.s32 $0x1, s23  }
0x18f: {  	p0 =	sne.s32 s23, $0x20  }
.Ltmp1:
0x190: {  	_ = 	snop;
	(pc) =	sbr.rel @p0 .LBB2_2-.Ltmp1, $3  }
0x191: {  	_ =	sdelay $0x1  }
0x192: {  	s22 =	sadd.s32 $0x200, s22;
	s0 =	sand.u32 $0x3FFFFFF0, s0;
	v2 =	vpop (erf)  }
0x193: {  	s19 =	sadd.s32 $0x200, s19;
	s21 =	sadd.s32 $0x200, s21;
	s20 =	sadd.s32 $0x200, s20;
	[tilespmem:s0+$0x18300] =	vst v2  }
0x194: {  	s18 =	sadd.s32 $0x1, s18  }
0x195: {  	p0 =	sne.s32 s18, s11  }
.Ltmp2:
0x196: {  	_ = 	snop;
	(pc) =	sbr.rel @p0 .LBB2_1-.Ltmp2, $4  }
0x197: {  	[hbm4b:s10+s6] =	stream.linear.scatter [tilespmem:s17], [sflag:$0x1], $0x200, $0x38;
	[tilespmem:$0x18500] =	vst v63  }
0x198: {  	_ =	swait.ge [sflag:s12], $0x200  }
0x199: {  	[sflag:s12] =	ssyncset.done $0x0  }
0x19a: {  	[sflag:s12] =	ssyncadd.s32 $0xFFFFFE00  }
0x19b: {  	_ =	sfence.sel $0x180000  }
0x19c: {  	[bflag:$0x0] =	sbarrier.arrive $0xFFFF  }
0x19d: {  	_ =	strace $0x90000047  }
0x19e: {  	s0 =	stileid.u32;
	[bflag:$0x2] =	sbarrier.arrive $0xFFFF  }
0x19f: {  	p0 =	sne.s32 s0, $0x0;
	s0 =	rddreg [dreg:$0x8]  }
0x1a0: {  	s0 =	sadd.s32 @!p0 $0x100000, s0  }
0x1a1: {  	[sflag:s0] =	ssyncadd.tile.s32 @!p0 $0x1;
	_ =	shalt  }
.Lfunc_end2:
_tile_overlayer_lowered:
.L_overlay_start_2:
0x1a2: {  	(tag) =	ssettag $0x2  }
0x1a3: {  	s0 =	rddreg [dreg:$0x0];
	s2 =	stileid.u32  }
0x1a4: {  	s1 =	rddreg [dreg:$0x1];
	p0 =	sne.s32 s2, $0x0  }
0x1a5: {  	s3 =	rddreg [dreg:$0x2];
	[bflag:$0x3] =	sbarrier.arrive $0xFFFF;
	s2 =	simm.s32 @!p0 $0x1C01  }
0x1a6: {  	[timem:s3], [sflag:s2] =	dma.local @!p0 [hbm:s0], s1  }
0x1a7: {  	s0 =	simm.s32 @!p0 $0x1  }
0x1a8: {  	_ =	swait.ge @!p0 [sflag:s0], s1  }
0x1a9: {  	s1 =	ssub.s32 @!p0 $0x0, s1;
	[sflag:s0] =	ssyncset.done @!p0 $0x0  }
0x1aa: {  	[sflag:s0] =	ssyncadd.s32 @!p0 s1  }
0x1ab: {  	[bflag:$0x3] =	sbarrier.arrive $0xFFFF  }
0x1ac: {  	_ =	shalt  }

</sc_bundles>
